<compile_context>
chip_gen: v7x
topology: tpu7x:2x2x1
jax: 0.10.2.dev20260603
libtpu: 0.0.44.dev20260713+nightly
codegen_flags: <defaults>
</compile_context>

<pallas_src>
import functools

import jax
import jax.numpy as jnp
from jax import lax
from jax.experimental import pallas as pl
from jax.experimental.pallas import tpu as pltpu
from jax.experimental.pallas import tpu_sc as plsc

_L = 16


def _make_lookup(NB, S, V, D, NC, NS):
    NW = NC * NS
    OBW = NB // NW
    JT = OBW // 128
    TI = D // 8
    TJ = NB // 128
    assert NB % (NW * 128) == 0 and D % 8 == 0

    mesh = plsc.VectorSubcoreMesh(core_axis_name="c", subcore_axis_name="s")

    @functools.partial(
        pl.kernel,
        out_type=jax.ShapeDtypeStruct((S, TI, TJ, 8, 128), jnp.float32),
        mesh=mesh,
        scratch_types=[
            pltpu.VMEM((2, OBW), jnp.int32),
            pltpu.VMEM((2, JT, 128), jnp.int32),
            pltpu.VMEM((2, OBW + _L), jnp.int32),
            pltpu.VMEM((2, OBW, D), jnp.float32),
            pltpu.VMEM((2, TI, JT, 8, 128), jnp.float32),
            pltpu.SMEM((2,), jnp.int32),
            pltpu.SemaphoreType.DMA((2,)),
            pltpu.SemaphoreType.DMA((2,)),
            pltpu.SemaphoreType.DMA((2,)),
        ],
        compiler_params=pltpu.CompilerParams(
            use_tc_tiling_on_sc=False, needs_layout_passes=False),
    )
    def lookup(idx_hbm, table_hbm, out_hbm,
               idx_v, safe_v, oov_v, rows_v, trans_v, cnt_sm,
               semi, semg, semo):
        wid = lax.axis_index("s") * NC + lax.axis_index("c")
        lanes = lax.iota(jnp.int32, _L)
        zrow = jnp.zeros((_L,), jnp.float32)

        def stage_a(g):
            par = g % 2
            pltpu.async_copy(idx_hbm.at[g, pl.ds(wid * OBW, OBW)],
                             idx_v.at[par], semi.at[par])

        def stage_b(g):
            par = g % 2
            pltpu.make_async_copy(idx_hbm.at[g, pl.ds(wid * OBW, OBW)],
                                  idx_v.at[par], semi.at[par]).wait()

            def fix(t, cnt):
                v = idx_v[par, pl.ds(t * _L, _L)]
                valid = v < V
                safe_v[par, t // 8, pl.ds((t % 8) * _L, _L)] = (
                    jnp.where(valid, v, 0))
                bad = ~valid
                pos = t * _L + lanes
                bc = jnp.cumsum(jnp.where(bad, 1, 0))
                plsc.store_scatter(oov_v.at[par], [cnt + bc - 1], pos,
                                   mask=bad)
                return cnt + bc[_L - 1]

            cnt_sm[par] = lax.fori_loop(0, OBW // _L, fix, 0)
            for j in range(JT):
                pltpu.async_copy(
                    table_hbm.at[safe_v.at[par, j]],
                    rows_v.at[par, pl.ds(j * 128, 128)],
                    semg.at[par])

        def stage_c(g, first):
            par = g % 2
            cnt = cnt_sm[par]
            for j in range(JT):
                pltpu.make_async_copy(
                    table_hbm.at[safe_v.at[par, j]],
                    rows_v.at[par, pl.ds(j * 128, 128)],
                    semg.at[par]).wait()

            def zero_rows(t, _z):
                lm = (t * _L + lanes) < cnt
                p = oov_v[par, pl.ds(t * _L, _L)]
                p = jnp.where(lm, p, 0)

                def zero_col(c, _c):
                    cc = jnp.full((_L,), c, jnp.int32)
                    plsc.store_scatter(rows_v.at[par], [p, cc], zrow,
                                       mask=lm)
                    return 0

                return lax.fori_loop(0, D, zero_col, 0)

            lax.fori_loop(0, (cnt + _L - 1) // _L, zero_rows, 0)

            @pl.when(~first)
            def _drain():
                for ti in range(TI):
                    pltpu.make_async_copy(
                        trans_v.at[par, ti],
                        out_hbm.at[g, ti, pl.ds(wid * JT, JT)],
                        semo.at[par]).wait()

            @plsc.parallel_loop(0, OBW // _L, unroll=2)
            def _tpose(t):
                bvec = t * _L + lanes
                j = t // 8
                kk = (t % 8) * _L
                for d in range(D):
                    dd = jnp.full((_L,), d, jnp.int32)
                    vals = plsc.load_gather(rows_v.at[par], [bvec, dd])
                    trans_v[par, d // 8, j, d % 8, pl.ds(kk, _L)] = vals

            for ti in range(TI):
                pltpu.async_copy(trans_v.at[par, ti],
                                 out_hbm.at[g, ti, pl.ds(wid * JT, JT)],
                                 semo.at[par])

        stage_a(0)
        stage_a(1)
        stage_b(0)

        def body(g, _):
            @pl.when(g + 2 < S)
            def _a():
                stage_a(g + 2)

            @pl.when(g + 1 < S)
            def _b():
                stage_b(g + 1)

            stage_c(g, g < 2)
            return 0

        lax.fori_loop(0, S, body, 0)

        for g in (S - 2, S - 1):
            par = g % 2
            for ti in range(TI):
                pltpu.make_async_copy(
                    trans_v.at[par, ti],
                    out_hbm.at[g, ti, pl.ds(wid * JT, JT)],
                    semo.at[par]).wait()

    return lookup


def kernel(indices, table):
    V, D = table.shape
    NB, S = indices.shape
    info = plsc.get_sparse_core_info()
    idx_sm = indices.T.astype(jnp.int32)
    lookup = _make_lookup(NB, S, V, D, info.num_cores, info.num_subcores)
    tiles = lookup(idx_sm, table)
    out = tiles.transpose((2, 4, 0, 1, 3)).reshape(NB, S, D)
    return out

# --- scband reference (transcript-rebuilt; emitter-appended) ---
"""Pipeline reference for scband-atomic-embedder-1760936591741 (READ-ONLY COPY).

The authoritative reference and input builder live on the scoring server;
editing this copy changes nothing except your own understanding.
"""

import jax, jax.numpy as jnp
import numpy as np

NUM_EMBEDDINGS = 1000000
EMB_DIM = 32

def setup_inputs(seed: int = 0) -> dict:
    key = jax.random.key(seed)
    k_idx, k_tab = jax.random.split(key)
    # indices drawn from [0, 1050000): values >= NUM_EMBEDDINGS are out-of-vocabulary
    indices = jax.random.randint(k_idx, (16384, 50), 0, 1050000, dtype=jnp.int64)
    table = jax.random.normal(k_tab, (NUM_EMBEDDINGS, EMB_DIM), dtype=jnp.float32)
    return {"indices": indices, "table": table}

def reference(indices, table):
    # AtomicEmbedder: each word (index) is atomic -> plain row gather from the
    # embedding table. Out-of-vocabulary words get a zero embedding vector.
    valid = indices < table.shape[0]
    safe_idx = jnp.where(valid, indices, 0)
    emb = jnp.take(table, safe_idx, axis=0)
    return jnp.where(valid[..., None], emb, jnp.zeros((), dtype=emb.dtype))

if __name__ == "__main__":
    import jax
    _d = setup_inputs()
    print(jax.jit(kernel)(*tuple(_d.values())))

</pallas_src>

<mosaic_0001>
#map = affine_map<(d0, d1) -> (0, 0)>
#map1 = affine_map<(d0, d1) -> (0, 0, 0, 0, 0)>
module attributes {stable_mosaic.version = 14 : i64} {
  func.func @lookup(%arg0: i32, %arg1: i32, %arg2: memref<50x16384xi32, #tpu.memory_space<hbm>>, %arg3: memref<1000000x32xf32, #tpu.memory_space<hbm>>, %arg4: memref<50x4x128x8x128xf32, #tpu.memory_space<hbm>>, %arg5: memref<2x512xi32, #tpu.memory_space<vmem>>, %arg6: memref<2x4x128xi32, #tpu.memory_space<vmem>>, %arg7: memref<2x528xi32, #tpu.memory_space<vmem>>, %arg8: memref<2x512x32xf32, #tpu.memory_space<vmem>>, %arg9: memref<2x4x4x8x128xf32, #tpu.memory_space<vmem>>, %arg10: memref<2xi32, #tpu.memory_space<smem>>, %arg11: memref<2x!tpu.dma_semaphore, #tpu.memory_space<semaphore_mem>>, %arg12: memref<2x!tpu.dma_semaphore, #tpu.memory_space<semaphore_mem>>, %arg13: memref<2x!tpu.dma_semaphore, #tpu.memory_space<semaphore_mem>>) attributes {dimension_semantics = [#tpu.dimension_semantics<core_parallel>, #tpu.dimension_semantics<subcore_parallel>], iteration_bounds = array<i64: 2, 16>, scalar_prefetch = 0 : i64, scratch_operands = 9 : i64, tpu.core_type = #tpu.core_type<sc_vector_subcore>, window_params = [{transform_indices = #map}, {transform_indices = #map}, {transform_indices = #map1}]} {
    %mul3A = arith.constant 2 : i32
    %mul3A_0 = arith.muli %arg1, %mul3A : i32
    %add3A = arith.addi %mul3A_0, %arg0 : i32
    %iota3A = tpu.iota {dimensions = array<i32: 0>} : vector<16xi32>
    %broadcast_in_dim3A = arith.constant 0.000000e+00 : f32
    %broadcast_in_dim3A_1 = vector.broadcast %broadcast_in_dim3A : f32 to vector<16xf32>
    %mul3A_2 = arith.constant 512 : i32
    %mul3A_3 = arith.muli %add3A, %mul3A_2 : i32
    %dma_start3A = arith.constant 0 : i32
    %dma_start3A_4 = arith.constant 0 : i32
    %dma_start3A_5 = arith.constant 0 : i32
    %dma_start3A_6 = arith.constant 0 : i32
    %dma_start3A_7 = tpu.memref_slice %arg5[%dma_start3A_4, %dma_start3A_6] : memref<2x512xi32, #tpu.memory_space<vmem>> -> memref<1x512xi32, #tpu.memory_space<vmem>>
    %dma_start3A_8 = tpu.memref_squeeze %dma_start3A_7 : memref<1x512xi32, #tpu.memory_space<vmem>> -> memref<512xi32, #tpu.memory_space<vmem>>
    %dma_start3A_9 = tpu.memref_slice %arg2[%dma_start3A, %mul3A_3] : memref<50x16384xi32, #tpu.memory_space<hbm>> -> memref<1x512xi32, #tpu.memory_space<hbm>>
    %dma_start3A_10 = tpu.memref_squeeze %dma_start3A_9 : memref<1x512xi32, #tpu.memory_space<hbm>> -> memref<512xi32, #tpu.memory_space<hbm>>
    %dma_start3A_11 = tpu.memref_slice %arg11[%dma_start3A_5] : memref<2x!tpu.dma_semaphore, #tpu.memory_space<semaphore_mem>> -> memref<1x!tpu.dma_semaphore, #tpu.memory_space<semaphore_mem>>
    %dma_start3A_12 = tpu.memref_squeeze %dma_start3A_11 : memref<1x!tpu.dma_semaphore, #tpu.memory_space<semaphore_mem>> -> memref<!tpu.dma_semaphore, #tpu.memory_space<semaphore_mem>>
    %dma_start3A_13 = arith.constant 0 : i32
    %dma_start3A_14 = tpu.memref_slice %arg5[%dma_start3A_4, %dma_start3A_13] : memref<2x512xi32, #tpu.memory_space<vmem>> -> memref<1x512xi32, #tpu.memory_space<vmem>>
    %dma_start3A_15 = tpu.memref_squeeze %dma_start3A_14 : memref<1x512xi32, #tpu.memory_space<vmem>> -> memref<512xi32, #tpu.memory_space<vmem>>
    %dma_start3A_16 = tpu.memref_slice %arg2[%dma_start3A, %mul3A_3] : memref<50x16384xi32, #tpu.memory_space<hbm>> -> memref<1x512xi32, #tpu.memory_space<hbm>>
    %dma_start3A_17 = tpu.memref_squeeze %dma_start3A_16 : memref<1x512xi32, #tpu.memory_space<hbm>> -> memref<512xi32, #tpu.memory_space<hbm>>
    tpu.enqueue_dma source(%dma_start3A_17 : memref<512xi32, #tpu.memory_space<hbm>>) target(%dma_start3A_15 : memref<512xi32, #tpu.memory_space<vmem>>) target_semaphore(%dma_start3A_12 : memref<!tpu.dma_semaphore, #tpu.memory_space<semaphore_mem>>)
    %mul3A_18 = arith.constant 512 : i32
    %mul3A_19 = arith.muli %add3A, %mul3A_18 : i32
    %dma_start3A_20 = arith.constant 1 : i32
    %dma_start3A_21 = arith.constant 1 : i32
    %dma_start3A_22 = arith.constant 1 : i32
    %dma_start3A_23 = arith.constant 0 : i32
    %dma_start3A_24 = tpu.memref_slice %arg5[%dma_start3A_21, %dma_start3A_23] : memref<2x512xi32, #tpu.memory_space<vmem>> -> memref<1x512xi32, #tpu.memory_space<vmem>>
    %dma_start3A_25 = tpu.memref_squeeze %dma_start3A_24 : memref<1x512xi32, #tpu.memory_space<vmem>> -> memref<512xi32, #tpu.memory_space<vmem>>
    %dma_start3A_26 = tpu.memref_slice %arg2[%dma_start3A_20, %mul3A_19] : memref<50x16384xi32, #tpu.memory_space<hbm>> -> memref<1x512xi32, #tpu.memory_space<hbm>>
    %dma_start3A_27 = tpu.memref_squeeze %dma_start3A_26 : memref<1x512xi32, #tpu.memory_space<hbm>> -> memref<512xi32, #tpu.memory_space<hbm>>
    %dma_start3A_28 = tpu.memref_slice %arg11[%dma_start3A_22] : memref<2x!tpu.dma_semaphore, #tpu.memory_space<semaphore_mem>> -> memref<1x!tpu.dma_semaphore, #tpu.memory_space<semaphore_mem>>
    %dma_start3A_29 = tpu.memref_squeeze %dma_start3A_28 : memref<1x!tpu.dma_semaphore, #tpu.memory_space<semaphore_mem>> -> memref<!tpu.dma_semaphore, #tpu.memory_space<semaphore_mem>>
    %dma_start3A_30 = arith.constant 0 : i32
    %dma_start3A_31 = tpu.memref_slice %arg5[%dma_start3A_21, %dma_start3A_30] : memref<2x512xi32, #tpu.memory_space<vmem>> -> memref<1x512xi32, #tpu.memory_space<vmem>>
    %dma_start3A_32 = tpu.memref_squeeze %dma_start3A_31 : memref<1x512xi32, #tpu.memory_space<vmem>> -> memref<512xi32, #tpu.memory_space<vmem>>
    %dma_start3A_33 = tpu.memref_slice %arg2[%dma_start3A_20, %mul3A_19] : memref<50x16384xi32, #tpu.memory_space<hbm>> -> memref<1x512xi32, #tpu.memory_space<hbm>>
    %dma_start3A_34 = tpu.memref_squeeze %dma_start3A_33 : memref<1x512xi32, #tpu.memory_space<hbm>> -> memref<512xi32, #tpu.memory_space<hbm>>
    tpu.enqueue_dma source(%dma_start3A_34 : memref<512xi32, #tpu.memory_space<hbm>>) target(%dma_start3A_32 : memref<512xi32, #tpu.memory_space<vmem>>) target_semaphore(%dma_start3A_29 : memref<!tpu.dma_semaphore, #tpu.memory_space<semaphore_mem>>)
    %mul3A_35 = arith.constant 512 : i32
    %mul3A_36 = arith.muli %add3A, %mul3A_35 : i32
    %dma_wait3A = arith.constant 0 : i32
    %dma_wait3A_37 = arith.constant 0 : i32
    %dma_wait3A_38 = arith.constant 0 : i32
    %dma_wait3A_39 = arith.constant 0 : i32
    %dma_wait3A_40 = tpu.memref_slice %arg5[%dma_wait3A_37, %dma_wait3A_39] : memref<2x512xi32, #tpu.memory_space<vmem>> -> memref<1x512xi32, #tpu.memory_space<vmem>>
    %dma_wait3A_41 = tpu.memref_squeeze %dma_wait3A_40 : memref<1x512xi32, #tpu.memory_space<vmem>> -> memref<512xi32, #tpu.memory_space<vmem>>
    %dma_wait3A_42 = tpu.memref_slice %arg2[%dma_wait3A, %mul3A_36] : memref<50x16384xi32, #tpu.memory_space<hbm>> -> memref<1x512xi32, #tpu.memory_space<hbm>>
    %dma_wait3A_43 = tpu.memref_squeeze %dma_wait3A_42 : memref<1x512xi32, #tpu.memory_space<hbm>> -> memref<512xi32, #tpu.memory_space<hbm>>
    %dma_wait3A_44 = tpu.memref_slice %arg11[%dma_wait3A_38] : memref<2x!tpu.dma_semaphore, #tpu.memory_space<semaphore_mem>> -> memref<1x!tpu.dma_semaphore, #tpu.memory_space<semaphore_mem>>
    %dma_wait3A_45 = tpu.memref_squeeze %dma_wait3A_44 : memref<1x!tpu.dma_semaphore, #tpu.memory_space<semaphore_mem>> -> memref<!tpu.dma_semaphore, #tpu.memory_space<semaphore_mem>>
    %dma_wait3A_46 = arith.constant 0 : i32
    %dma_wait3A_47 = tpu.memref_slice %arg5[%dma_wait3A_37, %dma_wait3A_46] : memref<2x512xi32, #tpu.memory_space<vmem>> -> memref<1x512xi32, #tpu.memory_space<vmem>>
    %dma_wait3A_48 = tpu.memref_squeeze %dma_wait3A_47 : memref<1x512xi32, #tpu.memory_space<vmem>> -> memref<512xi32, #tpu.memory_space<vmem>>
    %dma_wait3A_49 = tpu.memref_slice %arg2[%dma_wait3A, %mul3A_36] : memref<50x16384xi32, #tpu.memory_space<hbm>> -> memref<1x512xi32, #tpu.memory_space<hbm>>
    %dma_wait3A_50 = tpu.memref_squeeze %dma_wait3A_49 : memref<1x512xi32, #tpu.memory_space<hbm>> -> memref<512xi32, #tpu.memory_space<hbm>>
    tpu.wait_dma2 semaphore(%dma_wait3A_45 : memref<!tpu.dma_semaphore, #tpu.memory_space<semaphore_mem>>) src(%dma_wait3A_50 : memref<512xi32, #tpu.memory_space<hbm>>) dst(%dma_wait3A_48 : memref<512xi32, #tpu.memory_space<vmem>>)
    %scan3A = arith.constant 0 : i32
    %scan3A_51 = arith.constant 0 : i32
    %scan3A_52 = arith.constant 32 : i32
    %scan3A_53 = arith.addi %scan3A_51, %scan3A_52 : i32
    %scan3A_54 = arith.constant 1 : i32
    %scan3A_55 = scf.for %scan3A_346 = %scan3A_51 to %scan3A_53 step %scan3A_54 iter_args(%scan3A_347 = %scan3A) -> (i32)  : i32 {
      %mul3A_348 = arith.constant 16 : i32
      %mul3A_349 = arith.muli %scan3A_346, %mul3A_348 : i32
      %get3A = arith.constant 0 : i32
      %get3A_350 = arith.index_cast %get3A : i32 to index
      %get3A_351 = arith.index_cast %mul3A_349 : i32 to index
      %get3A_352 = tpu.vector_load %arg5[%get3A_350, %get3A_351] {strides = array<i32>} : memref<2x512xi32, #tpu.memory_space<vmem>>, vector<16xi32>,
      %lt3A = arith.constant 1000000 : i32
      %lt3A_353 = vector.broadcast %lt3A : i32 to vector<16xi32>
      %lt3A_354 = arith.cmpi slt, %get3A_352, %lt3A_353 : vector<16xi32>
      %jit3A = arith.constant 0 : i32
      %broadcast_in_dim3A_355 = vector.broadcast %jit3A : i32 to vector<16xi32>
      %select_n3A = arith.select %lt3A_354, %get3A_352, %broadcast_in_dim3A_355 : vector<16xi1>, vector<16xi32>
      %jit3A_356 = arith.constant 8 : i32
      %div3A = arith.divsi %scan3A_346, %jit3A_356 : i32
      %sign3A = arith.constant 0 : i32
      %sign3A_357 = arith.cmpi sgt, %scan3A_346, %sign3A : i32
      %sign3A_358 = arith.extui %sign3A_357 : i1 to i32
      %sign3A_359 = arith.constant 0 : i32
      %sign3A_360 = arith.cmpi slt, %scan3A_346, %sign3A_359 : i32
      %sign3A_361 = arith.extui %sign3A_360 : i1 to i32
      %sign3A_362 = arith.subi %sign3A_358, %sign3A_361 : i32
      %sign3A_363 = arith.constant 0 : i32
      %sign3A_364 = arith.cmpi sgt, %jit3A_356, %sign3A_363 : i32
      %sign3A_365 = arith.extui %sign3A_364 : i1 to i32
      %sign3A_366 = arith.constant 0 : i32
      %sign3A_367 = arith.cmpi slt, %jit3A_356, %sign3A_366 : i32
      %sign3A_368 = arith.extui %sign3A_367 : i1 to i32
      %sign3A_369 = arith.subi %sign3A_365, %sign3A_368 : i32
      %ne3A = arith.cmpi ne, %sign3A_362, %sign3A_369 : i32
      %rem3A = arith.remsi %scan3A_346, %jit3A_356 : i32
      %ne3A_370 = arith.constant 0 : i32
      %ne3A_371 = arith.cmpi ne, %rem3A, %ne3A_370 : i32
      %and3A = arith.andi %ne3A, %ne3A_371 : i1
      %sub3A = arith.constant 1 : i32
      %sub3A_372 = arith.subi %div3A, %sub3A : i32
      %select_n3A_373 = arith.select %and3A, %sub3A_372, %div3A : i32
      %jit3A_374 = arith.constant 8 : i32
      %eq3A = arith.constant 0 : i32
      %eq3A_375 = arith.cmpi eq, %jit3A_374, %eq3A : i32
      %jit3A_376 = arith.constant 1 : i32
      %select_n3A_377 = arith.select %eq3A_375, %jit3A_376, %jit3A_374 : i32
      %rem3A_378 = arith.remsi %scan3A_346, %select_n3A_377 : i32
      %ne3A_379 = arith.constant 0 : i32
      %ne3A_380 = arith.cmpi ne, %rem3A_378, %ne3A_379 : i32
      %lt3A_381 = arith.constant 0 : i32
      %lt3A_382 = arith.cmpi slt, %rem3A_378, %lt3A_381 : i32
      %lt3A_383 = arith.constant 0 : i32
      %lt3A_384 = arith.cmpi slt, %select_n3A_377, %lt3A_383 : i32
      %ne3A_385 = arith.xori %lt3A_382, %lt3A_384 : i1
      %and3A_386 = arith.andi %ne3A_385, %ne3A_380 : i1
      %add3A_387 = arith.addi %rem3A_378, %select_n3A_377 : i32
      %select_n3A_388 = arith.select %and3A_386, %add3A_387, %rem3A_378 : i32
      %mul3A_389 = arith.constant 16 : i32
      %mul3A_390 = arith.muli %select_n3A_388, %mul3A_389 : i32
      %swap3A_391 = arith.constant 0 : i32
      %swap3A_392 = arith.index_cast %swap3A_391 : i32 to index
      %swap3A_393 = arith.index_cast %select_n3A_373 : i32 to index
      %swap3A_394 = arith.index_cast %mul3A_390 : i32 to index
      %swap3A_395 = tpu.vector_load %arg6[%swap3A_392, %swap3A_393, %swap3A_394] {strides = array<i32>} : memref<2x4x128xi32, #tpu.memory_space<vmem>>, vector<16xi32>,
      tpu.vector_store %arg6[%swap3A_392, %swap3A_393, %swap3A_394], %select_n3A {strides = array<i32>} : memref<2x4x128xi32, #tpu.memory_space<vmem>>, vector<16xi32>,
      %not3A = arith.constant dense<true> : vector<16xi1>
      %not3A_396 = arith.xori %lt3A_354, %not3A : vector<16xi1>
      %mul3A_397 = arith.constant 16 : i32
      %mul3A_398 = arith.muli %scan3A_346, %mul3A_397 : i32
      %add3A_399 = vector.broadcast %mul3A_398 : i32 to vector<16xi32>
      %add3A_400 = arith.addi %add3A_399, %iota3A : vector<16xi32>
      %jit3A_401 = arith.constant 1 : i32
      %jit3A_402 = arith.constant 0 : i32
      %broadcast_in_dim3A_403 = vector.broadcast %jit3A_401 : i32 to vector<16xi32>
      %broadcast_in_dim3A_404 = vector.broadcast %jit3A_402 : i32 to vector<16xi32>
      %select_n3A_405 = arith.select %not3A_396, %broadcast_in_dim3A_403, %broadcast_in_dim3A_404 : vector<16xi1>, vector<16xi32>
      %cumsum3A = arith.constant true
      %cumsum3A_406 = vector.broadcast %cumsum3A : i1 to vector<16xi1>
      %cumsum3A_407 = tpu.scan <sum>, %select_n3A_405 masked %cumsum3A_406 : vector<16xi32>, vector<16xi1> -> vector<16xi32>
      %add3A_408 = vector.broadcast %scan3A_347 : i32 to vector<16xi32>
      %add3A_409 = arith.addi %add3A_408, %cumsum3A_407 : vector<16xi32>
      %sub3A_410 = arith.constant 1 : i32
      %sub3A_411 = vector.broadcast %sub3A_410 : i32 to vector<16xi32>
      %sub3A_412 = arith.subi %add3A_409, %sub3A_411 : vector<16xi32>
      %scatter3A = arith.constant 0 : i32
      %scatter3A_413 = arith.constant 0 : i32
      %scatter3A_414 = tpu.memref_slice %arg7[%scatter3A, %scatter3A_413] : memref<2x528xi32, #tpu.memory_space<vmem>> -> memref<1x528xi32, #tpu.memory_space<vmem>>
      %scatter3A_415 = tpu.memref_squeeze %scatter3A_414 : memref<1x528xi32, #tpu.memory_space<vmem>> -> memref<528xi32, #tpu.memory_space<vmem>>
      tpu.vector_store_idx %scatter3A_415[%sub3A_412], %add3A_400 masked %not3A_396 : memref<528xi32, #tpu.memory_space<vmem>>[vector<16xi32>], vector<16xi32>, vector<16xi1>
      %slice3A = vector.extract_strided_slice %cumsum3A_407 {offsets = [15], sizes = [1], strides = [1]} : vector<16xi32> to vector<1xi32>
      %squeeze3A = vector.extract %slice3A[0] : i32 from vector<1xi32>
      %add3A_416 = arith.addi %scan3A_347, %squeeze3A : i32
      scf.yield %add3A_416 : i32
    }
    %scan3A_56 = arith.constant 32 : i32
    %swap3A = arith.constant 0 : i32
    %swap3A_57 = arith.index_cast %swap3A : i32 to index
    %swap3A_58 = memref.load %arg10[%swap3A_57] : memref<2xi32, #tpu.memory_space<smem>>
    memref.store %scan3A_55, %arg10[%swap3A_57] : memref<2xi32, #tpu.memory_space<smem>>
    %dma_start3A_59 = arith.constant 0 : i32
    %dma_start3A_60 = arith.constant 0 : i32
    %dma_start3A_61 = arith.constant 0 : i32
    %dma_start3A_62 = arith.constant 0 : i32
    %dma_start3A_63 = arith.constant 0 : i32
    %dma_start3A_64 = arith.constant 0 : i32
    %dma_start3A_65 = tpu.memref_slice %arg8[%dma_start3A_61, %dma_start3A_63, %dma_start3A_64] : memref<2x512x32xf32, #tpu.memory_space<vmem>> -> memref<1x128x32xf32, #tpu.memory_space<vmem>>
    %dma_start3A_66 = tpu.memref_squeeze %dma_start3A_65 : memref<1x128x32xf32, #tpu.memory_space<vmem>> -> memref<128x32xf32, #tpu.memory_space<vmem>>
    %dma_start3A_67 = arith.constant 0 : i32
    %dma_start3A_68 = tpu.memref_slice %arg6[%dma_start3A_59, %dma_start3A_60, %dma_start3A_67] : memref<2x4x128xi32, #tpu.memory_space<vmem>> -> memref<1x1x128xi32, #tpu.memory_space<vmem>>
    %dma_start3A_69 = tpu.memref_squeeze %dma_start3A_68 : memref<1x1x128xi32, #tpu.memory_space<vmem>> -> memref<128xi32, #tpu.memory_space<vmem>>
    %dma_start3A_70 = arith.constant 0 : i32
    %dma_start3A_71 = arith.constant 0 : i32
    %dma_start3A_72 = tpu.memref_slice %arg3[%dma_start3A_70, %dma_start3A_71] : memref<1000000x32xf32, #tpu.memory_space<hbm>> -> memref<1000000x32xf32, #tpu.memory_space<hbm>>
    %dma_start3A_73 = tpu.memref_slice %arg12[%dma_start3A_62] : memref<2x!tpu.dma_semaphore, #tpu.memory_space<semaphore_mem>> -> memref<1x!tpu.dma_semaphore, #tpu.memory_space<semaphore_mem>>
    %dma_start3A_74 = tpu.memref_squeeze %dma_start3A_73 : memref<1x!tpu.dma_semaphore, #tpu.memory_space<semaphore_mem>> -> memref<!tpu.dma_semaphore, #tpu.memory_space<semaphore_mem>>
    tpu.enqueue_indirect_dma source(%dma_start3A_72 : memref<1000000x32xf32, #tpu.memory_space<hbm>>) target(%dma_start3A_66 : memref<128x32xf32, #tpu.memory_space<vmem>>) offsets(%dma_start3A_69 : memref<128xi32, #tpu.memory_space<vmem>>) semaphore(%dma_start3A_74 : memref<!tpu.dma_semaphore, #tpu.memory_space<semaphore_mem>>)
    %dma_start3A_75 = arith.constant 0 : i32
    %dma_start3A_76 = arith.constant 1 : i32
    %dma_start3A_77 = arith.constant 0 : i32
    %dma_start3A_78 = arith.constant 0 : i32
    %dma_start3A_79 = arith.constant 128 : i32
    %dma_start3A_80 = arith.constant 0 : i32
    %dma_start3A_81 = tpu.memref_slice %arg8[%dma_start3A_77, %dma_start3A_79, %dma_start3A_80] : memref<2x512x32xf32, #tpu.memory_space<vmem>> -> memref<1x128x32xf32, #tpu.memory_space<vmem>>
    %dma_start3A_82 = tpu.memref_squeeze %dma_start3A_81 : memref<1x128x32xf32, #tpu.memory_space<vmem>> -> memref<128x32xf32, #tpu.memory_space<vmem>>
    %dma_start3A_83 = arith.constant 0 : i32
    %dma_start3A_84 = tpu.memref_slice %arg6[%dma_start3A_75, %dma_start3A_76, %dma_start3A_83] : memref<2x4x128xi32, #tpu.memory_space<vmem>> -> memref<1x1x128xi32, #tpu.memory_space<vmem>>
    %dma_start3A_85 = tpu.memref_squeeze %dma_start3A_84 : memref<1x1x128xi32, #tpu.memory_space<vmem>> -> memref<128xi32, #tpu.memory_space<vmem>>
    %dma_start3A_86 = arith.constant 0 : i32
    %dma_start3A_87 = arith.constant 0 : i32
    %dma_start3A_88 = tpu.memref_slice %arg3[%dma_start3A_86, %dma_start3A_87] : memref<1000000x32xf32, #tpu.memory_space<hbm>> -> memref<1000000x32xf32, #tpu.memory_space<hbm>>
    %dma_start3A_89 = tpu.memref_slice %arg12[%dma_start3A_78] : memref<2x!tpu.dma_semaphore, #tpu.memory_space<semaphore_mem>> -> memref<1x!tpu.dma_semaphore, #tpu.memory_space<semaphore_mem>>
    %dma_start3A_90 = tpu.memref_squeeze %dma_start3A_89 : memref<1x!tpu.dma_semaphore, #tpu.memory_space<semaphore_mem>> -> memref<!tpu.dma_semaphore, #tpu.memory_space<semaphore_mem>>
    tpu.enqueue_indirect_dma source(%dma_start3A_88 : memref<1000000x32xf32, #tpu.memory_space<hbm>>) target(%dma_start3A_82 : memref<128x32xf32, #tpu.memory_space<vmem>>) offsets(%dma_start3A_85 : memref<128xi32, #tpu.memory_space<vmem>>) semaphore(%dma_start3A_90 : memref<!tpu.dma_semaphore, #tpu.memory_space<semaphore_mem>>)
    %dma_start3A_91 = arith.constant 0 : i32
    %dma_start3A_92 = arith.constant 2 : i32
    %dma_start3A_93 = arith.constant 0 : i32
    %dma_start3A_94 = arith.constant 0 : i32
    %dma_start3A_95 = arith.constant 256 : i32
    %dma_start3A_96 = arith.constant 0 : i32
    %dma_start3A_97 = tpu.memref_slice %arg8[%dma_start3A_93, %dma_start3A_95, %dma_start3A_96] : memref<2x512x32xf32, #tpu.memory_space<vmem>> -> memref<1x128x32xf32, #tpu.memory_space<vmem>>
    %dma_start3A_98 = tpu.memref_squeeze %dma_start3A_97 : memref<1x128x32xf32, #tpu.memory_space<vmem>> -> memref<128x32xf32, #tpu.memory_space<vmem>>
    %dma_start3A_99 = arith.constant 0 : i32
    %dma_start3A_100 = tpu.memref_slice %arg6[%dma_start3A_91, %dma_start3A_92, %dma_start3A_99] : memref<2x4x128xi32, #tpu.memory_space<vmem>> -> memref<1x1x128xi32, #tpu.memory_space<vmem>>
    %dma_start3A_101 = tpu.memref_squeeze %dma_start3A_100 : memref<1x1x128xi32, #tpu.memory_space<vmem>> -> memref<128xi32, #tpu.memory_space<vmem>>
    %dma_start3A_102 = arith.constant 0 : i32
    %dma_start3A_103 = arith.constant 0 : i32
    %dma_start3A_104 = tpu.memref_slice %arg3[%dma_start3A_102, %dma_start3A_103] : memref<1000000x32xf32, #tpu.memory_space<hbm>> -> memref<1000000x32xf32, #tpu.memory_space<hbm>>
    %dma_start3A_105 = tpu.memref_slice %arg12[%dma_start3A_94] : memref<2x!tpu.dma_semaphore, #tpu.memory_space<semaphore_mem>> -> memref<1x!tpu.dma_semaphore, #tpu.memory_space<semaphore_mem>>
    %dma_start3A_106 = tpu.memref_squeeze %dma_start3A_105 : memref<1x!tpu.dma_semaphore, #tpu.memory_space<semaphore_mem>> -> memref<!tpu.dma_semaphore, #tpu.memory_space<semaphore_mem>>
    tpu.enqueue_indirect_dma source(%dma_start3A_104 : memref<1000000x32xf32, #tpu.memory_space<hbm>>) target(%dma_start3A_98 : memref<128x32xf32, #tpu.memory_space<vmem>>) offsets(%dma_start3A_101 : memref<128xi32, #tpu.memory_space<vmem>>) semaphore(%dma_start3A_106 : memref<!tpu.dma_semaphore, #tpu.memory_space<semaphore_mem>>)
    %dma_start3A_107 = arith.constant 0 : i32
    %dma_start3A_108 = arith.constant 3 : i32
    %dma_start3A_109 = arith.constant 0 : i32
    %dma_start3A_110 = arith.constant 0 : i32
    %dma_start3A_111 = arith.constant 384 : i32
    %dma_start3A_112 = arith.constant 0 : i32
    %dma_start3A_113 = tpu.memref_slice %arg8[%dma_start3A_109, %dma_start3A_111, %dma_start3A_112] : memref<2x512x32xf32, #tpu.memory_space<vmem>> -> memref<1x128x32xf32, #tpu.memory_space<vmem>>
    %dma_start3A_114 = tpu.memref_squeeze %dma_start3A_113 : memref<1x128x32xf32, #tpu.memory_space<vmem>> -> memref<128x32xf32, #tpu.memory_space<vmem>>
    %dma_start3A_115 = arith.constant 0 : i32
    %dma_start3A_116 = tpu.memref_slice %arg6[%dma_start3A_107, %dma_start3A_108, %dma_start3A_115] : memref<2x4x128xi32, #tpu.memory_space<vmem>> -> memref<1x1x128xi32, #tpu.memory_space<vmem>>
    %dma_start3A_117 = tpu.memref_squeeze %dma_start3A_116 : memref<1x1x128xi32, #tpu.memory_space<vmem>> -> memref<128xi32, #tpu.memory_space<vmem>>
    %dma_start3A_118 = arith.constant 0 : i32
    %dma_start3A_119 = arith.constant 0 : i32
    %dma_start3A_120 = tpu.memref_slice %arg3[%dma_start3A_118, %dma_start3A_119] : memref<1000000x32xf32, #tpu.memory_space<hbm>> -> memref<1000000x32xf32, #tpu.memory_space<hbm>>
    %dma_start3A_121 = tpu.memref_slice %arg12[%dma_start3A_110] : memref<2x!tpu.dma_semaphore, #tpu.memory_space<semaphore_mem>> -> memref<1x!tpu.dma_semaphore, #tpu.memory_space<semaphore_mem>>
    %dma_start3A_122 = tpu.memref_squeeze %dma_start3A_121 : memref<1x!tpu.dma_semaphore, #tpu.memory_space<semaphore_mem>> -> memref<!tpu.dma_semaphore, #tpu.memory_space<semaphore_mem>>
    tpu.enqueue_indirect_dma source(%dma_start3A_120 : memref<1000000x32xf32, #tpu.memory_space<hbm>>) target(%dma_start3A_114 : memref<128x32xf32, #tpu.memory_space<vmem>>) offsets(%dma_start3A_117 : memref<128xi32, #tpu.memory_space<vmem>>) semaphore(%dma_start3A_122 : memref<!tpu.dma_semaphore, #tpu.memory_space<semaphore_mem>>)
    %scan3A_123 = arith.constant 0 : i32
    %scan3A_124 = arith.constant 0 : i32
    %scan3A_125 = arith.constant 50 : i32
    %scan3A_126 = arith.addi %scan3A_124, %scan3A_125 : i32
    %scan3A_127 = arith.constant 1 : i32
    %scan3A_128 = scf.for %scan3A_346 = %scan3A_124 to %scan3A_126 step %scan3A_127 iter_args(%scan3A_347 = %scan3A_123) -> (i32)  : i32 {
      %add3A_348 = arith.constant 2 : i32
      %add3A_349 = arith.addi %scan3A_346, %add3A_348 : i32
      %lt3A = arith.constant 50 : i32
      %lt3A_350 = arith.cmpi slt, %add3A_349, %lt3A : i32
      %convert_element_type3A = arith.extui %lt3A_350 : i1 to i32
      %cond3A = arith.constant 0 : i32
      %cond3A_351 = arith.cmpi ne, %convert_element_type3A, %cond3A : i32
      scf.if %cond3A_351 {
        %add3A_563 = arith.constant 2 : i32
        %add3A_564 = arith.addi %scan3A_346, %add3A_563 : i32
        %jit3A_565 = arith.constant 2 : i32
        %eq3A_566 = arith.constant 0 : i32
        %eq3A_567 = arith.cmpi eq, %jit3A_565, %eq3A_566 : i32
        %jit3A_568 = arith.constant 1 : i32
        %select_n3A_569 = arith.select %eq3A_567, %jit3A_568, %jit3A_565 : i32
        %rem3A_570 = arith.remsi %add3A_564, %select_n3A_569 : i32
        %ne3A_571 = arith.constant 0 : i32
        %ne3A_572 = arith.cmpi ne, %rem3A_570, %ne3A_571 : i32
        %lt3A_573 = arith.constant 0 : i32
        %lt3A_574 = arith.cmpi slt, %rem3A_570, %lt3A_573 : i32
        %lt3A_575 = arith.constant 0 : i32
        %lt3A_576 = arith.cmpi slt, %select_n3A_569, %lt3A_575 : i32
        %ne3A_577 = arith.xori %lt3A_574, %lt3A_576 : i1
        %and3A_578 = arith.andi %ne3A_577, %ne3A_572 : i1
        %add3A_579 = arith.addi %rem3A_570, %select_n3A_569 : i32
        %select_n3A_580 = arith.select %and3A_578, %add3A_579, %rem3A_570 : i32
        %mul3A_581 = arith.constant 512 : i32
        %mul3A_582 = arith.muli %add3A, %mul3A_581 : i32
        %dma_start3A_583 = arith.constant 0 : i32
        %dma_start3A_584 = tpu.memref_slice %arg5[%select_n3A_580, %dma_start3A_583] : memref<2x512xi32, #tpu.memory_space<vmem>> -> memref<1x512xi32, #tpu.memory_space<vmem>>
        %dma_start3A_585 = tpu.memref_squeeze %dma_start3A_584 : memref<1x512xi32, #tpu.memory_space<vmem>> -> memref<512xi32, #tpu.memory_space<vmem>>
        %dma_start3A_586 = tpu.memref_slice %arg2[%add3A_564, %mul3A_582] : memref<50x16384xi32, #tpu.memory_space<hbm>> -> memref<1x512xi32, #tpu.memory_space<hbm>>
        %dma_start3A_587 = tpu.memref_squeeze %dma_start3A_586 : memref<1x512xi32, #tpu.memory_space<hbm>> -> memref<512xi32, #tpu.memory_space<hbm>>
        %dma_start3A_588 = tpu.memref_slice %arg11[%select_n3A_580] : memref<2x!tpu.dma_semaphore, #tpu.memory_space<semaphore_mem>> -> memref<1x!tpu.dma_semaphore, #tpu.memory_space<semaphore_mem>>
        %dma_start3A_589 = tpu.memref_squeeze %dma_start3A_588 : memref<1x!tpu.dma_semaphore, #tpu.memory_space<semaphore_mem>> -> memref<!tpu.dma_semaphore, #tpu.memory_space<semaphore_mem>>
        %dma_start3A_590 = arith.constant 0 : i32
        %dma_start3A_591 = tpu.memref_slice %arg5[%select_n3A_580, %dma_start3A_590] : memref<2x512xi32, #tpu.memory_space<vmem>> -> memref<1x512xi32, #tpu.memory_space<vmem>>
        %dma_start3A_592 = tpu.memref_squeeze %dma_start3A_591 : memref<1x512xi32, #tpu.memory_space<vmem>> -> memref<512xi32, #tpu.memory_space<vmem>>
        %dma_start3A_593 = tpu.memref_slice %arg2[%add3A_564, %mul3A_582] : memref<50x16384xi32, #tpu.memory_space<hbm>> -> memref<1x512xi32, #tpu.memory_space<hbm>>
        %dma_start3A_594 = tpu.memref_squeeze %dma_start3A_593 : memref<1x512xi32, #tpu.memory_space<hbm>> -> memref<512xi32, #tpu.memory_space<hbm>>
        tpu.enqueue_dma source(%dma_start3A_594 : memref<512xi32, #tpu.memory_space<hbm>>) target(%dma_start3A_592 : memref<512xi32, #tpu.memory_space<vmem>>) target_semaphore(%dma_start3A_589 : memref<!tpu.dma_semaphore, #tpu.memory_space<semaphore_mem>>)
      } else {
      }
      %add3A_352 = arith.constant 1 : i32
      %add3A_353 = arith.addi %scan3A_346, %add3A_352 : i32
      %lt3A_354 = arith.constant 50 : i32
      %lt3A_355 = arith.cmpi slt, %add3A_353, %lt3A_354 : i32
      %convert_element_type3A_356 = arith.extui %lt3A_355 : i1 to i32
      %cond3A_357 = arith.constant 0 : i32
      %cond3A_358 = arith.cmpi ne, %convert_element_type3A_356, %cond3A_357 : i32
      scf.if %cond3A_358 {
        %add3A_563 = arith.constant 1 : i32
        %add3A_564 = arith.addi %scan3A_346, %add3A_563 : i32
        %jit3A_565 = arith.constant 2 : i32
        %eq3A_566 = arith.constant 0 : i32
        %eq3A_567 = arith.cmpi eq, %jit3A_565, %eq3A_566 : i32
        %jit3A_568 = arith.constant 1 : i32
        %select_n3A_569 = arith.select %eq3A_567, %jit3A_568, %jit3A_565 : i32
        %rem3A_570 = arith.remsi %add3A_564, %select_n3A_569 : i32
        %ne3A_571 = arith.constant 0 : i32
        %ne3A_572 = arith.cmpi ne, %rem3A_570, %ne3A_571 : i32
        %lt3A_573 = arith.constant 0 : i32
        %lt3A_574 = arith.cmpi slt, %rem3A_570, %lt3A_573 : i32
        %lt3A_575 = arith.constant 0 : i32
        %lt3A_576 = arith.cmpi slt, %select_n3A_569, %lt3A_575 : i32
        %ne3A_577 = arith.xori %lt3A_574, %lt3A_576 : i1
        %and3A_578 = arith.andi %ne3A_577, %ne3A_572 : i1
        %add3A_579 = arith.addi %rem3A_570, %select_n3A_569 : i32
        %select_n3A_580 = arith.select %and3A_578, %add3A_579, %rem3A_570 : i32
        %mul3A_581 = arith.constant 512 : i32
        %mul3A_582 = arith.muli %add3A, %mul3A_581 : i32
        %dma_wait3A_583 = arith.constant 0 : i32
        %dma_wait3A_584 = tpu.memref_slice %arg5[%select_n3A_580, %dma_wait3A_583] : memref<2x512xi32, #tpu.memory_space<vmem>> -> memref<1x512xi32, #tpu.memory_space<vmem>>
        %dma_wait3A_585 = tpu.memref_squeeze %dma_wait3A_584 : memref<1x512xi32, #tpu.memory_space<vmem>> -> memref<512xi32, #tpu.memory_space<vmem>>
        %dma_wait3A_586 = tpu.memref_slice %arg2[%add3A_564, %mul3A_582] : memref<50x16384xi32, #tpu.memory_space<hbm>> -> memref<1x512xi32, #tpu.memory_space<hbm>>
        %dma_wait3A_587 = tpu.memref_squeeze %dma_wait3A_586 : memref<1x512xi32, #tpu.memory_space<hbm>> -> memref<512xi32, #tpu.memory_space<hbm>>
        %dma_wait3A_588 = tpu.memref_slice %arg11[%select_n3A_580] : memref<2x!tpu.dma_semaphore, #tpu.memory_space<semaphore_mem>> -> memref<1x!tpu.dma_semaphore, #tpu.memory_space<semaphore_mem>>
        %dma_wait3A_589 = tpu.memref_squeeze %dma_wait3A_588 : memref<1x!tpu.dma_semaphore, #tpu.memory_space<semaphore_mem>> -> memref<!tpu.dma_semaphore, #tpu.memory_space<semaphore_mem>>
        %dma_wait3A_590 = arith.constant 0 : i32
        %dma_wait3A_591 = tpu.memref_slice %arg5[%select_n3A_580, %dma_wait3A_590] : memref<2x512xi32, #tpu.memory_space<vmem>> -> memref<1x512xi32, #tpu.memory_space<vmem>>
        %dma_wait3A_592 = tpu.memref_squeeze %dma_wait3A_591 : memref<1x512xi32, #tpu.memory_space<vmem>> -> memref<512xi32, #tpu.memory_space<vmem>>
        %dma_wait3A_593 = tpu.memref_slice %arg2[%add3A_564, %mul3A_582] : memref<50x16384xi32, #tpu.memory_space<hbm>> -> memref<1x512xi32, #tpu.memory_space<hbm>>
        %dma_wait3A_594 = tpu.memref_squeeze %dma_wait3A_593 : memref<1x512xi32, #tpu.memory_space<hbm>> -> memref<512xi32, #tpu.memory_space<hbm>>
        tpu.wait_dma2 semaphore(%dma_wait3A_589 : memref<!tpu.dma_semaphore, #tpu.memory_space<semaphore_mem>>) src(%dma_wait3A_594 : memref<512xi32, #tpu.memory_space<hbm>>) dst(%dma_wait3A_592 : memref<512xi32, #tpu.memory_space<vmem>>)
        %scan3A_595 = arith.constant 0 : i32
        %scan3A_596 = arith.constant 0 : i32
        %scan3A_597 = arith.constant 32 : i32
        %scan3A_598 = arith.addi %scan3A_596, %scan3A_597 : i32
        %scan3A_599 = arith.constant 1 : i32
        %scan3A_600 = scf.for %scan3A_656 = %scan3A_596 to %scan3A_598 step %scan3A_599 iter_args(%scan3A_657 = %scan3A_595) -> (i32)  : i32 {
          %mul3A_658 = arith.constant 16 : i32
          %mul3A_659 = arith.muli %scan3A_656, %mul3A_658 : i32
          %get3A_660 = arith.index_cast %select_n3A_580 : i32 to index
          %get3A_661 = arith.index_cast %mul3A_659 : i32 to index
          %get3A_662 = tpu.vector_load %arg5[%get3A_660, %get3A_661] {strides = array<i32>} : memref<2x512xi32, #tpu.memory_space<vmem>>, vector<16xi32>,
          %lt3A_663 = arith.constant 1000000 : i32
          %lt3A_664 = vector.broadcast %lt3A_663 : i32 to vector<16xi32>
          %lt3A_665 = arith.cmpi slt, %get3A_662, %lt3A_664 : vector<16xi32>
          %jit3A_666 = arith.constant 0 : i32
          %broadcast_in_dim3A_667 = vector.broadcast %jit3A_666 : i32 to vector<16xi32>
          %select_n3A_668 = arith.select %lt3A_665, %get3A_662, %broadcast_in_dim3A_667 : vector<16xi1>, vector<16xi32>
          %jit3A_669 = arith.constant 8 : i32
          %div3A_670 = arith.divsi %scan3A_656, %jit3A_669 : i32
          %sign3A_671 = arith.constant 0 : i32
          %sign3A_672 = arith.cmpi sgt, %scan3A_656, %sign3A_671 : i32
          %sign3A_673 = arith.extui %sign3A_672 : i1 to i32
          %sign3A_674 = arith.constant 0 : i32
          %sign3A_675 = arith.cmpi slt, %scan3A_656, %sign3A_674 : i32
          %sign3A_676 = arith.extui %sign3A_675 : i1 to i32
          %sign3A_677 = arith.subi %sign3A_673, %sign3A_676 : i32
          %sign3A_678 = arith.constant 0 : i32
          %sign3A_679 = arith.cmpi sgt, %jit3A_669, %sign3A_678 : i32
          %sign3A_680 = arith.extui %sign3A_679 : i1 to i32
          %sign3A_681 = arith.constant 0 : i32
          %sign3A_682 = arith.cmpi slt, %jit3A_669, %sign3A_681 : i32
          %sign3A_683 = arith.extui %sign3A_682 : i1 to i32
          %sign3A_684 = arith.subi %sign3A_680, %sign3A_683 : i32
          %ne3A_685 = arith.cmpi ne, %sign3A_677, %sign3A_684 : i32
          %rem3A_686 = arith.remsi %scan3A_656, %jit3A_669 : i32
          %ne3A_687 = arith.constant 0 : i32
          %ne3A_688 = arith.cmpi ne, %rem3A_686, %ne3A_687 : i32
          %and3A_689 = arith.andi %ne3A_685, %ne3A_688 : i1
          %sub3A_690 = arith.constant 1 : i32
          %sub3A_691 = arith.subi %div3A_670, %sub3A_690 : i32
          %select_n3A_692 = arith.select %and3A_689, %sub3A_691, %div3A_670 : i32
          %jit3A_693 = arith.constant 8 : i32
          %eq3A_694 = arith.constant 0 : i32
          %eq3A_695 = arith.cmpi eq, %jit3A_693, %eq3A_694 : i32
          %jit3A_696 = arith.constant 1 : i32
          %select_n3A_697 = arith.select %eq3A_695, %jit3A_696, %jit3A_693 : i32
          %rem3A_698 = arith.remsi %scan3A_656, %select_n3A_697 : i32
          %ne3A_699 = arith.constant 0 : i32
          %ne3A_700 = arith.cmpi ne, %rem3A_698, %ne3A_699 : i32
          %lt3A_701 = arith.constant 0 : i32
          %lt3A_702 = arith.cmpi slt, %rem3A_698, %lt3A_701 : i32
          %lt3A_703 = arith.constant 0 : i32
          %lt3A_704 = arith.cmpi slt, %select_n3A_697, %lt3A_703 : i32
          %ne3A_705 = arith.xori %lt3A_702, %lt3A_704 : i1
          %and3A_706 = arith.andi %ne3A_705, %ne3A_700 : i1
          %add3A_707 = arith.addi %rem3A_698, %select_n3A_697 : i32
          %select_n3A_708 = arith.select %and3A_706, %add3A_707, %rem3A_698 : i32
          %mul3A_709 = arith.constant 16 : i32
          %mul3A_710 = arith.muli %select_n3A_708, %mul3A_709 : i32
          %swap3A_711 = arith.index_cast %select_n3A_580 : i32 to index
          %swap3A_712 = arith.index_cast %select_n3A_692 : i32 to index
          %swap3A_713 = arith.index_cast %mul3A_710 : i32 to index
          %swap3A_714 = tpu.vector_load %arg6[%swap3A_711, %swap3A_712, %swap3A_713] {strides = array<i32>} : memref<2x4x128xi32, #tpu.memory_space<vmem>>, vector<16xi32>,
          tpu.vector_store %arg6[%swap3A_711, %swap3A_712, %swap3A_713], %select_n3A_668 {strides = array<i32>} : memref<2x4x128xi32, #tpu.memory_space<vmem>>, vector<16xi32>,
          %not3A_715 = arith.constant dense<true> : vector<16xi1>
          %not3A_716 = arith.xori %lt3A_665, %not3A_715 : vector<16xi1>
          %mul3A_717 = arith.constant 16 : i32
          %mul3A_718 = arith.muli %scan3A_656, %mul3A_717 : i32
          %add3A_719 = vector.broadcast %mul3A_718 : i32 to vector<16xi32>
          %add3A_720 = arith.addi %add3A_719, %iota3A : vector<16xi32>
          %jit3A_721 = arith.constant 1 : i32
          %jit3A_722 = arith.constant 0 : i32
          %broadcast_in_dim3A_723 = vector.broadcast %jit3A_721 : i32 to vector<16xi32>
          %broadcast_in_dim3A_724 = vector.broadcast %jit3A_722 : i32 to vector<16xi32>
          %select_n3A_725 = arith.select %not3A_716, %broadcast_in_dim3A_723, %broadcast_in_dim3A_724 : vector<16xi1>, vector<16xi32>
          %cumsum3A = arith.constant true
          %cumsum3A_726 = vector.broadcast %cumsum3A : i1 to vector<16xi1>
          %cumsum3A_727 = tpu.scan <sum>, %select_n3A_725 masked %cumsum3A_726 : vector<16xi32>, vector<16xi1> -> vector<16xi32>
          %add3A_728 = vector.broadcast %scan3A_657 : i32 to vector<16xi32>
          %add3A_729 = arith.addi %add3A_728, %cumsum3A_727 : vector<16xi32>
          %sub3A_730 = arith.constant 1 : i32
          %sub3A_731 = vector.broadcast %sub3A_730 : i32 to vector<16xi32>
          %sub3A_732 = arith.subi %add3A_729, %sub3A_731 : vector<16xi32>
          %scatter3A = arith.constant 0 : i32
          %scatter3A_733 = tpu.memref_slice %arg7[%select_n3A_580, %scatter3A] : memref<2x528xi32, #tpu.memory_space<vmem>> -> memref<1x528xi32, #tpu.memory_space<vmem>>
          %scatter3A_734 = tpu.memref_squeeze %scatter3A_733 : memref<1x528xi32, #tpu.memory_space<vmem>> -> memref<528xi32, #tpu.memory_space<vmem>>
          tpu.vector_store_idx %scatter3A_734[%sub3A_732], %add3A_720 masked %not3A_716 : memref<528xi32, #tpu.memory_space<vmem>>[vector<16xi32>], vector<16xi32>, vector<16xi1>
          %slice3A = vector.extract_strided_slice %cumsum3A_727 {offsets = [15], sizes = [1], strides = [1]} : vector<16xi32> to vector<1xi32>
          %squeeze3A = vector.extract %slice3A[0] : i32 from vector<1xi32>
          %add3A_735 = arith.addi %scan3A_657, %squeeze3A : i32
          scf.yield %add3A_735 : i32
        }
        %scan3A_601 = arith.constant 32 : i32
        %swap3A_602 = arith.index_cast %select_n3A_580 : i32 to index
        %swap3A_603 = memref.load %arg10[%swap3A_602] : memref<2xi32, #tpu.memory_space<smem>>
        memref.store %scan3A_600, %arg10[%swap3A_602] : memref<2xi32, #tpu.memory_space<smem>>
        %dma_start3A_604 = arith.constant 0 : i32
        %dma_start3A_605 = arith.constant 0 : i32
        %dma_start3A_606 = arith.constant 0 : i32
        %dma_start3A_607 = tpu.memref_slice %arg8[%select_n3A_580, %dma_start3A_605, %dma_start3A_606] : memref<2x512x32xf32, #tpu.memory_space<vmem>> -> memref<1x128x32xf32, #tpu.memory_space<vmem>>
        %dma_start3A_608 = tpu.memref_squeeze %dma_start3A_607 : memref<1x128x32xf32, #tpu.memory_space<vmem>> -> memref<128x32xf32, #tpu.memory_space<vmem>>
        %dma_start3A_609 = arith.constant 0 : i32
        %dma_start3A_610 = tpu.memref_slice %arg6[%select_n3A_580, %dma_start3A_604, %dma_start3A_609] : memref<2x4x128xi32, #tpu.memory_space<vmem>> -> memref<1x1x128xi32, #tpu.memory_space<vmem>>
        %dma_start3A_611 = tpu.memref_squeeze %dma_start3A_610 : memref<1x1x128xi32, #tpu.memory_space<vmem>> -> memref<128xi32, #tpu.memory_space<vmem>>
        %dma_start3A_612 = arith.constant 0 : i32
        %dma_start3A_613 = arith.constant 0 : i32
        %dma_start3A_614 = tpu.memref_slice %arg3[%dma_start3A_612, %dma_start3A_613] : memref<1000000x32xf32, #tpu.memory_space<hbm>> -> memref<1000000x32xf32, #tpu.memory_space<hbm>>
        %dma_start3A_615 = tpu.memref_slice %arg12[%select_n3A_580] : memref<2x!tpu.dma_semaphore, #tpu.memory_space<semaphore_mem>> -> memref<1x!tpu.dma_semaphore, #tpu.memory_space<semaphore_mem>>
        %dma_start3A_616 = tpu.memref_squeeze %dma_start3A_615 : memref<1x!tpu.dma_semaphore, #tpu.memory_space<semaphore_mem>> -> memref<!tpu.dma_semaphore, #tpu.memory_space<semaphore_mem>>
        tpu.enqueue_indirect_dma source(%dma_start3A_614 : memref<1000000x32xf32, #tpu.memory_space<hbm>>) target(%dma_start3A_608 : memref<128x32xf32, #tpu.memory_space<vmem>>) offsets(%dma_start3A_611 : memref<128xi32, #tpu.memory_space<vmem>>) semaphore(%dma_start3A_616 : memref<!tpu.dma_semaphore, #tpu.memory_space<semaphore_mem>>)
        %dma_start3A_617 = arith.constant 1 : i32
        %dma_start3A_618 = arith.constant 128 : i32
        %dma_start3A_619 = arith.constant 0 : i32
        %dma_start3A_620 = tpu.memref_slice %arg8[%select_n3A_580, %dma_start3A_618, %dma_start3A_619] : memref<2x512x32xf32, #tpu.memory_space<vmem>> -> memref<1x128x32xf32, #tpu.memory_space<vmem>>
        %dma_start3A_621 = tpu.memref_squeeze %dma_start3A_620 : memref<1x128x32xf32, #tpu.memory_space<vmem>> -> memref<128x32xf32, #tpu.memory_space<vmem>>
        %dma_start3A_622 = arith.constant 0 : i32
        %dma_start3A_623 = tpu.memref_slice %arg6[%select_n3A_580, %dma_start3A_617, %dma_start3A_622] : memref<2x4x128xi32, #tpu.memory_space<vmem>> -> memref<1x1x128xi32, #tpu.memory_space<vmem>>
        %dma_start3A_624 = tpu.memref_squeeze %dma_start3A_623 : memref<1x1x128xi32, #tpu.memory_space<vmem>> -> memref<128xi32, #tpu.memory_space<vmem>>
        %dma_start3A_625 = arith.constant 0 : i32
        %dma_start3A_626 = arith.constant 0 : i32
        %dma_start3A_627 = tpu.memref_slice %arg3[%dma_start3A_625, %dma_start3A_626] : memref<1000000x32xf32, #tpu.memory_space<hbm>> -> memref<1000000x32xf32, #tpu.memory_space<hbm>>
        %dma_start3A_628 = tpu.memref_slice %arg12[%select_n3A_580] : memref<2x!tpu.dma_semaphore, #tpu.memory_space<semaphore_mem>> -> memref<1x!tpu.dma_semaphore, #tpu.memory_space<semaphore_mem>>
        %dma_start3A_629 = tpu.memref_squeeze %dma_start3A_628 : memref<1x!tpu.dma_semaphore, #tpu.memory_space<semaphore_mem>> -> memref<!tpu.dma_semaphore, #tpu.memory_space<semaphore_mem>>
        tpu.enqueue_indirect_dma source(%dma_start3A_627 : memref<1000000x32xf32, #tpu.memory_space<hbm>>) target(%dma_start3A_621 : memref<128x32xf32, #tpu.memory_space<vmem>>) offsets(%dma_start3A_624 : memref<128xi32, #tpu.memory_space<vmem>>) semaphore(%dma_start3A_629 : memref<!tpu.dma_semaphore, #tpu.memory_space<semaphore_mem>>)
        %dma_start3A_630 = arith.constant 2 : i32
        %dma_start3A_631 = arith.constant 256 : i32
        %dma_start3A_632 = arith.constant 0 : i32
        %dma_start3A_633 = tpu.memref_slice %arg8[%select_n3A_580, %dma_start3A_631, %dma_start3A_632] : memref<2x512x32xf32, #tpu.memory_space<vmem>> -> memref<1x128x32xf32, #tpu.memory_space<vmem>>
        %dma_start3A_634 = tpu.memref_squeeze %dma_start3A_633 : memref<1x128x32xf32, #tpu.memory_space<vmem>> -> memref<128x32xf32, #tpu.memory_space<vmem>>
        %dma_start3A_635 = arith.constant 0 : i32
        %dma_start3A_636 = tpu.memref_slice %arg6[%select_n3A_580, %dma_start3A_630, %dma_start3A_635] : memref<2x4x128xi32, #tpu.memory_space<vmem>> -> memref<1x1x128xi32, #tpu.memory_space<vmem>>
        %dma_start3A_637 = tpu.memref_squeeze %dma_start3A_636 : memref<1x1x128xi32, #tpu.memory_space<vmem>> -> memref<128xi32, #tpu.memory_space<vmem>>
        %dma_start3A_638 = arith.constant 0 : i32
        %dma_start3A_639 = arith.constant 0 : i32
        %dma_start3A_640 = tpu.memref_slice %arg3[%dma_start3A_638, %dma_start3A_639] : memref<1000000x32xf32, #tpu.memory_space<hbm>> -> memref<1000000x32xf32, #tpu.memory_space<hbm>>
        %dma_start3A_641 = tpu.memref_slice %arg12[%select_n3A_580] : memref<2x!tpu.dma_semaphore, #tpu.memory_space<semaphore_mem>> -> memref<1x!tpu.dma_semaphore, #tpu.memory_space<semaphore_mem>>
        %dma_start3A_642 = tpu.memref_squeeze %dma_start3A_641 : memref<1x!tpu.dma_semaphore, #tpu.memory_space<semaphore_mem>> -> memref<!tpu.dma_semaphore, #tpu.memory_space<semaphore_mem>>
        tpu.enqueue_indirect_dma source(%dma_start3A_640 : memref<1000000x32xf32, #tpu.memory_space<hbm>>) target(%dma_start3A_634 : memref<128x32xf32, #tpu.memory_space<vmem>>) offsets(%dma_start3A_637 : memref<128xi32, #tpu.memory_space<vmem>>) semaphore(%dma_start3A_642 : memref<!tpu.dma_semaphore, #tpu.memory_space<semaphore_mem>>)
        %dma_start3A_643 = arith.constant 3 : i32
        %dma_start3A_644 = arith.constant 384 : i32
        %dma_start3A_645 = arith.constant 0 : i32
        %dma_start3A_646 = tpu.memref_slice %arg8[%select_n3A_580, %dma_start3A_644, %dma_start3A_645] : memref<2x512x32xf32, #tpu.memory_space<vmem>> -> memref<1x128x32xf32, #tpu.memory_space<vmem>>
        %dma_start3A_647 = tpu.memref_squeeze %dma_start3A_646 : memref<1x128x32xf32, #tpu.memory_space<vmem>> -> memref<128x32xf32, #tpu.memory_space<vmem>>
        %dma_start3A_648 = arith.constant 0 : i32
        %dma_start3A_649 = tpu.memref_slice %arg6[%select_n3A_580, %dma_start3A_643, %dma_start3A_648] : memref<2x4x128xi32, #tpu.memory_space<vmem>> -> memref<1x1x128xi32, #tpu.memory_space<vmem>>
        %dma_start3A_650 = tpu.memref_squeeze %dma_start3A_649 : memref<1x1x128xi32, #tpu.memory_space<vmem>> -> memref<128xi32, #tpu.memory_space<vmem>>
        %dma_start3A_651 = arith.constant 0 : i32
        %dma_start3A_652 = arith.constant 0 : i32
        %dma_start3A_653 = tpu.memref_slice %arg3[%dma_start3A_651, %dma_start3A_652] : memref<1000000x32xf32, #tpu.memory_space<hbm>> -> memref<1000000x32xf32, #tpu.memory_space<hbm>>
        %dma_start3A_654 = tpu.memref_slice %arg12[%select_n3A_580] : memref<2x!tpu.dma_semaphore, #tpu.memory_space<semaphore_mem>> -> memref<1x!tpu.dma_semaphore, #tpu.memory_space<semaphore_mem>>
        %dma_start3A_655 = tpu.memref_squeeze %dma_start3A_654 : memref<1x!tpu.dma_semaphore, #tpu.memory_space<semaphore_mem>> -> memref<!tpu.dma_semaphore, #tpu.memory_space<semaphore_mem>>
        tpu.enqueue_indirect_dma source(%dma_start3A_653 : memref<1000000x32xf32, #tpu.memory_space<hbm>>) target(%dma_start3A_647 : memref<128x32xf32, #tpu.memory_space<vmem>>) offsets(%dma_start3A_650 : memref<128xi32, #tpu.memory_space<vmem>>) semaphore(%dma_start3A_655 : memref<!tpu.dma_semaphore, #tpu.memory_space<semaphore_mem>>)
      } else {
      }
      %lt3A_359 = arith.constant 2 : i32
      %lt3A_360 = arith.cmpi slt, %scan3A_346, %lt3A_359 : i32
      %jit3A = arith.constant 2 : i32
      %eq3A = arith.constant 0 : i32
      %eq3A_361 = arith.cmpi eq, %jit3A, %eq3A : i32
      %jit3A_362 = arith.constant 1 : i32
      %select_n3A = arith.select %eq3A_361, %jit3A_362, %jit3A : i32
      %rem3A = arith.remsi %scan3A_346, %select_n3A : i32
      %ne3A = arith.constant 0 : i32
      %ne3A_363 = arith.cmpi ne, %rem3A, %ne3A : i32
      %lt3A_364 = arith.constant 0 : i32
      %lt3A_365 = arith.cmpi slt, %rem3A, %lt3A_364 : i32
      %lt3A_366 = arith.constant 0 : i32
      %lt3A_367 = arith.cmpi slt, %select_n3A, %lt3A_366 : i32
      %ne3A_368 = arith.xori %lt3A_365, %lt3A_367 : i1
      %and3A = arith.andi %ne3A_368, %ne3A_363 : i1
      %add3A_369 = arith.addi %rem3A, %select_n3A : i32
      %select_n3A_370 = arith.select %and3A, %add3A_369, %rem3A : i32
      %get3A = arith.index_cast %select_n3A_370 : i32 to index
      %get3A_371 = memref.load %arg10[%get3A] : memref<2xi32, #tpu.memory_space<smem>>
      %dma_wait3A_372 = arith.constant 0 : i32
      %dma_wait3A_373 = arith.constant 0 : i32
      %dma_wait3A_374 = arith.constant 0 : i32
      %dma_wait3A_375 = tpu.memref_slice %arg8[%select_n3A_370, %dma_wait3A_373, %dma_wait3A_374] : memref<2x512x32xf32, #tpu.memory_space<vmem>> -> memref<1x128x32xf32, #tpu.memory_space<vmem>>
      %dma_wait3A_376 = tpu.memref_squeeze %dma_wait3A_375 : memref<1x128x32xf32, #tpu.memory_space<vmem>> -> memref<128x32xf32, #tpu.memory_space<vmem>>
      %dma_wait3A_377 = arith.constant 0 : i32
      %dma_wait3A_378 = tpu.memref_slice %arg6[%select_n3A_370, %dma_wait3A_372, %dma_wait3A_377] : memref<2x4x128xi32, #tpu.memory_space<vmem>> -> memref<1x1x128xi32, #tpu.memory_space<vmem>>
      %dma_wait3A_379 = tpu.memref_squeeze %dma_wait3A_378 : memref<1x1x128xi32, #tpu.memory_space<vmem>> -> memref<128xi32, #tpu.memory_space<vmem>>
      %dma_wait3A_380 = arith.constant 0 : i32
      %dma_wait3A_381 = arith.constant 0 : i32
      %dma_wait3A_382 = tpu.memref_slice %arg3[%dma_wait3A_380, %dma_wait3A_381] : memref<1000000x32xf32, #tpu.memory_space<hbm>> -> memref<1000000x32xf32, #tpu.memory_space<hbm>>
      %dma_wait3A_383 = tpu.memref_slice %arg12[%select_n3A_370] : memref<2x!tpu.dma_semaphore, #tpu.memory_space<semaphore_mem>> -> memref<1x!tpu.dma_semaphore, #tpu.memory_space<semaphore_mem>>
      %dma_wait3A_384 = tpu.memref_squeeze %dma_wait3A_383 : memref<1x!tpu.dma_semaphore, #tpu.memory_space<semaphore_mem>> -> memref<!tpu.dma_semaphore, #tpu.memory_space<semaphore_mem>>
      tpu.wait_indirect_dma semaphore(%dma_wait3A_384 : memref<!tpu.dma_semaphore, #tpu.memory_space<semaphore_mem>>) src(%dma_wait3A_382 : memref<1000000x32xf32, #tpu.memory_space<hbm>>) dst(%dma_wait3A_376 : memref<128x32xf32, #tpu.memory_space<vmem>>)
      %dma_wait3A_385 = arith.constant 1 : i32
      %dma_wait3A_386 = arith.constant 128 : i32
      %dma_wait3A_387 = arith.constant 0 : i32
      %dma_wait3A_388 = tpu.memref_slice %arg8[%select_n3A_370, %dma_wait3A_386, %dma_wait3A_387] : memref<2x512x32xf32, #tpu.memory_space<vmem>> -> memref<1x128x32xf32, #tpu.memory_space<vmem>>
      %dma_wait3A_389 = tpu.memref_squeeze %dma_wait3A_388 : memref<1x128x32xf32, #tpu.memory_space<vmem>> -> memref<128x32xf32, #tpu.memory_space<vmem>>
      %dma_wait3A_390 = arith.constant 0 : i32
      %dma_wait3A_391 = tpu.memref_slice %arg6[%select_n3A_370, %dma_wait3A_385, %dma_wait3A_390] : memref<2x4x128xi32, #tpu.memory_space<vmem>> -> memref<1x1x128xi32, #tpu.memory_space<vmem>>
      %dma_wait3A_392 = tpu.memref_squeeze %dma_wait3A_391 : memref<1x1x128xi32, #tpu.memory_space<vmem>> -> memref<128xi32, #tpu.memory_space<vmem>>
      %dma_wait3A_393 = arith.constant 0 : i32
      %dma_wait3A_394 = arith.constant 0 : i32
      %dma_wait3A_395 = tpu.memref_slice %arg3[%dma_wait3A_393, %dma_wait3A_394] : memref<1000000x32xf32, #tpu.memory_space<hbm>> -> memref<1000000x32xf32, #tpu.memory_space<hbm>>
      %dma_wait3A_396 = tpu.memref_slice %arg12[%select_n3A_370] : memref<2x!tpu.dma_semaphore, #tpu.memory_space<semaphore_mem>> -> memref<1x!tpu.dma_semaphore, #tpu.memory_space<semaphore_mem>>
      %dma_wait3A_397 = tpu.memref_squeeze %dma_wait3A_396 : memref<1x!tpu.dma_semaphore, #tpu.memory_space<semaphore_mem>> -> memref<!tpu.dma_semaphore, #tpu.memory_space<semaphore_mem>>
      tpu.wait_indirect_dma semaphore(%dma_wait3A_397 : memref<!tpu.dma_semaphore, #tpu.memory_space<semaphore_mem>>) src(%dma_wait3A_395 : memref<1000000x32xf32, #tpu.memory_space<hbm>>) dst(%dma_wait3A_389 : memref<128x32xf32, #tpu.memory_space<vmem>>)
      %dma_wait3A_398 = arith.constant 2 : i32
      %dma_wait3A_399 = arith.constant 256 : i32
      %dma_wait3A_400 = arith.constant 0 : i32
      %dma_wait3A_401 = tpu.memref_slice %arg8[%select_n3A_370, %dma_wait3A_399, %dma_wait3A_400] : memref<2x512x32xf32, #tpu.memory_space<vmem>> -> memref<1x128x32xf32, #tpu.memory_space<vmem>>
      %dma_wait3A_402 = tpu.memref_squeeze %dma_wait3A_401 : memref<1x128x32xf32, #tpu.memory_space<vmem>> -> memref<128x32xf32, #tpu.memory_space<vmem>>
      %dma_wait3A_403 = arith.constant 0 : i32
      %dma_wait3A_404 = tpu.memref_slice %arg6[%select_n3A_370, %dma_wait3A_398, %dma_wait3A_403] : memref<2x4x128xi32, #tpu.memory_space<vmem>> -> memref<1x1x128xi32, #tpu.memory_space<vmem>>
      %dma_wait3A_405 = tpu.memref_squeeze %dma_wait3A_404 : memref<1x1x128xi32, #tpu.memory_space<vmem>> -> memref<128xi32, #tpu.memory_space<vmem>>
      %dma_wait3A_406 = arith.constant 0 : i32
      %dma_wait3A_407 = arith.constant 0 : i32
      %dma_wait3A_408 = tpu.memref_slice %arg3[%dma_wait3A_406, %dma_wait3A_407] : memref<1000000x32xf32, #tpu.memory_space<hbm>> -> memref<1000000x32xf32, #tpu.memory_space<hbm>>
      %dma_wait3A_409 = tpu.memref_slice %arg12[%select_n3A_370] : memref<2x!tpu.dma_semaphore, #tpu.memory_space<semaphore_mem>> -> memref<1x!tpu.dma_semaphore, #tpu.memory_space<semaphore_mem>>
      %dma_wait3A_410 = tpu.memref_squeeze %dma_wait3A_409 : memref<1x!tpu.dma_semaphore, #tpu.memory_space<semaphore_mem>> -> memref<!tpu.dma_semaphore, #tpu.memory_space<semaphore_mem>>
      tpu.wait_indirect_dma semaphore(%dma_wait3A_410 : memref<!tpu.dma_semaphore, #tpu.memory_space<semaphore_mem>>) src(%dma_wait3A_408 : memref<1000000x32xf32, #tpu.memory_space<hbm>>) dst(%dma_wait3A_402 : memref<128x32xf32, #tpu.memory_space<vmem>>)
      %dma_wait3A_411 = arith.constant 3 : i32
      %dma_wait3A_412 = arith.constant 384 : i32
      %dma_wait3A_413 = arith.constant 0 : i32
      %dma_wait3A_414 = tpu.memref_slice %arg8[%select_n3A_370, %dma_wait3A_412, %dma_wait3A_413] : memref<2x512x32xf32, #tpu.memory_space<vmem>> -> memref<1x128x32xf32, #tpu.memory_space<vmem>>
      %dma_wait3A_415 = tpu.memref_squeeze %dma_wait3A_414 : memref<1x128x32xf32, #tpu.memory_space<vmem>> -> memref<128x32xf32, #tpu.memory_space<vmem>>
      %dma_wait3A_416 = arith.constant 0 : i32
      %dma_wait3A_417 = tpu.memref_slice %arg6[%select_n3A_370, %dma_wait3A_411, %dma_wait3A_416] : memref<2x4x128xi32, #tpu.memory_space<vmem>> -> memref<1x1x128xi32, #tpu.memory_space<vmem>>
      %dma_wait3A_418 = tpu.memref_squeeze %dma_wait3A_417 : memref<1x1x128xi32, #tpu.memory_space<vmem>> -> memref<128xi32, #tpu.memory_space<vmem>>
      %dma_wait3A_419 = arith.constant 0 : i32
      %dma_wait3A_420 = arith.constant 0 : i32
      %dma_wait3A_421 = tpu.memref_slice %arg3[%dma_wait3A_419, %dma_wait3A_420] : memref<1000000x32xf32, #tpu.memory_space<hbm>> -> memref<1000000x32xf32, #tpu.memory_space<hbm>>
      %dma_wait3A_422 = tpu.memref_slice %arg12[%select_n3A_370] : memref<2x!tpu.dma_semaphore, #tpu.memory_space<semaphore_mem>> -> memref<1x!tpu.dma_semaphore, #tpu.memory_space<semaphore_mem>>
      %dma_wait3A_423 = tpu.memref_squeeze %dma_wait3A_422 : memref<1x!tpu.dma_semaphore, #tpu.memory_space<semaphore_mem>> -> memref<!tpu.dma_semaphore, #tpu.memory_space<semaphore_mem>>
      tpu.wait_indirect_dma semaphore(%dma_wait3A_423 : memref<!tpu.dma_semaphore, #tpu.memory_space<semaphore_mem>>) src(%dma_wait3A_421 : memref<1000000x32xf32, #tpu.memory_space<hbm>>) dst(%dma_wait3A_415 : memref<128x32xf32, #tpu.memory_space<vmem>>)
      %add3A_424 = arith.constant 16 : i32
      %add3A_425 = arith.addi %get3A_371, %add3A_424 : i32
      %sub3A = arith.constant 1 : i32
      %sub3A_426 = arith.subi %add3A_425, %sub3A : i32
      %jit3A_427 = arith.constant 16 : i32
      %div3A = arith.divsi %sub3A_426, %jit3A_427 : i32
      %sign3A = arith.constant 0 : i32
      %sign3A_428 = arith.cmpi sgt, %sub3A_426, %sign3A : i32
      %sign3A_429 = arith.extui %sign3A_428 : i1 to i32
      %sign3A_430 = arith.constant 0 : i32
      %sign3A_431 = arith.cmpi slt, %sub3A_426, %sign3A_430 : i32
      %sign3A_432 = arith.extui %sign3A_431 : i1 to i32
      %sign3A_433 = arith.subi %sign3A_429, %sign3A_432 : i32
      %sign3A_434 = arith.constant 0 : i32
      %sign3A_435 = arith.cmpi sgt, %jit3A_427, %sign3A_434 : i32
      %sign3A_436 = arith.extui %sign3A_435 : i1 to i32
      %sign3A_437 = arith.constant 0 : i32
      %sign3A_438 = arith.cmpi slt, %jit3A_427, %sign3A_437 : i32
      %sign3A_439 = arith.extui %sign3A_438 : i1 to i32
      %sign3A_440 = arith.subi %sign3A_436, %sign3A_439 : i32
      %ne3A_441 = arith.cmpi ne, %sign3A_433, %sign3A_440 : i32
      %rem3A_442 = arith.remsi %sub3A_426, %jit3A_427 : i32
      %ne3A_443 = arith.constant 0 : i32
      %ne3A_444 = arith.cmpi ne, %rem3A_442, %ne3A_443 : i32
      %and3A_445 = arith.andi %ne3A_441, %ne3A_444 : i1
      %sub3A_446 = arith.constant 1 : i32
      %sub3A_447 = arith.subi %div3A, %sub3A_446 : i32
      %select_n3A_448 = arith.select %and3A_445, %sub3A_447, %div3A : i32
      %while3A = arith.constant 0 : i32
      %while3A_449 = arith.constant 0 : i32
      %while3A_450 = arith.subi %select_n3A_448, %while3A : i32
      %while3A_451 = arith.addi %while3A, %while3A_450 : i32
      %while3A_452 = arith.constant 1 : i32
      %while3A_453 = arith.divsi %while3A_450, %while3A_452 : i32
      %while3A_454 = arith.muli %while3A_453, %while3A_452 : i32
      %while3A_455 = arith.addi %while3A, %while3A_454 : i32
      %while3A_456 = arith.constant 1 : i32
      %while3A_457 = scf.for %while3A_563 = %while3A to %while3A_455 step %while3A_456 iter_args(%while3A_564 = %while3A_449) -> (i32)  : i32 {
        %mul3A_565 = arith.constant 16 : i32
        %mul3A_566 = arith.muli %while3A_563, %mul3A_565 : i32
        %add3A_567 = vector.broadcast %mul3A_566 : i32 to vector<16xi32>
        %add3A_568 = arith.addi %add3A_567, %iota3A : vector<16xi32>
        %lt3A_569 = vector.broadcast %get3A_371 : i32 to vector<16xi32>
        %lt3A_570 = arith.cmpi slt, %add3A_568, %lt3A_569 : vector<16xi32>
        %mul3A_571 = arith.constant 16 : i32
        %mul3A_572 = arith.muli %while3A_563, %mul3A_571 : i32
        %get3A_573 = arith.index_cast %select_n3A_370 : i32 to index
        %get3A_574 = arith.index_cast %mul3A_572 : i32 to index
        %get3A_575 = tpu.vector_load %arg7[%get3A_573, %get3A_574] {strides = array<i32>} : memref<2x528xi32, #tpu.memory_space<vmem>>, vector<16xi32>,
        %jit3A_576 = arith.constant 0 : i32
        %broadcast_in_dim3A_577 = vector.broadcast %jit3A_576 : i32 to vector<16xi32>
        %select_n3A_578 = arith.select %lt3A_570, %get3A_575, %broadcast_in_dim3A_577 : vector<16xi1>, vector<16xi32>
        %scan3A_579 = arith.constant 0 : i32
        %scan3A_580 = arith.constant 0 : i32
        %scan3A_581 = arith.constant 32 : i32
        %scan3A_582 = arith.addi %scan3A_580, %scan3A_581 : i32
        %scan3A_583 = arith.constant 1 : i32
        %scan3A_584 = scf.for %scan3A_586 = %scan3A_580 to %scan3A_582 step %scan3A_583 iter_args(%scan3A_587 = %scan3A_579) -> (i32)  : i32 {
          %broadcast_in_dim3A_588 = vector.broadcast %scan3A_586 : i32 to vector<16xi32>
          %scatter3A = arith.constant 0 : i32
          %scatter3A_589 = arith.constant 0 : i32
          %scatter3A_590 = tpu.memref_slice %arg8[%select_n3A_370, %scatter3A, %scatter3A_589] : memref<2x512x32xf32, #tpu.memory_space<vmem>> -> memref<1x512x32xf32, #tpu.memory_space<vmem>>
          %scatter3A_591 = tpu.memref_squeeze %scatter3A_590 : memref<1x512x32xf32, #tpu.memory_space<vmem>> -> memref<512x32xf32, #tpu.memory_space<vmem>>
          tpu.vector_store_idx %scatter3A_591[%select_n3A_578, %broadcast_in_dim3A_588], %broadcast_in_dim3A_1 masked %lt3A_570 : memref<512x32xf32, #tpu.memory_space<vmem>>[vector<16xi32>, vector<16xi32>], vector<16xf32>, vector<16xi1>
          %scan3A_592 = arith.constant 0 : i32
          scf.yield %scan3A_592 : i32
        }
        %scan3A_585 = arith.constant 32 : i32
        scf.yield %scan3A_584 : i32
      }
      %while3A_458 = arith.constant 1 : i32
      %while3A_459 = scf.for %while3A_563 = %while3A_455 to %while3A_451 step %while3A_458 iter_args(%while3A_564 = %while3A_457) -> (i32)  : i32 {
        %mul3A_565 = arith.constant 16 : i32
        %mul3A_566 = arith.muli %while3A_563, %mul3A_565 : i32
        %add3A_567 = vector.broadcast %mul3A_566 : i32 to vector<16xi32>
        %add3A_568 = arith.addi %add3A_567, %iota3A : vector<16xi32>
        %lt3A_569 = vector.broadcast %get3A_371 : i32 to vector<16xi32>
        %lt3A_570 = arith.cmpi slt, %add3A_568, %lt3A_569 : vector<16xi32>
        %mul3A_571 = arith.constant 16 : i32
        %mul3A_572 = arith.muli %while3A_563, %mul3A_571 : i32
        %get3A_573 = arith.index_cast %select_n3A_370 : i32 to index
        %get3A_574 = arith.index_cast %mul3A_572 : i32 to index
        %get3A_575 = tpu.vector_load %arg7[%get3A_573, %get3A_574] {strides = array<i32>} : memref<2x528xi32, #tpu.memory_space<vmem>>, vector<16xi32>,
        %jit3A_576 = arith.constant 0 : i32
        %broadcast_in_dim3A_577 = vector.broadcast %jit3A_576 : i32 to vector<16xi32>
        %select_n3A_578 = arith.select %lt3A_570, %get3A_575, %broadcast_in_dim3A_577 : vector<16xi1>, vector<16xi32>
        %scan3A_579 = arith.constant 0 : i32
        %scan3A_580 = arith.constant 0 : i32
        %scan3A_581 = arith.constant 32 : i32
        %scan3A_582 = arith.addi %scan3A_580, %scan3A_581 : i32
        %scan3A_583 = arith.constant 1 : i32
        %scan3A_584 = scf.for %scan3A_586 = %scan3A_580 to %scan3A_582 step %scan3A_583 iter_args(%scan3A_587 = %scan3A_579) -> (i32)  : i32 {
          %broadcast_in_dim3A_588 = vector.broadcast %scan3A_586 : i32 to vector<16xi32>
          %scatter3A = arith.constant 0 : i32
          %scatter3A_589 = arith.constant 0 : i32
          %scatter3A_590 = tpu.memref_slice %arg8[%select_n3A_370, %scatter3A, %scatter3A_589] : memref<2x512x32xf32, #tpu.memory_space<vmem>> -> memref<1x512x32xf32, #tpu.memory_space<vmem>>
          %scatter3A_591 = tpu.memref_squeeze %scatter3A_590 : memref<1x512x32xf32, #tpu.memory_space<vmem>> -> memref<512x32xf32, #tpu.memory_space<vmem>>
          tpu.vector_store_idx %scatter3A_591[%select_n3A_578, %broadcast_in_dim3A_588], %broadcast_in_dim3A_1 masked %lt3A_570 : memref<512x32xf32, #tpu.memory_space<vmem>>[vector<16xi32>, vector<16xi32>], vector<16xf32>, vector<16xi1>
          %scan3A_592 = arith.constant 0 : i32
          scf.yield %scan3A_592 : i32
        }
        %scan3A_585 = arith.constant 32 : i32
        scf.yield %scan3A_584 : i32
      }
      %not3A = arith.constant true
      %not3A_460 = arith.xori %lt3A_360, %not3A : i1
      %convert_element_type3A_461 = arith.extui %not3A_460 : i1 to i32
      %cond3A_462 = arith.constant 0 : i32
      %cond3A_463 = arith.cmpi ne, %convert_element_type3A_461, %cond3A_462 : i32
      scf.if %cond3A_463 {
        %mul3A_563 = arith.constant 4 : i32
        %mul3A_564 = arith.muli %add3A, %mul3A_563 : i32
        %dma_wait3A_565 = arith.constant 0 : i32
        %dma_wait3A_566 = arith.constant 0 : i32
        %dma_wait3A_567 = arith.constant 0 : i32
        %dma_wait3A_568 = arith.constant 0 : i32
        %dma_wait3A_569 = arith.constant 0 : i32
        %dma_wait3A_570 = tpu.memref_slice %arg9[%select_n3A_370, %dma_wait3A_565, %dma_wait3A_567, %dma_wait3A_568, %dma_wait3A_569] : memref<2x4x4x8x128xf32, #tpu.memory_space<vmem>> -> memref<1x1x4x8x128xf32, #tpu.memory_space<vmem>>
        %dma_wait3A_571 = tpu.memref_squeeze %dma_wait3A_570 : memref<1x1x4x8x128xf32, #tpu.memory_space<vmem>> -> memref<4x8x128xf32, #tpu.memory_space<vmem>>
        %dma_wait3A_572 = arith.constant 0 : i32
        %dma_wait3A_573 = arith.constant 0 : i32
        %dma_wait3A_574 = tpu.memref_slice %arg4[%scan3A_346, %dma_wait3A_566, %mul3A_564, %dma_wait3A_572, %dma_wait3A_573] : memref<50x4x128x8x128xf32, #tpu.memory_space<hbm>> -> memref<1x1x4x8x128xf32, #tpu.memory_space<hbm>>
        %dma_wait3A_575 = tpu.memref_squeeze %dma_wait3A_574 : memref<1x1x4x8x128xf32, #tpu.memory_space<hbm>> -> memref<4x8x128xf32, #tpu.memory_space<hbm>>
        %dma_wait3A_576 = tpu.memref_slice %arg13[%select_n3A_370] : memref<2x!tpu.dma_semaphore, #tpu.memory_space<semaphore_mem>> -> memref<1x!tpu.dma_semaphore, #tpu.memory_space<semaphore_mem>>
        %dma_wait3A_577 = tpu.memref_squeeze %dma_wait3A_576 : memref<1x!tpu.dma_semaphore, #tpu.memory_space<semaphore_mem>> -> memref<!tpu.dma_semaphore, #tpu.memory_space<semaphore_mem>>
        %dma_wait3A_578 = arith.constant 0 : i32
        %dma_wait3A_579 = arith.constant 0 : i32
        %dma_wait3A_580 = tpu.memref_slice %arg4[%scan3A_346, %dma_wait3A_566, %mul3A_564, %dma_wait3A_578, %dma_wait3A_579] : memref<50x4x128x8x128xf32, #tpu.memory_space<hbm>> -> memref<1x1x4x8x128xf32, #tpu.memory_space<hbm>>
        %dma_wait3A_581 = tpu.memref_squeeze %dma_wait3A_580 : memref<1x1x4x8x128xf32, #tpu.memory_space<hbm>> -> memref<4x8x128xf32, #tpu.memory_space<hbm>>
        %dma_wait3A_582 = arith.constant 0 : i32
        %dma_wait3A_583 = arith.constant 0 : i32
        %dma_wait3A_584 = arith.constant 0 : i32
        %dma_wait3A_585 = tpu.memref_slice %arg9[%select_n3A_370, %dma_wait3A_565, %dma_wait3A_582, %dma_wait3A_583, %dma_wait3A_584] : memref<2x4x4x8x128xf32, #tpu.memory_space<vmem>> -> memref<1x1x4x8x128xf32, #tpu.memory_space<vmem>>
        %dma_wait3A_586 = tpu.memref_squeeze %dma_wait3A_585 : memref<1x1x4x8x128xf32, #tpu.memory_space<vmem>> -> memref<4x8x128xf32, #tpu.memory_space<vmem>>
        tpu.wait_dma2 semaphore(%dma_wait3A_577 : memref<!tpu.dma_semaphore, #tpu.memory_space<semaphore_mem>>) src(%dma_wait3A_586 : memref<4x8x128xf32, #tpu.memory_space<vmem>>) dst(%dma_wait3A_581 : memref<4x8x128xf32, #tpu.memory_space<hbm>>)
        %mul3A_587 = arith.constant 4 : i32
        %mul3A_588 = arith.muli %add3A, %mul3A_587 : i32
        %dma_wait3A_589 = arith.constant 1 : i32
        %dma_wait3A_590 = arith.constant 1 : i32
        %dma_wait3A_591 = arith.constant 0 : i32
        %dma_wait3A_592 = arith.constant 0 : i32
        %dma_wait3A_593 = arith.constant 0 : i32
        %dma_wait3A_594 = tpu.memref_slice %arg9[%select_n3A_370, %dma_wait3A_589, %dma_wait3A_591, %dma_wait3A_592, %dma_wait3A_593] : memref<2x4x4x8x128xf32, #tpu.memory_space<vmem>> -> memref<1x1x4x8x128xf32, #tpu.memory_space<vmem>>
        %dma_wait3A_595 = tpu.memref_squeeze %dma_wait3A_594 : memref<1x1x4x8x128xf32, #tpu.memory_space<vmem>> -> memref<4x8x128xf32, #tpu.memory_space<vmem>>
        %dma_wait3A_596 = arith.constant 0 : i32
        %dma_wait3A_597 = arith.constant 0 : i32
        %dma_wait3A_598 = tpu.memref_slice %arg4[%scan3A_346, %dma_wait3A_590, %mul3A_588, %dma_wait3A_596, %dma_wait3A_597] : memref<50x4x128x8x128xf32, #tpu.memory_space<hbm>> -> memref<1x1x4x8x128xf32, #tpu.memory_space<hbm>>
        %dma_wait3A_599 = tpu.memref_squeeze %dma_wait3A_598 : memref<1x1x4x8x128xf32, #tpu.memory_space<hbm>> -> memref<4x8x128xf32, #tpu.memory_space<hbm>>
        %dma_wait3A_600 = tpu.memref_slice %arg13[%select_n3A_370] : memref<2x!tpu.dma_semaphore, #tpu.memory_space<semaphore_mem>> -> memref<1x!tpu.dma_semaphore, #tpu.memory_space<semaphore_mem>>
        %dma_wait3A_601 = tpu.memref_squeeze %dma_wait3A_600 : memref<1x!tpu.dma_semaphore, #tpu.memory_space<semaphore_mem>> -> memref<!tpu.dma_semaphore, #tpu.memory_space<semaphore_mem>>
        %dma_wait3A_602 = arith.constant 0 : i32
        %dma_wait3A_603 = arith.constant 0 : i32
        %dma_wait3A_604 = tpu.memref_slice %arg4[%scan3A_346, %dma_wait3A_590, %mul3A_588, %dma_wait3A_602, %dma_wait3A_603] : memref<50x4x128x8x128xf32, #tpu.memory_space<hbm>> -> memref<1x1x4x8x128xf32, #tpu.memory_space<hbm>>
        %dma_wait3A_605 = tpu.memref_squeeze %dma_wait3A_604 : memref<1x1x4x8x128xf32, #tpu.memory_space<hbm>> -> memref<4x8x128xf32, #tpu.memory_space<hbm>>
        %dma_wait3A_606 = arith.constant 0 : i32
        %dma_wait3A_607 = arith.constant 0 : i32
        %dma_wait3A_608 = arith.constant 0 : i32
        %dma_wait3A_609 = tpu.memref_slice %arg9[%select_n3A_370, %dma_wait3A_589, %dma_wait3A_606, %dma_wait3A_607, %dma_wait3A_608] : memref<2x4x4x8x128xf32, #tpu.memory_space<vmem>> -> memref<1x1x4x8x128xf32, #tpu.memory_space<vmem>>
        %dma_wait3A_610 = tpu.memref_squeeze %dma_wait3A_609 : memref<1x1x4x8x128xf32, #tpu.memory_space<vmem>> -> memref<4x8x128xf32, #tpu.memory_space<vmem>>
        tpu.wait_dma2 semaphore(%dma_wait3A_601 : memref<!tpu.dma_semaphore, #tpu.memory_space<semaphore_mem>>) src(%dma_wait3A_610 : memref<4x8x128xf32, #tpu.memory_space<vmem>>) dst(%dma_wait3A_605 : memref<4x8x128xf32, #tpu.memory_space<hbm>>)
        %mul3A_611 = arith.constant 4 : i32
        %mul3A_612 = arith.muli %add3A, %mul3A_611 : i32
        %dma_wait3A_613 = arith.constant 2 : i32
        %dma_wait3A_614 = arith.constant 2 : i32
        %dma_wait3A_615 = arith.constant 0 : i32
        %dma_wait3A_616 = arith.constant 0 : i32
        %dma_wait3A_617 = arith.constant 0 : i32
        %dma_wait3A_618 = tpu.memref_slice %arg9[%select_n3A_370, %dma_wait3A_613, %dma_wait3A_615, %dma_wait3A_616, %dma_wait3A_617] : memref<2x4x4x8x128xf32, #tpu.memory_space<vmem>> -> memref<1x1x4x8x128xf32, #tpu.memory_space<vmem>>
        %dma_wait3A_619 = tpu.memref_squeeze %dma_wait3A_618 : memref<1x1x4x8x128xf32, #tpu.memory_space<vmem>> -> memref<4x8x128xf32, #tpu.memory_space<vmem>>
        %dma_wait3A_620 = arith.constant 0 : i32
        %dma_wait3A_621 = arith.constant 0 : i32
        %dma_wait3A_622 = tpu.memref_slice %arg4[%scan3A_346, %dma_wait3A_614, %mul3A_612, %dma_wait3A_620, %dma_wait3A_621] : memref<50x4x128x8x128xf32, #tpu.memory_space<hbm>> -> memref<1x1x4x8x128xf32, #tpu.memory_space<hbm>>
        %dma_wait3A_623 = tpu.memref_squeeze %dma_wait3A_622 : memref<1x1x4x8x128xf32, #tpu.memory_space<hbm>> -> memref<4x8x128xf32, #tpu.memory_space<hbm>>
        %dma_wait3A_624 = tpu.memref_slice %arg13[%select_n3A_370] : memref<2x!tpu.dma_semaphore, #tpu.memory_space<semaphore_mem>> -> memref<1x!tpu.dma_semaphore, #tpu.memory_space<semaphore_mem>>
        %dma_wait3A_625 = tpu.memref_squeeze %dma_wait3A_624 : memref<1x!tpu.dma_semaphore, #tpu.memory_space<semaphore_mem>> -> memref<!tpu.dma_semaphore, #tpu.memory_space<semaphore_mem>>
        %dma_wait3A_626 = arith.constant 0 : i32
        %dma_wait3A_627 = arith.constant 0 : i32
        %dma_wait3A_628 = tpu.memref_slice %arg4[%scan3A_346, %dma_wait3A_614, %mul3A_612, %dma_wait3A_626, %dma_wait3A_627] : memref<50x4x128x8x128xf32, #tpu.memory_space<hbm>> -> memref<1x1x4x8x128xf32, #tpu.memory_space<hbm>>
        %dma_wait3A_629 = tpu.memref_squeeze %dma_wait3A_628 : memref<1x1x4x8x128xf32, #tpu.memory_space<hbm>> -> memref<4x8x128xf32, #tpu.memory_space<hbm>>
        %dma_wait3A_630 = arith.constant 0 : i32
        %dma_wait3A_631 = arith.constant 0 : i32
        %dma_wait3A_632 = arith.constant 0 : i32
        %dma_wait3A_633 = tpu.memref_slice %arg9[%select_n3A_370, %dma_wait3A_613, %dma_wait3A_630, %dma_wait3A_631, %dma_wait3A_632] : memref<2x4x4x8x128xf32, #tpu.memory_space<vmem>> -> memref<1x1x4x8x128xf32, #tpu.memory_space<vmem>>
        %dma_wait3A_634 = tpu.memref_squeeze %dma_wait3A_633 : memref<1x1x4x8x128xf32, #tpu.memory_space<vmem>> -> memref<4x8x128xf32, #tpu.memory_space<vmem>>
        tpu.wait_dma2 semaphore(%dma_wait3A_625 : memref<!tpu.dma_semaphore, #tpu.memory_space<semaphore_mem>>) src(%dma_wait3A_634 : memref<4x8x128xf32, #tpu.memory_space<vmem>>) dst(%dma_wait3A_629 : memref<4x8x128xf32, #tpu.memory_space<hbm>>)
        %mul3A_635 = arith.constant 4 : i32
        %mul3A_636 = arith.muli %add3A, %mul3A_635 : i32
        %dma_wait3A_637 = arith.constant 3 : i32
        %dma_wait3A_638 = arith.constant 3 : i32
        %dma_wait3A_639 = arith.constant 0 : i32
        %dma_wait3A_640 = arith.constant 0 : i32
        %dma_wait3A_641 = arith.constant 0 : i32
        %dma_wait3A_642 = tpu.memref_slice %arg9[%select_n3A_370, %dma_wait3A_637, %dma_wait3A_639, %dma_wait3A_640, %dma_wait3A_641] : memref<2x4x4x8x128xf32, #tpu.memory_space<vmem>> -> memref<1x1x4x8x128xf32, #tpu.memory_space<vmem>>
        %dma_wait3A_643 = tpu.memref_squeeze %dma_wait3A_642 : memref<1x1x4x8x128xf32, #tpu.memory_space<vmem>> -> memref<4x8x128xf32, #tpu.memory_space<vmem>>
        %dma_wait3A_644 = arith.constant 0 : i32
        %dma_wait3A_645 = arith.constant 0 : i32
        %dma_wait3A_646 = tpu.memref_slice %arg4[%scan3A_346, %dma_wait3A_638, %mul3A_636, %dma_wait3A_644, %dma_wait3A_645] : memref<50x4x128x8x128xf32, #tpu.memory_space<hbm>> -> memref<1x1x4x8x128xf32, #tpu.memory_space<hbm>>
        %dma_wait3A_647 = tpu.memref_squeeze %dma_wait3A_646 : memref<1x1x4x8x128xf32, #tpu.memory_space<hbm>> -> memref<4x8x128xf32, #tpu.memory_space<hbm>>
        %dma_wait3A_648 = tpu.memref_slice %arg13[%select_n3A_370] : memref<2x!tpu.dma_semaphore, #tpu.memory_space<semaphore_mem>> -> memref<1x!tpu.dma_semaphore, #tpu.memory_space<semaphore_mem>>
        %dma_wait3A_649 = tpu.memref_squeeze %dma_wait3A_648 : memref<1x!tpu.dma_semaphore, #tpu.memory_space<semaphore_mem>> -> memref<!tpu.dma_semaphore, #tpu.memory_space<semaphore_mem>>
        %dma_wait3A_650 = arith.constant 0 : i32
        %dma_wait3A_651 = arith.constant 0 : i32
        %dma_wait3A_652 = tpu.memref_slice %arg4[%scan3A_346, %dma_wait3A_638, %mul3A_636, %dma_wait3A_650, %dma_wait3A_651] : memref<50x4x128x8x128xf32, #tpu.memory_space<hbm>> -> memref<1x1x4x8x128xf32, #tpu.memory_space<hbm>>
        %dma_wait3A_653 = tpu.memref_squeeze %dma_wait3A_652 : memref<1x1x4x8x128xf32, #tpu.memory_space<hbm>> -> memref<4x8x128xf32, #tpu.memory_space<hbm>>
        %dma_wait3A_654 = arith.constant 0 : i32
        %dma_wait3A_655 = arith.constant 0 : i32
        %dma_wait3A_656 = arith.constant 0 : i32
        %dma_wait3A_657 = tpu.memref_slice %arg9[%select_n3A_370, %dma_wait3A_637, %dma_wait3A_654, %dma_wait3A_655, %dma_wait3A_656] : memref<2x4x4x8x128xf32, #tpu.memory_space<vmem>> -> memref<1x1x4x8x128xf32, #tpu.memory_space<vmem>>
        %dma_wait3A_658 = tpu.memref_squeeze %dma_wait3A_657 : memref<1x1x4x8x128xf32, #tpu.memory_space<vmem>> -> memref<4x8x128xf32, #tpu.memory_space<vmem>>
        tpu.wait_dma2 semaphore(%dma_wait3A_649 : memref<!tpu.dma_semaphore, #tpu.memory_space<semaphore_mem>>) src(%dma_wait3A_658 : memref<4x8x128xf32, #tpu.memory_space<vmem>>) dst(%dma_wait3A_653 : memref<4x8x128xf32, #tpu.memory_space<hbm>>)
      } else {
      }
      %parallel_loop3A = arith.constant 0 : i32
      %parallel_loop3A_464 = arith.constant 32 : i32
      %parallel_loop3A_465 = arith.constant 1 : i32
      scf.for %parallel_loop3A_563 = %parallel_loop3A to %parallel_loop3A_464 step %parallel_loop3A_465  : i32 {
        %parallel_loop3A_564 = arith.constant 16 : i32
        %parallel_loop3A_565 = arith.muli %parallel_loop3A_563, %parallel_loop3A_564 : i32
        %parallel_loop3A_566 = vector.broadcast %parallel_loop3A_565 : i32 to vector<16xi32>
        %parallel_loop3A_567 = arith.addi %parallel_loop3A_566, %iota3A : vector<16xi32>
        %parallel_loop3A_568 = arith.constant 8 : i32
        %parallel_loop3A_569 = arith.divsi %parallel_loop3A_563, %parallel_loop3A_568 : i32
        %parallel_loop3A_570 = arith.constant 0 : i32
        %parallel_loop3A_571 = arith.cmpi sgt, %parallel_loop3A_563, %parallel_loop3A_570 : i32
        %parallel_loop3A_572 = arith.extui %parallel_loop3A_571 : i1 to i32
        %parallel_loop3A_573 = arith.constant 0 : i32
        %parallel_loop3A_574 = arith.cmpi slt, %parallel_loop3A_563, %parallel_loop3A_573 : i32
        %parallel_loop3A_575 = arith.extui %parallel_loop3A_574 : i1 to i32
        %parallel_loop3A_576 = arith.subi %parallel_loop3A_572, %parallel_loop3A_575 : i32
        %parallel_loop3A_577 = arith.constant 0 : i32
        %parallel_loop3A_578 = arith.cmpi sgt, %parallel_loop3A_568, %parallel_loop3A_577 : i32
        %parallel_loop3A_579 = arith.extui %parallel_loop3A_578 : i1 to i32
        %parallel_loop3A_580 = arith.constant 0 : i32
        %parallel_loop3A_581 = arith.cmpi slt, %parallel_loop3A_568, %parallel_loop3A_580 : i32
        %parallel_loop3A_582 = arith.extui %parallel_loop3A_581 : i1 to i32
        %parallel_loop3A_583 = arith.subi %parallel_loop3A_579, %parallel_loop3A_582 : i32
        %parallel_loop3A_584 = arith.cmpi ne, %parallel_loop3A_576, %parallel_loop3A_583 : i32
        %parallel_loop3A_585 = arith.remsi %parallel_loop3A_563, %parallel_loop3A_568 : i32
        %parallel_loop3A_586 = arith.constant 0 : i32
        %parallel_loop3A_587 = arith.cmpi ne, %parallel_loop3A_585, %parallel_loop3A_586 : i32
        %parallel_loop3A_588 = arith.andi %parallel_loop3A_584, %parallel_loop3A_587 : i1
        %parallel_loop3A_589 = arith.constant 1 : i32
        %parallel_loop3A_590 = arith.subi %parallel_loop3A_569, %parallel_loop3A_589 : i32
        %parallel_loop3A_591 = arith.select %parallel_loop3A_588, %parallel_loop3A_590, %parallel_loop3A_569 : i32
        %parallel_loop3A_592 = arith.constant 8 : i32
        %parallel_loop3A_593 = arith.constant 0 : i32
        %parallel_loop3A_594 = arith.cmpi eq, %parallel_loop3A_592, %parallel_loop3A_593 : i32
        %parallel_loop3A_595 = arith.constant 1 : i32
        %parallel_loop3A_596 = arith.select %parallel_loop3A_594, %parallel_loop3A_595, %parallel_loop3A_592 : i32
        %parallel_loop3A_597 = arith.remsi %parallel_loop3A_563, %parallel_loop3A_596 : i32
        %parallel_loop3A_598 = arith.constant 0 : i32
        %parallel_loop3A_599 = arith.cmpi ne, %parallel_loop3A_597, %parallel_loop3A_598 : i32
        %parallel_loop3A_600 = arith.constant 0 : i32
        %parallel_loop3A_601 = arith.cmpi slt, %parallel_loop3A_597, %parallel_loop3A_600 : i32
        %parallel_loop3A_602 = arith.constant 0 : i32
        %parallel_loop3A_603 = arith.cmpi slt, %parallel_loop3A_596, %parallel_loop3A_602 : i32
        %parallel_loop3A_604 = arith.xori %parallel_loop3A_601, %parallel_loop3A_603 : i1
        %parallel_loop3A_605 = arith.andi %parallel_loop3A_604, %parallel_loop3A_599 : i1
        %parallel_loop3A_606 = arith.addi %parallel_loop3A_597, %parallel_loop3A_596 : i32
        %parallel_loop3A_607 = arith.select %parallel_loop3A_605, %parallel_loop3A_606, %parallel_loop3A_597 : i32
        %parallel_loop3A_608 = arith.constant 16 : i32
        %parallel_loop3A_609 = arith.muli %parallel_loop3A_607, %parallel_loop3A_608 : i32
        %parallel_loop3A_610 = arith.constant 0 : i32
        %parallel_loop3A_611 = vector.broadcast %parallel_loop3A_610 : i32 to vector<16xi32>
        %parallel_loop3A_612 = arith.constant 0 : i32
        %parallel_loop3A_613 = arith.constant 0 : i32
        %parallel_loop3A_614 = tpu.memref_slice %arg8[%select_n3A_370, %parallel_loop3A_612, %parallel_loop3A_613] : memref<2x512x32xf32, #tpu.memory_space<vmem>> -> memref<1x512x32xf32, #tpu.memory_space<vmem>>
        %parallel_loop3A_615 = tpu.memref_squeeze %parallel_loop3A_614 : memref<1x512x32xf32, #tpu.memory_space<vmem>> -> memref<512x32xf32, #tpu.memory_space<vmem>>
        %parallel_loop3A_616 = tpu.vector_load_idx %parallel_loop3A_615[%parallel_loop3A_567, %parallel_loop3A_611] : memref<512x32xf32, #tpu.memory_space<vmem>>[vector<16xi32>, vector<16xi32>], vector<16xf32>,
        %parallel_loop3A_617 = arith.constant 0 : i32
        %parallel_loop3A_618 = arith.constant 0 : i32
        %parallel_loop3A_619 = arith.index_cast %select_n3A_370 : i32 to index
        %parallel_loop3A_620 = arith.index_cast %parallel_loop3A_617 : i32 to index
        %parallel_loop3A_621 = arith.index_cast %parallel_loop3A_591 : i32 to index
        %parallel_loop3A_622 = arith.index_cast %parallel_loop3A_618 : i32 to index
        %parallel_loop3A_623 = arith.index_cast %parallel_loop3A_609 : i32 to index
        %parallel_loop3A_624 = tpu.vector_load %arg9[%parallel_loop3A_619, %parallel_loop3A_620, %parallel_loop3A_621, %parallel_loop3A_622, %parallel_loop3A_623] {strides = array<i32>} : memref<2x4x4x8x128xf32, #tpu.memory_space<vmem>>, vector<16xf32>,
        tpu.vector_store %arg9[%parallel_loop3A_619, %parallel_loop3A_620, %parallel_loop3A_621, %parallel_loop3A_622, %parallel_loop3A_623], %parallel_loop3A_616 {strides = array<i32>} : memref<2x4x4x8x128xf32, #tpu.memory_space<vmem>>, vector<16xf32>,
        %parallel_loop3A_625 = arith.constant 1 : i32
        %parallel_loop3A_626 = vector.broadcast %parallel_loop3A_625 : i32 to vector<16xi32>
        %parallel_loop3A_627 = arith.constant 0 : i32
        %parallel_loop3A_628 = arith.constant 0 : i32
        %parallel_loop3A_629 = tpu.memref_slice %arg8[%select_n3A_370, %parallel_loop3A_627, %parallel_loop3A_628] : memref<2x512x32xf32, #tpu.memory_space<vmem>> -> memref<1x512x32xf32, #tpu.memory_space<vmem>>
        %parallel_loop3A_630 = tpu.memref_squeeze %parallel_loop3A_629 : memref<1x512x32xf32, #tpu.memory_space<vmem>> -> memref<512x32xf32, #tpu.memory_space<vmem>>
        %parallel_loop3A_631 = tpu.vector_load_idx %parallel_loop3A_630[%parallel_loop3A_567, %parallel_loop3A_626] : memref<512x32xf32, #tpu.memory_space<vmem>>[vector<16xi32>, vector<16xi32>], vector<16xf32>,
        %parallel_loop3A_632 = arith.constant 0 : i32
        %parallel_loop3A_633 = arith.constant 1 : i32
        %parallel_loop3A_634 = arith.index_cast %select_n3A_370 : i32 to index
        %parallel_loop3A_635 = arith.index_cast %parallel_loop3A_632 : i32 to index
        %parallel_loop3A_636 = arith.index_cast %parallel_loop3A_591 : i32 to index
        %parallel_loop3A_637 = arith.index_cast %parallel_loop3A_633 : i32 to index
        %parallel_loop3A_638 = arith.index_cast %parallel_loop3A_609 : i32 to index
        %parallel_loop3A_639 = tpu.vector_load %arg9[%parallel_loop3A_634, %parallel_loop3A_635, %parallel_loop3A_636, %parallel_loop3A_637, %parallel_loop3A_638] {strides = array<i32>} : memref<2x4x4x8x128xf32, #tpu.memory_space<vmem>>, vector<16xf32>,
        tpu.vector_store %arg9[%parallel_loop3A_634, %parallel_loop3A_635, %parallel_loop3A_636, %parallel_loop3A_637, %parallel_loop3A_638], %parallel_loop3A_631 {strides = array<i32>} : memref<2x4x4x8x128xf32, #tpu.memory_space<vmem>>, vector<16xf32>,
        %parallel_loop3A_640 = arith.constant 2 : i32
        %parallel_loop3A_641 = vector.broadcast %parallel_loop3A_640 : i32 to vector<16xi32>
        %parallel_loop3A_642 = arith.constant 0 : i32
        %parallel_loop3A_643 = arith.constant 0 : i32
        %parallel_loop3A_644 = tpu.memref_slice %arg8[%select_n3A_370, %parallel_loop3A_642, %parallel_loop3A_643] : memref<2x512x32xf32, #tpu.memory_space<vmem>> -> memref<1x512x32xf32, #tpu.memory_space<vmem>>
        %parallel_loop3A_645 = tpu.memref_squeeze %parallel_loop3A_644 : memref<1x512x32xf32, #tpu.memory_space<vmem>> -> memref<512x32xf32, #tpu.memory_space<vmem>>
        %parallel_loop3A_646 = tpu.vector_load_idx %parallel_loop3A_645[%parallel_loop3A_567, %parallel_loop3A_641] : memref<512x32xf32, #tpu.memory_space<vmem>>[vector<16xi32>, vector<16xi32>], vector<16xf32>,
        %parallel_loop3A_647 = arith.constant 0 : i32
        %parallel_loop3A_648 = arith.constant 2 : i32
        %parallel_loop3A_649 = arith.index_cast %select_n3A_370 : i32 to index
        %parallel_loop3A_650 = arith.index_cast %parallel_loop3A_647 : i32 to index
        %parallel_loop3A_651 = arith.index_cast %parallel_loop3A_591 : i32 to index
        %parallel_loop3A_652 = arith.index_cast %parallel_loop3A_648 : i32 to index
        %parallel_loop3A_653 = arith.index_cast %parallel_loop3A_609 : i32 to index
        %parallel_loop3A_654 = tpu.vector_load %arg9[%parallel_loop3A_649, %parallel_loop3A_650, %parallel_loop3A_651, %parallel_loop3A_652, %parallel_loop3A_653] {strides = array<i32>} : memref<2x4x4x8x128xf32, #tpu.memory_space<vmem>>, vector<16xf32>,
        tpu.vector_store %arg9[%parallel_loop3A_649, %parallel_loop3A_650, %parallel_loop3A_651, %parallel_loop3A_652, %parallel_loop3A_653], %parallel_loop3A_646 {strides = array<i32>} : memref<2x4x4x8x128xf32, #tpu.memory_space<vmem>>, vector<16xf32>,
        %parallel_loop3A_655 = arith.constant 3 : i32
        %parallel_loop3A_656 = vector.broadcast %parallel_loop3A_655 : i32 to vector<16xi32>
        %parallel_loop3A_657 = arith.constant 0 : i32
        %parallel_loop3A_658 = arith.constant 0 : i32
        %parallel_loop3A_659 = tpu.memref_slice %arg8[%select_n3A_370, %parallel_loop3A_657, %parallel_loop3A_658] : memref<2x512x32xf32, #tpu.memory_space<vmem>> -> memref<1x512x32xf32, #tpu.memory_space<vmem>>
        %parallel_loop3A_660 = tpu.memref_squeeze %parallel_loop3A_659 : memref<1x512x32xf32, #tpu.memory_space<vmem>> -> memref<512x32xf32, #tpu.memory_space<vmem>>
        %parallel_loop3A_661 = tpu.vector_load_idx %parallel_loop3A_660[%parallel_loop3A_567, %parallel_loop3A_656] : memref<512x32xf32, #tpu.memory_space<vmem>>[vector<16xi32>, vector<16xi32>], vector<16xf32>,
        %parallel_loop3A_662 = arith.constant 0 : i32
        %parallel_loop3A_663 = arith.constant 3 : i32
        %parallel_loop3A_664 = arith.index_cast %select_n3A_370 : i32 to index
        %parallel_loop3A_665 = arith.index_cast %parallel_loop3A_662 : i32 to index
        %parallel_loop3A_666 = arith.index_cast %parallel_loop3A_591 : i32 to index
        %parallel_loop3A_667 = arith.index_cast %parallel_loop3A_663 : i32 to index
        %parallel_loop3A_668 = arith.index_cast %parallel_loop3A_609 : i32 to index
        %parallel_loop3A_669 = tpu.vector_load %arg9[%parallel_loop3A_664, %parallel_loop3A_665, %parallel_loop3A_666, %parallel_loop3A_667, %parallel_loop3A_668] {strides = array<i32>} : memref<2x4x4x8x128xf32, #tpu.memory_space<vmem>>, vector<16xf32>,
        tpu.vector_store %arg9[%parallel_loop3A_664, %parallel_loop3A_665, %parallel_loop3A_666, %parallel_loop3A_667, %parallel_loop3A_668], %parallel_loop3A_661 {strides = array<i32>} : memref<2x4x4x8x128xf32, #tpu.memory_space<vmem>>, vector<16xf32>,
        %parallel_loop3A_670 = arith.constant 4 : i32
        %parallel_loop3A_671 = vector.broadcast %parallel_loop3A_670 : i32 to vector<16xi32>
        %parallel_loop3A_672 = arith.constant 0 : i32
        %parallel_loop3A_673 = arith.constant 0 : i32
        %parallel_loop3A_674 = tpu.memref_slice %arg8[%select_n3A_370, %parallel_loop3A_672, %parallel_loop3A_673] : memref<2x512x32xf32, #tpu.memory_space<vmem>> -> memref<1x512x32xf32, #tpu.memory_space<vmem>>
        %parallel_loop3A_675 = tpu.memref_squeeze %parallel_loop3A_674 : memref<1x512x32xf32, #tpu.memory_space<vmem>> -> memref<512x32xf32, #tpu.memory_space<vmem>>
        %parallel_loop3A_676 = tpu.vector_load_idx %parallel_loop3A_675[%parallel_loop3A_567, %parallel_loop3A_671] : memref<512x32xf32, #tpu.memory_space<vmem>>[vector<16xi32>, vector<16xi32>], vector<16xf32>,
        %parallel_loop3A_677 = arith.constant 0 : i32
        %parallel_loop3A_678 = arith.constant 4 : i32
        %parallel_loop3A_679 = arith.index_cast %select_n3A_370 : i32 to index
        %parallel_loop3A_680 = arith.index_cast %parallel_loop3A_677 : i32 to index
        %parallel_loop3A_681 = arith.index_cast %parallel_loop3A_591 : i32 to index
        %parallel_loop3A_682 = arith.index_cast %parallel_loop3A_678 : i32 to index
        %parallel_loop3A_683 = arith.index_cast %parallel_loop3A_609 : i32 to index
        %parallel_loop3A_684 = tpu.vector_load %arg9[%parallel_loop3A_679, %parallel_loop3A_680, %parallel_loop3A_681, %parallel_loop3A_682, %parallel_loop3A_683] {strides = array<i32>} : memref<2x4x4x8x128xf32, #tpu.memory_space<vmem>>, vector<16xf32>,
        tpu.vector_store %arg9[%parallel_loop3A_679, %parallel_loop3A_680, %parallel_loop3A_681, %parallel_loop3A_682, %parallel_loop3A_683], %parallel_loop3A_676 {strides = array<i32>} : memref<2x4x4x8x128xf32, #tpu.memory_space<vmem>>, vector<16xf32>,
        %parallel_loop3A_685 = arith.constant 5 : i32
        %parallel_loop3A_686 = vector.broadcast %parallel_loop3A_685 : i32 to vector<16xi32>
        %parallel_loop3A_687 = arith.constant 0 : i32
        %parallel_loop3A_688 = arith.constant 0 : i32
        %parallel_loop3A_689 = tpu.memref_slice %arg8[%select_n3A_370, %parallel_loop3A_687, %parallel_loop3A_688] : memref<2x512x32xf32, #tpu.memory_space<vmem>> -> memref<1x512x32xf32, #tpu.memory_space<vmem>>
        %parallel_loop3A_690 = tpu.memref_squeeze %parallel_loop3A_689 : memref<1x512x32xf32, #tpu.memory_space<vmem>> -> memref<512x32xf32, #tpu.memory_space<vmem>>
        %parallel_loop3A_691 = tpu.vector_load_idx %parallel_loop3A_690[%parallel_loop3A_567, %parallel_loop3A_686] : memref<512x32xf32, #tpu.memory_space<vmem>>[vector<16xi32>, vector<16xi32>], vector<16xf32>,
        %parallel_loop3A_692 = arith.constant 0 : i32
        %parallel_loop3A_693 = arith.constant 5 : i32
        %parallel_loop3A_694 = arith.index_cast %select_n3A_370 : i32 to index
        %parallel_loop3A_695 = arith.index_cast %parallel_loop3A_692 : i32 to index
        %parallel_loop3A_696 = arith.index_cast %parallel_loop3A_591 : i32 to index
        %parallel_loop3A_697 = arith.index_cast %parallel_loop3A_693 : i32 to index
        %parallel_loop3A_698 = arith.index_cast %parallel_loop3A_609 : i32 to index
        %parallel_loop3A_699 = tpu.vector_load %arg9[%parallel_loop3A_694, %parallel_loop3A_695, %parallel_loop3A_696, %parallel_loop3A_697, %parallel_loop3A_698] {strides = array<i32>} : memref<2x4x4x8x128xf32, #tpu.memory_space<vmem>>, vector<16xf32>,
        tpu.vector_store %arg9[%parallel_loop3A_694, %parallel_loop3A_695, %parallel_loop3A_696, %parallel_loop3A_697, %parallel_loop3A_698], %parallel_loop3A_691 {strides = array<i32>} : memref<2x4x4x8x128xf32, #tpu.memory_space<vmem>>, vector<16xf32>,
        %parallel_loop3A_700 = arith.constant 6 : i32
        %parallel_loop3A_701 = vector.broadcast %parallel_loop3A_700 : i32 to vector<16xi32>
        %parallel_loop3A_702 = arith.constant 0 : i32
        %parallel_loop3A_703 = arith.constant 0 : i32
        %parallel_loop3A_704 = tpu.memref_slice %arg8[%select_n3A_370, %parallel_loop3A_702, %parallel_loop3A_703] : memref<2x512x32xf32, #tpu.memory_space<vmem>> -> memref<1x512x32xf32, #tpu.memory_space<vmem>>
        %parallel_loop3A_705 = tpu.memref_squeeze %parallel_loop3A_704 : memref<1x512x32xf32, #tpu.memory_space<vmem>> -> memref<512x32xf32, #tpu.memory_space<vmem>>
        %parallel_loop3A_706 = tpu.vector_load_idx %parallel_loop3A_705[%parallel_loop3A_567, %parallel_loop3A_701] : memref<512x32xf32, #tpu.memory_space<vmem>>[vector<16xi32>, vector<16xi32>], vector<16xf32>,
        %parallel_loop3A_707 = arith.constant 0 : i32
        %parallel_loop3A_708 = arith.constant 6 : i32
        %parallel_loop3A_709 = arith.index_cast %select_n3A_370 : i32 to index
        %parallel_loop3A_710 = arith.index_cast %parallel_loop3A_707 : i32 to index
        %parallel_loop3A_711 = arith.index_cast %parallel_loop3A_591 : i32 to index
        %parallel_loop3A_712 = arith.index_cast %parallel_loop3A_708 : i32 to index
        %parallel_loop3A_713 = arith.index_cast %parallel_loop3A_609 : i32 to index
        %parallel_loop3A_714 = tpu.vector_load %arg9[%parallel_loop3A_709, %parallel_loop3A_710, %parallel_loop3A_711, %parallel_loop3A_712, %parallel_loop3A_713] {strides = array<i32>} : memref<2x4x4x8x128xf32, #tpu.memory_space<vmem>>, vector<16xf32>,
        tpu.vector_store %arg9[%parallel_loop3A_709, %parallel_loop3A_710, %parallel_loop3A_711, %parallel_loop3A_712, %parallel_loop3A_713], %parallel_loop3A_706 {strides = array<i32>} : memref<2x4x4x8x128xf32, #tpu.memory_space<vmem>>, vector<16xf32>,
        %parallel_loop3A_715 = arith.constant 7 : i32
        %parallel_loop3A_716 = vector.broadcast %parallel_loop3A_715 : i32 to vector<16xi32>
        %parallel_loop3A_717 = arith.constant 0 : i32
        %parallel_loop3A_718 = arith.constant 0 : i32
        %parallel_loop3A_719 = tpu.memref_slice %arg8[%select_n3A_370, %parallel_loop3A_717, %parallel_loop3A_718] : memref<2x512x32xf32, #tpu.memory_space<vmem>> -> memref<1x512x32xf32, #tpu.memory_space<vmem>>
        %parallel_loop3A_720 = tpu.memref_squeeze %parallel_loop3A_719 : memref<1x512x32xf32, #tpu.memory_space<vmem>> -> memref<512x32xf32, #tpu.memory_space<vmem>>
        %parallel_loop3A_721 = tpu.vector_load_idx %parallel_loop3A_720[%parallel_loop3A_567, %parallel_loop3A_716] : memref<512x32xf32, #tpu.memory_space<vmem>>[vector<16xi32>, vector<16xi32>], vector<16xf32>,
        %parallel_loop3A_722 = arith.constant 0 : i32
        %parallel_loop3A_723 = arith.constant 7 : i32
        %parallel_loop3A_724 = arith.index_cast %select_n3A_370 : i32 to index
        %parallel_loop3A_725 = arith.index_cast %parallel_loop3A_722 : i32 to index
        %parallel_loop3A_726 = arith.index_cast %parallel_loop3A_591 : i32 to index
        %parallel_loop3A_727 = arith.index_cast %parallel_loop3A_723 : i32 to index
        %parallel_loop3A_728 = arith.index_cast %parallel_loop3A_609 : i32 to index
        %parallel_loop3A_729 = tpu.vector_load %arg9[%parallel_loop3A_724, %parallel_loop3A_725, %parallel_loop3A_726, %parallel_loop3A_727, %parallel_loop3A_728] {strides = array<i32>} : memref<2x4x4x8x128xf32, #tpu.memory_space<vmem>>, vector<16xf32>,
        tpu.vector_store %arg9[%parallel_loop3A_724, %parallel_loop3A_725, %parallel_loop3A_726, %parallel_loop3A_727, %parallel_loop3A_728], %parallel_loop3A_721 {strides = array<i32>} : memref<2x4x4x8x128xf32, #tpu.memory_space<vmem>>, vector<16xf32>,
        %parallel_loop3A_730 = arith.constant 8 : i32
        %parallel_loop3A_731 = vector.broadcast %parallel_loop3A_730 : i32 to vector<16xi32>
        %parallel_loop3A_732 = arith.constant 0 : i32
        %parallel_loop3A_733 = arith.constant 0 : i32
        %parallel_loop3A_734 = tpu.memref_slice %arg8[%select_n3A_370, %parallel_loop3A_732, %parallel_loop3A_733] : memref<2x512x32xf32, #tpu.memory_space<vmem>> -> memref<1x512x32xf32, #tpu.memory_space<vmem>>
        %parallel_loop3A_735 = tpu.memref_squeeze %parallel_loop3A_734 : memref<1x512x32xf32, #tpu.memory_space<vmem>> -> memref<512x32xf32, #tpu.memory_space<vmem>>
        %parallel_loop3A_736 = tpu.vector_load_idx %parallel_loop3A_735[%parallel_loop3A_567, %parallel_loop3A_731] : memref<512x32xf32, #tpu.memory_space<vmem>>[vector<16xi32>, vector<16xi32>], vector<16xf32>,
        %parallel_loop3A_737 = arith.constant 1 : i32
        %parallel_loop3A_738 = arith.constant 0 : i32
        %parallel_loop3A_739 = arith.index_cast %select_n3A_370 : i32 to index
        %parallel_loop3A_740 = arith.index_cast %parallel_loop3A_737 : i32 to index
        %parallel_loop3A_741 = arith.index_cast %parallel_loop3A_591 : i32 to index
        %parallel_loop3A_742 = arith.index_cast %parallel_loop3A_738 : i32 to index
        %parallel_loop3A_743 = arith.index_cast %parallel_loop3A_609 : i32 to index
        %parallel_loop3A_744 = tpu.vector_load %arg9[%parallel_loop3A_739, %parallel_loop3A_740, %parallel_loop3A_741, %parallel_loop3A_742, %parallel_loop3A_743] {strides = array<i32>} : memref<2x4x4x8x128xf32, #tpu.memory_space<vmem>>, vector<16xf32>,
        tpu.vector_store %arg9[%parallel_loop3A_739, %parallel_loop3A_740, %parallel_loop3A_741, %parallel_loop3A_742, %parallel_loop3A_743], %parallel_loop3A_736 {strides = array<i32>} : memref<2x4x4x8x128xf32, #tpu.memory_space<vmem>>, vector<16xf32>,
        %parallel_loop3A_745 = arith.constant 9 : i32
        %parallel_loop3A_746 = vector.broadcast %parallel_loop3A_745 : i32 to vector<16xi32>
        %parallel_loop3A_747 = arith.constant 0 : i32
        %parallel_loop3A_748 = arith.constant 0 : i32
        %parallel_loop3A_749 = tpu.memref_slice %arg8[%select_n3A_370, %parallel_loop3A_747, %parallel_loop3A_748] : memref<2x512x32xf32, #tpu.memory_space<vmem>> -> memref<1x512x32xf32, #tpu.memory_space<vmem>>
        %parallel_loop3A_750 = tpu.memref_squeeze %parallel_loop3A_749 : memref<1x512x32xf32, #tpu.memory_space<vmem>> -> memref<512x32xf32, #tpu.memory_space<vmem>>
        %parallel_loop3A_751 = tpu.vector_load_idx %parallel_loop3A_750[%parallel_loop3A_567, %parallel_loop3A_746] : memref<512x32xf32, #tpu.memory_space<vmem>>[vector<16xi32>, vector<16xi32>], vector<16xf32>,
        %parallel_loop3A_752 = arith.constant 1 : i32
        %parallel_loop3A_753 = arith.constant 1 : i32
        %parallel_loop3A_754 = arith.index_cast %select_n3A_370 : i32 to index
        %parallel_loop3A_755 = arith.index_cast %parallel_loop3A_752 : i32 to index
        %parallel_loop3A_756 = arith.index_cast %parallel_loop3A_591 : i32 to index
        %parallel_loop3A_757 = arith.index_cast %parallel_loop3A_753 : i32 to index
        %parallel_loop3A_758 = arith.index_cast %parallel_loop3A_609 : i32 to index
        %parallel_loop3A_759 = tpu.vector_load %arg9[%parallel_loop3A_754, %parallel_loop3A_755, %parallel_loop3A_756, %parallel_loop3A_757, %parallel_loop3A_758] {strides = array<i32>} : memref<2x4x4x8x128xf32, #tpu.memory_space<vmem>>, vector<16xf32>,
        tpu.vector_store %arg9[%parallel_loop3A_754, %parallel_loop3A_755, %parallel_loop3A_756, %parallel_loop3A_757, %parallel_loop3A_758], %parallel_loop3A_751 {strides = array<i32>} : memref<2x4x4x8x128xf32, #tpu.memory_space<vmem>>, vector<16xf32>,
        %parallel_loop3A_760 = arith.constant 10 : i32
        %parallel_loop3A_761 = vector.broadcast %parallel_loop3A_760 : i32 to vector<16xi32>
        %parallel_loop3A_762 = arith.constant 0 : i32
        %parallel_loop3A_763 = arith.constant 0 : i32
        %parallel_loop3A_764 = tpu.memref_slice %arg8[%select_n3A_370, %parallel_loop3A_762, %parallel_loop3A_763] : memref<2x512x32xf32, #tpu.memory_space<vmem>> -> memref<1x512x32xf32, #tpu.memory_space<vmem>>
        %parallel_loop3A_765 = tpu.memref_squeeze %parallel_loop3A_764 : memref<1x512x32xf32, #tpu.memory_space<vmem>> -> memref<512x32xf32, #tpu.memory_space<vmem>>
        %parallel_loop3A_766 = tpu.vector_load_idx %parallel_loop3A_765[%parallel_loop3A_567, %parallel_loop3A_761] : memref<512x32xf32, #tpu.memory_space<vmem>>[vector<16xi32>, vector<16xi32>], vector<16xf32>,
        %parallel_loop3A_767 = arith.constant 1 : i32
        %parallel_loop3A_768 = arith.constant 2 : i32
        %parallel_loop3A_769 = arith.index_cast %select_n3A_370 : i32 to index
        %parallel_loop3A_770 = arith.index_cast %parallel_loop3A_767 : i32 to index
        %parallel_loop3A_771 = arith.index_cast %parallel_loop3A_591 : i32 to index
        %parallel_loop3A_772 = arith.index_cast %parallel_loop3A_768 : i32 to index
        %parallel_loop3A_773 = arith.index_cast %parallel_loop3A_609 : i32 to index
        %parallel_loop3A_774 = tpu.vector_load %arg9[%parallel_loop3A_769, %parallel_loop3A_770, %parallel_loop3A_771, %parallel_loop3A_772, %parallel_loop3A_773] {strides = array<i32>} : memref<2x4x4x8x128xf32, #tpu.memory_space<vmem>>, vector<16xf32>,
        tpu.vector_store %arg9[%parallel_loop3A_769, %parallel_loop3A_770, %parallel_loop3A_771, %parallel_loop3A_772, %parallel_loop3A_773], %parallel_loop3A_766 {strides = array<i32>} : memref<2x4x4x8x128xf32, #tpu.memory_space<vmem>>, vector<16xf32>,
        %parallel_loop3A_775 = arith.constant 11 : i32
        %parallel_loop3A_776 = vector.broadcast %parallel_loop3A_775 : i32 to vector<16xi32>
        %parallel_loop3A_777 = arith.constant 0 : i32
        %parallel_loop3A_778 = arith.constant 0 : i32
        %parallel_loop3A_779 = tpu.memref_slice %arg8[%select_n3A_370, %parallel_loop3A_777, %parallel_loop3A_778] : memref<2x512x32xf32, #tpu.memory_space<vmem>> -> memref<1x512x32xf32, #tpu.memory_space<vmem>>
        %parallel_loop3A_780 = tpu.memref_squeeze %parallel_loop3A_779 : memref<1x512x32xf32, #tpu.memory_space<vmem>> -> memref<512x32xf32, #tpu.memory_space<vmem>>
        %parallel_loop3A_781 = tpu.vector_load_idx %parallel_loop3A_780[%parallel_loop3A_567, %parallel_loop3A_776] : memref<512x32xf32, #tpu.memory_space<vmem>>[vector<16xi32>, vector<16xi32>], vector<16xf32>,
        %parallel_loop3A_782 = arith.constant 1 : i32
        %parallel_loop3A_783 = arith.constant 3 : i32
        %parallel_loop3A_784 = arith.index_cast %select_n3A_370 : i32 to index
        %parallel_loop3A_785 = arith.index_cast %parallel_loop3A_782 : i32 to index
        %parallel_loop3A_786 = arith.index_cast %parallel_loop3A_591 : i32 to index
        %parallel_loop3A_787 = arith.index_cast %parallel_loop3A_783 : i32 to index
        %parallel_loop3A_788 = arith.index_cast %parallel_loop3A_609 : i32 to index
        %parallel_loop3A_789 = tpu.vector_load %arg9[%parallel_loop3A_784, %parallel_loop3A_785, %parallel_loop3A_786, %parallel_loop3A_787, %parallel_loop3A_788] {strides = array<i32>} : memref<2x4x4x8x128xf32, #tpu.memory_space<vmem>>, vector<16xf32>,
        tpu.vector_store %arg9[%parallel_loop3A_784, %parallel_loop3A_785, %parallel_loop3A_786, %parallel_loop3A_787, %parallel_loop3A_788], %parallel_loop3A_781 {strides = array<i32>} : memref<2x4x4x8x128xf32, #tpu.memory_space<vmem>>, vector<16xf32>,
        %parallel_loop3A_790 = arith.constant 12 : i32
        %parallel_loop3A_791 = vector.broadcast %parallel_loop3A_790 : i32 to vector<16xi32>
        %parallel_loop3A_792 = arith.constant 0 : i32
        %parallel_loop3A_793 = arith.constant 0 : i32
        %parallel_loop3A_794 = tpu.memref_slice %arg8[%select_n3A_370, %parallel_loop3A_792, %parallel_loop3A_793] : memref<2x512x32xf32, #tpu.memory_space<vmem>> -> memref<1x512x32xf32, #tpu.memory_space<vmem>>
        %parallel_loop3A_795 = tpu.memref_squeeze %parallel_loop3A_794 : memref<1x512x32xf32, #tpu.memory_space<vmem>> -> memref<512x32xf32, #tpu.memory_space<vmem>>
        %parallel_loop3A_796 = tpu.vector_load_idx %parallel_loop3A_795[%parallel_loop3A_567, %parallel_loop3A_791] : memref<512x32xf32, #tpu.memory_space<vmem>>[vector<16xi32>, vector<16xi32>], vector<16xf32>,
        %parallel_loop3A_797 = arith.constant 1 : i32
        %parallel_loop3A_798 = arith.constant 4 : i32
        %parallel_loop3A_799 = arith.index_cast %select_n3A_370 : i32 to index
        %parallel_loop3A_800 = arith.index_cast %parallel_loop3A_797 : i32 to index
        %parallel_loop3A_801 = arith.index_cast %parallel_loop3A_591 : i32 to index
        %parallel_loop3A_802 = arith.index_cast %parallel_loop3A_798 : i32 to index
        %parallel_loop3A_803 = arith.index_cast %parallel_loop3A_609 : i32 to index
        %parallel_loop3A_804 = tpu.vector_load %arg9[%parallel_loop3A_799, %parallel_loop3A_800, %parallel_loop3A_801, %parallel_loop3A_802, %parallel_loop3A_803] {strides = array<i32>} : memref<2x4x4x8x128xf32, #tpu.memory_space<vmem>>, vector<16xf32>,
        tpu.vector_store %arg9[%parallel_loop3A_799, %parallel_loop3A_800, %parallel_loop3A_801, %parallel_loop3A_802, %parallel_loop3A_803], %parallel_loop3A_796 {strides = array<i32>} : memref<2x4x4x8x128xf32, #tpu.memory_space<vmem>>, vector<16xf32>,
        %parallel_loop3A_805 = arith.constant 13 : i32
        %parallel_loop3A_806 = vector.broadcast %parallel_loop3A_805 : i32 to vector<16xi32>
        %parallel_loop3A_807 = arith.constant 0 : i32
        %parallel_loop3A_808 = arith.constant 0 : i32
        %parallel_loop3A_809 = tpu.memref_slice %arg8[%select_n3A_370, %parallel_loop3A_807, %parallel_loop3A_808] : memref<2x512x32xf32, #tpu.memory_space<vmem>> -> memref<1x512x32xf32, #tpu.memory_space<vmem>>
        %parallel_loop3A_810 = tpu.memref_squeeze %parallel_loop3A_809 : memref<1x512x32xf32, #tpu.memory_space<vmem>> -> memref<512x32xf32, #tpu.memory_space<vmem>>
        %parallel_loop3A_811 = tpu.vector_load_idx %parallel_loop3A_810[%parallel_loop3A_567, %parallel_loop3A_806] : memref<512x32xf32, #tpu.memory_space<vmem>>[vector<16xi32>, vector<16xi32>], vector<16xf32>,
        %parallel_loop3A_812 = arith.constant 1 : i32
        %parallel_loop3A_813 = arith.constant 5 : i32
        %parallel_loop3A_814 = arith.index_cast %select_n3A_370 : i32 to index
        %parallel_loop3A_815 = arith.index_cast %parallel_loop3A_812 : i32 to index
        %parallel_loop3A_816 = arith.index_cast %parallel_loop3A_591 : i32 to index
        %parallel_loop3A_817 = arith.index_cast %parallel_loop3A_813 : i32 to index
        %parallel_loop3A_818 = arith.index_cast %parallel_loop3A_609 : i32 to index
        %parallel_loop3A_819 = tpu.vector_load %arg9[%parallel_loop3A_814, %parallel_loop3A_815, %parallel_loop3A_816, %parallel_loop3A_817, %parallel_loop3A_818] {strides = array<i32>} : memref<2x4x4x8x128xf32, #tpu.memory_space<vmem>>, vector<16xf32>,
        tpu.vector_store %arg9[%parallel_loop3A_814, %parallel_loop3A_815, %parallel_loop3A_816, %parallel_loop3A_817, %parallel_loop3A_818], %parallel_loop3A_811 {strides = array<i32>} : memref<2x4x4x8x128xf32, #tpu.memory_space<vmem>>, vector<16xf32>,
        %parallel_loop3A_820 = arith.constant 14 : i32
        %parallel_loop3A_821 = vector.broadcast %parallel_loop3A_820 : i32 to vector<16xi32>
        %parallel_loop3A_822 = arith.constant 0 : i32
        %parallel_loop3A_823 = arith.constant 0 : i32
        %parallel_loop3A_824 = tpu.memref_slice %arg8[%select_n3A_370, %parallel_loop3A_822, %parallel_loop3A_823] : memref<2x512x32xf32, #tpu.memory_space<vmem>> -> memref<1x512x32xf32, #tpu.memory_space<vmem>>
        %parallel_loop3A_825 = tpu.memref_squeeze %parallel_loop3A_824 : memref<1x512x32xf32, #tpu.memory_space<vmem>> -> memref<512x32xf32, #tpu.memory_space<vmem>>
        %parallel_loop3A_826 = tpu.vector_load_idx %parallel_loop3A_825[%parallel_loop3A_567, %parallel_loop3A_821] : memref<512x32xf32, #tpu.memory_space<vmem>>[vector<16xi32>, vector<16xi32>], vector<16xf32>,
        %parallel_loop3A_827 = arith.constant 1 : i32
        %parallel_loop3A_828 = arith.constant 6 : i32
        %parallel_loop3A_829 = arith.index_cast %select_n3A_370 : i32 to index
        %parallel_loop3A_830 = arith.index_cast %parallel_loop3A_827 : i32 to index
        %parallel_loop3A_831 = arith.index_cast %parallel_loop3A_591 : i32 to index
        %parallel_loop3A_832 = arith.index_cast %parallel_loop3A_828 : i32 to index
        %parallel_loop3A_833 = arith.index_cast %parallel_loop3A_609 : i32 to index
        %parallel_loop3A_834 = tpu.vector_load %arg9[%parallel_loop3A_829, %parallel_loop3A_830, %parallel_loop3A_831, %parallel_loop3A_832, %parallel_loop3A_833] {strides = array<i32>} : memref<2x4x4x8x128xf32, #tpu.memory_space<vmem>>, vector<16xf32>,
        tpu.vector_store %arg9[%parallel_loop3A_829, %parallel_loop3A_830, %parallel_loop3A_831, %parallel_loop3A_832, %parallel_loop3A_833], %parallel_loop3A_826 {strides = array<i32>} : memref<2x4x4x8x128xf32, #tpu.memory_space<vmem>>, vector<16xf32>,
        %parallel_loop3A_835 = arith.constant 15 : i32
        %parallel_loop3A_836 = vector.broadcast %parallel_loop3A_835 : i32 to vector<16xi32>
        %parallel_loop3A_837 = arith.constant 0 : i32
        %parallel_loop3A_838 = arith.constant 0 : i32
        %parallel_loop3A_839 = tpu.memref_slice %arg8[%select_n3A_370, %parallel_loop3A_837, %parallel_loop3A_838] : memref<2x512x32xf32, #tpu.memory_space<vmem>> -> memref<1x512x32xf32, #tpu.memory_space<vmem>>
        %parallel_loop3A_840 = tpu.memref_squeeze %parallel_loop3A_839 : memref<1x512x32xf32, #tpu.memory_space<vmem>> -> memref<512x32xf32, #tpu.memory_space<vmem>>
        %parallel_loop3A_841 = tpu.vector_load_idx %parallel_loop3A_840[%parallel_loop3A_567, %parallel_loop3A_836] : memref<512x32xf32, #tpu.memory_space<vmem>>[vector<16xi32>, vector<16xi32>], vector<16xf32>,
        %parallel_loop3A_842 = arith.constant 1 : i32
        %parallel_loop3A_843 = arith.constant 7 : i32
        %parallel_loop3A_844 = arith.index_cast %select_n3A_370 : i32 to index
        %parallel_loop3A_845 = arith.index_cast %parallel_loop3A_842 : i32 to index
        %parallel_loop3A_846 = arith.index_cast %parallel_loop3A_591 : i32 to index
        %parallel_loop3A_847 = arith.index_cast %parallel_loop3A_843 : i32 to index
        %parallel_loop3A_848 = arith.index_cast %parallel_loop3A_609 : i32 to index
        %parallel_loop3A_849 = tpu.vector_load %arg9[%parallel_loop3A_844, %parallel_loop3A_845, %parallel_loop3A_846, %parallel_loop3A_847, %parallel_loop3A_848] {strides = array<i32>} : memref<2x4x4x8x128xf32, #tpu.memory_space<vmem>>, vector<16xf32>,
        tpu.vector_store %arg9[%parallel_loop3A_844, %parallel_loop3A_845, %parallel_loop3A_846, %parallel_loop3A_847, %parallel_loop3A_848], %parallel_loop3A_841 {strides = array<i32>} : memref<2x4x4x8x128xf32, #tpu.memory_space<vmem>>, vector<16xf32>,
        %parallel_loop3A_850 = arith.constant 16 : i32
        %parallel_loop3A_851 = vector.broadcast %parallel_loop3A_850 : i32 to vector<16xi32>
        %parallel_loop3A_852 = arith.constant 0 : i32
        %parallel_loop3A_853 = arith.constant 0 : i32
        %parallel_loop3A_854 = tpu.memref_slice %arg8[%select_n3A_370, %parallel_loop3A_852, %parallel_loop3A_853] : memref<2x512x32xf32, #tpu.memory_space<vmem>> -> memref<1x512x32xf32, #tpu.memory_space<vmem>>
        %parallel_loop3A_855 = tpu.memref_squeeze %parallel_loop3A_854 : memref<1x512x32xf32, #tpu.memory_space<vmem>> -> memref<512x32xf32, #tpu.memory_space<vmem>>
        %parallel_loop3A_856 = tpu.vector_load_idx %parallel_loop3A_855[%parallel_loop3A_567, %parallel_loop3A_851] : memref<512x32xf32, #tpu.memory_space<vmem>>[vector<16xi32>, vector<16xi32>], vector<16xf32>,
        %parallel_loop3A_857 = arith.constant 2 : i32
        %parallel_loop3A_858 = arith.constant 0 : i32
        %parallel_loop3A_859 = arith.index_cast %select_n3A_370 : i32 to index
        %parallel_loop3A_860 = arith.index_cast %parallel_loop3A_857 : i32 to index
        %parallel_loop3A_861 = arith.index_cast %parallel_loop3A_591 : i32 to index
        %parallel_loop3A_862 = arith.index_cast %parallel_loop3A_858 : i32 to index
        %parallel_loop3A_863 = arith.index_cast %parallel_loop3A_609 : i32 to index
        %parallel_loop3A_864 = tpu.vector_load %arg9[%parallel_loop3A_859, %parallel_loop3A_860, %parallel_loop3A_861, %parallel_loop3A_862, %parallel_loop3A_863] {strides = array<i32>} : memref<2x4x4x8x128xf32, #tpu.memory_space<vmem>>, vector<16xf32>,
        tpu.vector_store %arg9[%parallel_loop3A_859, %parallel_loop3A_860, %parallel_loop3A_861, %parallel_loop3A_862, %parallel_loop3A_863], %parallel_loop3A_856 {strides = array<i32>} : memref<2x4x4x8x128xf32, #tpu.memory_space<vmem>>, vector<16xf32>,
        %parallel_loop3A_865 = arith.constant 17 : i32
        %parallel_loop3A_866 = vector.broadcast %parallel_loop3A_865 : i32 to vector<16xi32>
        %parallel_loop3A_867 = arith.constant 0 : i32
        %parallel_loop3A_868 = arith.constant 0 : i32
        %parallel_loop3A_869 = tpu.memref_slice %arg8[%select_n3A_370, %parallel_loop3A_867, %parallel_loop3A_868] : memref<2x512x32xf32, #tpu.memory_space<vmem>> -> memref<1x512x32xf32, #tpu.memory_space<vmem>>
        %parallel_loop3A_870 = tpu.memref_squeeze %parallel_loop3A_869 : memref<1x512x32xf32, #tpu.memory_space<vmem>> -> memref<512x32xf32, #tpu.memory_space<vmem>>
        %parallel_loop3A_871 = tpu.vector_load_idx %parallel_loop3A_870[%parallel_loop3A_567, %parallel_loop3A_866] : memref<512x32xf32, #tpu.memory_space<vmem>>[vector<16xi32>, vector<16xi32>], vector<16xf32>,
        %parallel_loop3A_872 = arith.constant 2 : i32
        %parallel_loop3A_873 = arith.constant 1 : i32
        %parallel_loop3A_874 = arith.index_cast %select_n3A_370 : i32 to index
        %parallel_loop3A_875 = arith.index_cast %parallel_loop3A_872 : i32 to index
        %parallel_loop3A_876 = arith.index_cast %parallel_loop3A_591 : i32 to index
        %parallel_loop3A_877 = arith.index_cast %parallel_loop3A_873 : i32 to index
        %parallel_loop3A_878 = arith.index_cast %parallel_loop3A_609 : i32 to index
        %parallel_loop3A_879 = tpu.vector_load %arg9[%parallel_loop3A_874, %parallel_loop3A_875, %parallel_loop3A_876, %parallel_loop3A_877, %parallel_loop3A_878] {strides = array<i32>} : memref<2x4x4x8x128xf32, #tpu.memory_space<vmem>>, vector<16xf32>,
        tpu.vector_store %arg9[%parallel_loop3A_874, %parallel_loop3A_875, %parallel_loop3A_876, %parallel_loop3A_877, %parallel_loop3A_878], %parallel_loop3A_871 {strides = array<i32>} : memref<2x4x4x8x128xf32, #tpu.memory_space<vmem>>, vector<16xf32>,
        %parallel_loop3A_880 = arith.constant 18 : i32
        %parallel_loop3A_881 = vector.broadcast %parallel_loop3A_880 : i32 to vector<16xi32>
        %parallel_loop3A_882 = arith.constant 0 : i32
        %parallel_loop3A_883 = arith.constant 0 : i32
        %parallel_loop3A_884 = tpu.memref_slice %arg8[%select_n3A_370, %parallel_loop3A_882, %parallel_loop3A_883] : memref<2x512x32xf32, #tpu.memory_space<vmem>> -> memref<1x512x32xf32, #tpu.memory_space<vmem>>
        %parallel_loop3A_885 = tpu.memref_squeeze %parallel_loop3A_884 : memref<1x512x32xf32, #tpu.memory_space<vmem>> -> memref<512x32xf32, #tpu.memory_space<vmem>>
        %parallel_loop3A_886 = tpu.vector_load_idx %parallel_loop3A_885[%parallel_loop3A_567, %parallel_loop3A_881] : memref<512x32xf32, #tpu.memory_space<vmem>>[vector<16xi32>, vector<16xi32>], vector<16xf32>,
        %parallel_loop3A_887 = arith.constant 2 : i32
        %parallel_loop3A_888 = arith.constant 2 : i32
        %parallel_loop3A_889 = arith.index_cast %select_n3A_370 : i32 to index
        %parallel_loop3A_890 = arith.index_cast %parallel_loop3A_887 : i32 to index
        %parallel_loop3A_891 = arith.index_cast %parallel_loop3A_591 : i32 to index
        %parallel_loop3A_892 = arith.index_cast %parallel_loop3A_888 : i32 to index
        %parallel_loop3A_893 = arith.index_cast %parallel_loop3A_609 : i32 to index
        %parallel_loop3A_894 = tpu.vector_load %arg9[%parallel_loop3A_889, %parallel_loop3A_890, %parallel_loop3A_891, %parallel_loop3A_892, %parallel_loop3A_893] {strides = array<i32>} : memref<2x4x4x8x128xf32, #tpu.memory_space<vmem>>, vector<16xf32>,
        tpu.vector_store %arg9[%parallel_loop3A_889, %parallel_loop3A_890, %parallel_loop3A_891, %parallel_loop3A_892, %parallel_loop3A_893], %parallel_loop3A_886 {strides = array<i32>} : memref<2x4x4x8x128xf32, #tpu.memory_space<vmem>>, vector<16xf32>,
        %parallel_loop3A_895 = arith.constant 19 : i32
        %parallel_loop3A_896 = vector.broadcast %parallel_loop3A_895 : i32 to vector<16xi32>
        %parallel_loop3A_897 = arith.constant 0 : i32
        %parallel_loop3A_898 = arith.constant 0 : i32
        %parallel_loop3A_899 = tpu.memref_slice %arg8[%select_n3A_370, %parallel_loop3A_897, %parallel_loop3A_898] : memref<2x512x32xf32, #tpu.memory_space<vmem>> -> memref<1x512x32xf32, #tpu.memory_space<vmem>>
        %parallel_loop3A_900 = tpu.memref_squeeze %parallel_loop3A_899 : memref<1x512x32xf32, #tpu.memory_space<vmem>> -> memref<512x32xf32, #tpu.memory_space<vmem>>
        %parallel_loop3A_901 = tpu.vector_load_idx %parallel_loop3A_900[%parallel_loop3A_567, %parallel_loop3A_896] : memref<512x32xf32, #tpu.memory_space<vmem>>[vector<16xi32>, vector<16xi32>], vector<16xf32>,
        %parallel_loop3A_902 = arith.constant 2 : i32
        %parallel_loop3A_903 = arith.constant 3 : i32
        %parallel_loop3A_904 = arith.index_cast %select_n3A_370 : i32 to index
        %parallel_loop3A_905 = arith.index_cast %parallel_loop3A_902 : i32 to index
        %parallel_loop3A_906 = arith.index_cast %parallel_loop3A_591 : i32 to index
        %parallel_loop3A_907 = arith.index_cast %parallel_loop3A_903 : i32 to index
        %parallel_loop3A_908 = arith.index_cast %parallel_loop3A_609 : i32 to index
        %parallel_loop3A_909 = tpu.vector_load %arg9[%parallel_loop3A_904, %parallel_loop3A_905, %parallel_loop3A_906, %parallel_loop3A_907, %parallel_loop3A_908] {strides = array<i32>} : memref<2x4x4x8x128xf32, #tpu.memory_space<vmem>>, vector<16xf32>,
        tpu.vector_store %arg9[%parallel_loop3A_904, %parallel_loop3A_905, %parallel_loop3A_906, %parallel_loop3A_907, %parallel_loop3A_908], %parallel_loop3A_901 {strides = array<i32>} : memref<2x4x4x8x128xf32, #tpu.memory_space<vmem>>, vector<16xf32>,
        %parallel_loop3A_910 = arith.constant 20 : i32
        %parallel_loop3A_911 = vector.broadcast %parallel_loop3A_910 : i32 to vector<16xi32>
        %parallel_loop3A_912 = arith.constant 0 : i32
        %parallel_loop3A_913 = arith.constant 0 : i32
        %parallel_loop3A_914 = tpu.memref_slice %arg8[%select_n3A_370, %parallel_loop3A_912, %parallel_loop3A_913] : memref<2x512x32xf32, #tpu.memory_space<vmem>> -> memref<1x512x32xf32, #tpu.memory_space<vmem>>
        %parallel_loop3A_915 = tpu.memref_squeeze %parallel_loop3A_914 : memref<1x512x32xf32, #tpu.memory_space<vmem>> -> memref<512x32xf32, #tpu.memory_space<vmem>>
        %parallel_loop3A_916 = tpu.vector_load_idx %parallel_loop3A_915[%parallel_loop3A_567, %parallel_loop3A_911] : memref<512x32xf32, #tpu.memory_space<vmem>>[vector<16xi32>, vector<16xi32>], vector<16xf32>,
        %parallel_loop3A_917 = arith.constant 2 : i32
        %parallel_loop3A_918 = arith.constant 4 : i32
        %parallel_loop3A_919 = arith.index_cast %select_n3A_370 : i32 to index
        %parallel_loop3A_920 = arith.index_cast %parallel_loop3A_917 : i32 to index
        %parallel_loop3A_921 = arith.index_cast %parallel_loop3A_591 : i32 to index
        %parallel_loop3A_922 = arith.index_cast %parallel_loop3A_918 : i32 to index
        %parallel_loop3A_923 = arith.index_cast %parallel_loop3A_609 : i32 to index
        %parallel_loop3A_924 = tpu.vector_load %arg9[%parallel_loop3A_919, %parallel_loop3A_920, %parallel_loop3A_921, %parallel_loop3A_922, %parallel_loop3A_923] {strides = array<i32>} : memref<2x4x4x8x128xf32, #tpu.memory_space<vmem>>, vector<16xf32>,
        tpu.vector_store %arg9[%parallel_loop3A_919, %parallel_loop3A_920, %parallel_loop3A_921, %parallel_loop3A_922, %parallel_loop3A_923], %parallel_loop3A_916 {strides = array<i32>} : memref<2x4x4x8x128xf32, #tpu.memory_space<vmem>>, vector<16xf32>,
        %parallel_loop3A_925 = arith.constant 21 : i32
        %parallel_loop3A_926 = vector.broadcast %parallel_loop3A_925 : i32 to vector<16xi32>
        %parallel_loop3A_927 = arith.constant 0 : i32
        %parallel_loop3A_928 = arith.constant 0 : i32
        %parallel_loop3A_929 = tpu.memref_slice %arg8[%select_n3A_370, %parallel_loop3A_927, %parallel_loop3A_928] : memref<2x512x32xf32, #tpu.memory_space<vmem>> -> memref<1x512x32xf32, #tpu.memory_space<vmem>>
        %parallel_loop3A_930 = tpu.memref_squeeze %parallel_loop3A_929 : memref<1x512x32xf32, #tpu.memory_space<vmem>> -> memref<512x32xf32, #tpu.memory_space<vmem>>
        %parallel_loop3A_931 = tpu.vector_load_idx %parallel_loop3A_930[%parallel_loop3A_567, %parallel_loop3A_926] : memref<512x32xf32, #tpu.memory_space<vmem>>[vector<16xi32>, vector<16xi32>], vector<16xf32>,
        %parallel_loop3A_932 = arith.constant 2 : i32
        %parallel_loop3A_933 = arith.constant 5 : i32
        %parallel_loop3A_934 = arith.index_cast %select_n3A_370 : i32 to index
        %parallel_loop3A_935 = arith.index_cast %parallel_loop3A_932 : i32 to index
        %parallel_loop3A_936 = arith.index_cast %parallel_loop3A_591 : i32 to index
        %parallel_loop3A_937 = arith.index_cast %parallel_loop3A_933 : i32 to index
        %parallel_loop3A_938 = arith.index_cast %parallel_loop3A_609 : i32 to index
        %parallel_loop3A_939 = tpu.vector_load %arg9[%parallel_loop3A_934, %parallel_loop3A_935, %parallel_loop3A_936, %parallel_loop3A_937, %parallel_loop3A_938] {strides = array<i32>} : memref<2x4x4x8x128xf32, #tpu.memory_space<vmem>>, vector<16xf32>,
        tpu.vector_store %arg9[%parallel_loop3A_934, %parallel_loop3A_935, %parallel_loop3A_936, %parallel_loop3A_937, %parallel_loop3A_938], %parallel_loop3A_931 {strides = array<i32>} : memref<2x4x4x8x128xf32, #tpu.memory_space<vmem>>, vector<16xf32>,
        %parallel_loop3A_940 = arith.constant 22 : i32
        %parallel_loop3A_941 = vector.broadcast %parallel_loop3A_940 : i32 to vector<16xi32>
        %parallel_loop3A_942 = arith.constant 0 : i32
        %parallel_loop3A_943 = arith.constant 0 : i32
        %parallel_loop3A_944 = tpu.memref_slice %arg8[%select_n3A_370, %parallel_loop3A_942, %parallel_loop3A_943] : memref<2x512x32xf32, #tpu.memory_space<vmem>> -> memref<1x512x32xf32, #tpu.memory_space<vmem>>
        %parallel_loop3A_945 = tpu.memref_squeeze %parallel_loop3A_944 : memref<1x512x32xf32, #tpu.memory_space<vmem>> -> memref<512x32xf32, #tpu.memory_space<vmem>>
        %parallel_loop3A_946 = tpu.vector_load_idx %parallel_loop3A_945[%parallel_loop3A_567, %parallel_loop3A_941] : memref<512x32xf32, #tpu.memory_space<vmem>>[vector<16xi32>, vector<16xi32>], vector<16xf32>,
        %parallel_loop3A_947 = arith.constant 2 : i32
        %parallel_loop3A_948 = arith.constant 6 : i32
        %parallel_loop3A_949 = arith.index_cast %select_n3A_370 : i32 to index
        %parallel_loop3A_950 = arith.index_cast %parallel_loop3A_947 : i32 to index
        %parallel_loop3A_951 = arith.index_cast %parallel_loop3A_591 : i32 to index
        %parallel_loop3A_952 = arith.index_cast %parallel_loop3A_948 : i32 to index
        %parallel_loop3A_953 = arith.index_cast %parallel_loop3A_609 : i32 to index
        %parallel_loop3A_954 = tpu.vector_load %arg9[%parallel_loop3A_949, %parallel_loop3A_950, %parallel_loop3A_951, %parallel_loop3A_952, %parallel_loop3A_953] {strides = array<i32>} : memref<2x4x4x8x128xf32, #tpu.memory_space<vmem>>, vector<16xf32>,
        tpu.vector_store %arg9[%parallel_loop3A_949, %parallel_loop3A_950, %parallel_loop3A_951, %parallel_loop3A_952, %parallel_loop3A_953], %parallel_loop3A_946 {strides = array<i32>} : memref<2x4x4x8x128xf32, #tpu.memory_space<vmem>>, vector<16xf32>,
        %parallel_loop3A_955 = arith.constant 23 : i32
        %parallel_loop3A_956 = vector.broadcast %parallel_loop3A_955 : i32 to vector<16xi32>
        %parallel_loop3A_957 = arith.constant 0 : i32
        %parallel_loop3A_958 = arith.constant 0 : i32
        %parallel_loop3A_959 = tpu.memref_slice %arg8[%select_n3A_370, %parallel_loop3A_957, %parallel_loop3A_958] : memref<2x512x32xf32, #tpu.memory_space<vmem>> -> memref<1x512x32xf32, #tpu.memory_space<vmem>>
        %parallel_loop3A_960 = tpu.memref_squeeze %parallel_loop3A_959 : memref<1x512x32xf32, #tpu.memory_space<vmem>> -> memref<512x32xf32, #tpu.memory_space<vmem>>
        %parallel_loop3A_961 = tpu.vector_load_idx %parallel_loop3A_960[%parallel_loop3A_567, %parallel_loop3A_956] : memref<512x32xf32, #tpu.memory_space<vmem>>[vector<16xi32>, vector<16xi32>], vector<16xf32>,
        %parallel_loop3A_962 = arith.constant 2 : i32
        %parallel_loop3A_963 = arith.constant 7 : i32
        %parallel_loop3A_964 = arith.index_cast %select_n3A_370 : i32 to index
        %parallel_loop3A_965 = arith.index_cast %parallel_loop3A_962 : i32 to index
        %parallel_loop3A_966 = arith.index_cast %parallel_loop3A_591 : i32 to index
        %parallel_loop3A_967 = arith.index_cast %parallel_loop3A_963 : i32 to index
        %parallel_loop3A_968 = arith.index_cast %parallel_loop3A_609 : i32 to index
        %parallel_loop3A_969 = tpu.vector_load %arg9[%parallel_loop3A_964, %parallel_loop3A_965, %parallel_loop3A_966, %parallel_loop3A_967, %parallel_loop3A_968] {strides = array<i32>} : memref<2x4x4x8x128xf32, #tpu.memory_space<vmem>>, vector<16xf32>,
        tpu.vector_store %arg9[%parallel_loop3A_964, %parallel_loop3A_965, %parallel_loop3A_966, %parallel_loop3A_967, %parallel_loop3A_968], %parallel_loop3A_961 {strides = array<i32>} : memref<2x4x4x8x128xf32, #tpu.memory_space<vmem>>, vector<16xf32>,
        %parallel_loop3A_970 = arith.constant 24 : i32
        %parallel_loop3A_971 = vector.broadcast %parallel_loop3A_970 : i32 to vector<16xi32>
        %parallel_loop3A_972 = arith.constant 0 : i32
        %parallel_loop3A_973 = arith.constant 0 : i32
        %parallel_loop3A_974 = tpu.memref_slice %arg8[%select_n3A_370, %parallel_loop3A_972, %parallel_loop3A_973] : memref<2x512x32xf32, #tpu.memory_space<vmem>> -> memref<1x512x32xf32, #tpu.memory_space<vmem>>
        %parallel_loop3A_975 = tpu.memref_squeeze %parallel_loop3A_974 : memref<1x512x32xf32, #tpu.memory_space<vmem>> -> memref<512x32xf32, #tpu.memory_space<vmem>>
        %parallel_loop3A_976 = tpu.vector_load_idx %parallel_loop3A_975[%parallel_loop3A_567, %parallel_loop3A_971] : memref<512x32xf32, #tpu.memory_space<vmem>>[vector<16xi32>, vector<16xi32>], vector<16xf32>,
        %parallel_loop3A_977 = arith.constant 3 : i32
        %parallel_loop3A_978 = arith.constant 0 : i32
        %parallel_loop3A_979 = arith.index_cast %select_n3A_370 : i32 to index
        %parallel_loop3A_980 = arith.index_cast %parallel_loop3A_977 : i32 to index
        %parallel_loop3A_981 = arith.index_cast %parallel_loop3A_591 : i32 to index
        %parallel_loop3A_982 = arith.index_cast %parallel_loop3A_978 : i32 to index
        %parallel_loop3A_983 = arith.index_cast %parallel_loop3A_609 : i32 to index
        %parallel_loop3A_984 = tpu.vector_load %arg9[%parallel_loop3A_979, %parallel_loop3A_980, %parallel_loop3A_981, %parallel_loop3A_982, %parallel_loop3A_983] {strides = array<i32>} : memref<2x4x4x8x128xf32, #tpu.memory_space<vmem>>, vector<16xf32>,
        tpu.vector_store %arg9[%parallel_loop3A_979, %parallel_loop3A_980, %parallel_loop3A_981, %parallel_loop3A_982, %parallel_loop3A_983], %parallel_loop3A_976 {strides = array<i32>} : memref<2x4x4x8x128xf32, #tpu.memory_space<vmem>>, vector<16xf32>,
        %parallel_loop3A_985 = arith.constant 25 : i32
        %parallel_loop3A_986 = vector.broadcast %parallel_loop3A_985 : i32 to vector<16xi32>
        %parallel_loop3A_987 = arith.constant 0 : i32
        %parallel_loop3A_988 = arith.constant 0 : i32
        %parallel_loop3A_989 = tpu.memref_slice %arg8[%select_n3A_370, %parallel_loop3A_987, %parallel_loop3A_988] : memref<2x512x32xf32, #tpu.memory_space<vmem>> -> memref<1x512x32xf32, #tpu.memory_space<vmem>>
        %parallel_loop3A_990 = tpu.memref_squeeze %parallel_loop3A_989 : memref<1x512x32xf32, #tpu.memory_space<vmem>> -> memref<512x32xf32, #tpu.memory_space<vmem>>
        %parallel_loop3A_991 = tpu.vector_load_idx %parallel_loop3A_990[%parallel_loop3A_567, %parallel_loop3A_986] : memref<512x32xf32, #tpu.memory_space<vmem>>[vector<16xi32>, vector<16xi32>], vector<16xf32>,
        %parallel_loop3A_992 = arith.constant 3 : i32
        %parallel_loop3A_993 = arith.constant 1 : i32
        %parallel_loop3A_994 = arith.index_cast %select_n3A_370 : i32 to index
        %parallel_loop3A_995 = arith.index_cast %parallel_loop3A_992 : i32 to index
        %parallel_loop3A_996 = arith.index_cast %parallel_loop3A_591 : i32 to index
        %parallel_loop3A_997 = arith.index_cast %parallel_loop3A_993 : i32 to index
        %parallel_loop3A_998 = arith.index_cast %parallel_loop3A_609 : i32 to index
        %parallel_loop3A_999 = tpu.vector_load %arg9[%parallel_loop3A_994, %parallel_loop3A_995, %parallel_loop3A_996, %parallel_loop3A_997, %parallel_loop3A_998] {strides = array<i32>} : memref<2x4x4x8x128xf32, #tpu.memory_space<vmem>>, vector<16xf32>,
        tpu.vector_store %arg9[%parallel_loop3A_994, %parallel_loop3A_995, %parallel_loop3A_996, %parallel_loop3A_997, %parallel_loop3A_998], %parallel_loop3A_991 {strides = array<i32>} : memref<2x4x4x8x128xf32, #tpu.memory_space<vmem>>, vector<16xf32>,
        %parallel_loop3A_1000 = arith.constant 26 : i32
        %parallel_loop3A_1001 = vector.broadcast %parallel_loop3A_1000 : i32 to vector<16xi32>
        %parallel_loop3A_1002 = arith.constant 0 : i32
        %parallel_loop3A_1003 = arith.constant 0 : i32
        %parallel_loop3A_1004 = tpu.memref_slice %arg8[%select_n3A_370, %parallel_loop3A_1002, %parallel_loop3A_1003] : memref<2x512x32xf32, #tpu.memory_space<vmem>> -> memref<1x512x32xf32, #tpu.memory_space<vmem>>
        %parallel_loop3A_1005 = tpu.memref_squeeze %parallel_loop3A_1004 : memref<1x512x32xf32, #tpu.memory_space<vmem>> -> memref<512x32xf32, #tpu.memory_space<vmem>>
        %parallel_loop3A_1006 = tpu.vector_load_idx %parallel_loop3A_1005[%parallel_loop3A_567, %parallel_loop3A_1001] : memref<512x32xf32, #tpu.memory_space<vmem>>[vector<16xi32>, vector<16xi32>], vector<16xf32>,
        %parallel_loop3A_1007 = arith.constant 3 : i32
        %parallel_loop3A_1008 = arith.constant 2 : i32
        %parallel_loop3A_1009 = arith.index_cast %select_n3A_370 : i32 to index
        %parallel_loop3A_1010 = arith.index_cast %parallel_loop3A_1007 : i32 to index
        %parallel_loop3A_1011 = arith.index_cast %parallel_loop3A_591 : i32 to index
        %parallel_loop3A_1012 = arith.index_cast %parallel_loop3A_1008 : i32 to index
        %parallel_loop3A_1013 = arith.index_cast %parallel_loop3A_609 : i32 to index
        %parallel_loop3A_1014 = tpu.vector_load %arg9[%parallel_loop3A_1009, %parallel_loop3A_1010, %parallel_loop3A_1011, %parallel_loop3A_1012, %parallel_loop3A_1013] {strides = array<i32>} : memref<2x4x4x8x128xf32, #tpu.memory_space<vmem>>, vector<16xf32>,
        tpu.vector_store %arg9[%parallel_loop3A_1009, %parallel_loop3A_1010, %parallel_loop3A_1011, %parallel_loop3A_1012, %parallel_loop3A_1013], %parallel_loop3A_1006 {strides = array<i32>} : memref<2x4x4x8x128xf32, #tpu.memory_space<vmem>>, vector<16xf32>,
        %parallel_loop3A_1015 = arith.constant 27 : i32
        %parallel_loop3A_1016 = vector.broadcast %parallel_loop3A_1015 : i32 to vector<16xi32>
        %parallel_loop3A_1017 = arith.constant 0 : i32
        %parallel_loop3A_1018 = arith.constant 0 : i32
        %parallel_loop3A_1019 = tpu.memref_slice %arg8[%select_n3A_370, %parallel_loop3A_1017, %parallel_loop3A_1018] : memref<2x512x32xf32, #tpu.memory_space<vmem>> -> memref<1x512x32xf32, #tpu.memory_space<vmem>>
        %parallel_loop3A_1020 = tpu.memref_squeeze %parallel_loop3A_1019 : memref<1x512x32xf32, #tpu.memory_space<vmem>> -> memref<512x32xf32, #tpu.memory_space<vmem>>
        %parallel_loop3A_1021 = tpu.vector_load_idx %parallel_loop3A_1020[%parallel_loop3A_567, %parallel_loop3A_1016] : memref<512x32xf32, #tpu.memory_space<vmem>>[vector<16xi32>, vector<16xi32>], vector<16xf32>,
        %parallel_loop3A_1022 = arith.constant 3 : i32
        %parallel_loop3A_1023 = arith.constant 3 : i32
        %parallel_loop3A_1024 = arith.index_cast %select_n3A_370 : i32 to index
        %parallel_loop3A_1025 = arith.index_cast %parallel_loop3A_1022 : i32 to index
        %parallel_loop3A_1026 = arith.index_cast %parallel_loop3A_591 : i32 to index
        %parallel_loop3A_1027 = arith.index_cast %parallel_loop3A_1023 : i32 to index
        %parallel_loop3A_1028 = arith.index_cast %parallel_loop3A_609 : i32 to index
        %parallel_loop3A_1029 = tpu.vector_load %arg9[%parallel_loop3A_1024, %parallel_loop3A_1025, %parallel_loop3A_1026, %parallel_loop3A_1027, %parallel_loop3A_1028] {strides = array<i32>} : memref<2x4x4x8x128xf32, #tpu.memory_space<vmem>>, vector<16xf32>,
        tpu.vector_store %arg9[%parallel_loop3A_1024, %parallel_loop3A_1025, %parallel_loop3A_1026, %parallel_loop3A_1027, %parallel_loop3A_1028], %parallel_loop3A_1021 {strides = array<i32>} : memref<2x4x4x8x128xf32, #tpu.memory_space<vmem>>, vector<16xf32>,
        %parallel_loop3A_1030 = arith.constant 28 : i32
        %parallel_loop3A_1031 = vector.broadcast %parallel_loop3A_1030 : i32 to vector<16xi32>
        %parallel_loop3A_1032 = arith.constant 0 : i32
        %parallel_loop3A_1033 = arith.constant 0 : i32
        %parallel_loop3A_1034 = tpu.memref_slice %arg8[%select_n3A_370, %parallel_loop3A_1032, %parallel_loop3A_1033] : memref<2x512x32xf32, #tpu.memory_space<vmem>> -> memref<1x512x32xf32, #tpu.memory_space<vmem>>
        %parallel_loop3A_1035 = tpu.memref_squeeze %parallel_loop3A_1034 : memref<1x512x32xf32, #tpu.memory_space<vmem>> -> memref<512x32xf32, #tpu.memory_space<vmem>>
        %parallel_loop3A_1036 = tpu.vector_load_idx %parallel_loop3A_1035[%parallel_loop3A_567, %parallel_loop3A_1031] : memref<512x32xf32, #tpu.memory_space<vmem>>[vector<16xi32>, vector<16xi32>], vector<16xf32>,
        %parallel_loop3A_1037 = arith.constant 3 : i32
        %parallel_loop3A_1038 = arith.constant 4 : i32
        %parallel_loop3A_1039 = arith.index_cast %select_n3A_370 : i32 to index
        %parallel_loop3A_1040 = arith.index_cast %parallel_loop3A_1037 : i32 to index
        %parallel_loop3A_1041 = arith.index_cast %parallel_loop3A_591 : i32 to index
        %parallel_loop3A_1042 = arith.index_cast %parallel_loop3A_1038 : i32 to index
        %parallel_loop3A_1043 = arith.index_cast %parallel_loop3A_609 : i32 to index
        %parallel_loop3A_1044 = tpu.vector_load %arg9[%parallel_loop3A_1039, %parallel_loop3A_1040, %parallel_loop3A_1041, %parallel_loop3A_1042, %parallel_loop3A_1043] {strides = array<i32>} : memref<2x4x4x8x128xf32, #tpu.memory_space<vmem>>, vector<16xf32>,
        tpu.vector_store %arg9[%parallel_loop3A_1039, %parallel_loop3A_1040, %parallel_loop3A_1041, %parallel_loop3A_1042, %parallel_loop3A_1043], %parallel_loop3A_1036 {strides = array<i32>} : memref<2x4x4x8x128xf32, #tpu.memory_space<vmem>>, vector<16xf32>,
        %parallel_loop3A_1045 = arith.constant 29 : i32
        %parallel_loop3A_1046 = vector.broadcast %parallel_loop3A_1045 : i32 to vector<16xi32>
        %parallel_loop3A_1047 = arith.constant 0 : i32
        %parallel_loop3A_1048 = arith.constant 0 : i32
        %parallel_loop3A_1049 = tpu.memref_slice %arg8[%select_n3A_370, %parallel_loop3A_1047, %parallel_loop3A_1048] : memref<2x512x32xf32, #tpu.memory_space<vmem>> -> memref<1x512x32xf32, #tpu.memory_space<vmem>>
        %parallel_loop3A_1050 = tpu.memref_squeeze %parallel_loop3A_1049 : memref<1x512x32xf32, #tpu.memory_space<vmem>> -> memref<512x32xf32, #tpu.memory_space<vmem>>
        %parallel_loop3A_1051 = tpu.vector_load_idx %parallel_loop3A_1050[%parallel_loop3A_567, %parallel_loop3A_1046] : memref<512x32xf32, #tpu.memory_space<vmem>>[vector<16xi32>, vector<16xi32>], vector<16xf32>,
        %parallel_loop3A_1052 = arith.constant 3 : i32
        %parallel_loop3A_1053 = arith.constant 5 : i32
        %parallel_loop3A_1054 = arith.index_cast %select_n3A_370 : i32 to index
        %parallel_loop3A_1055 = arith.index_cast %parallel_loop3A_1052 : i32 to index
        %parallel_loop3A_1056 = arith.index_cast %parallel_loop3A_591 : i32 to index
        %parallel_loop3A_1057 = arith.index_cast %parallel_loop3A_1053 : i32 to index
        %parallel_loop3A_1058 = arith.index_cast %parallel_loop3A_609 : i32 to index
        %parallel_loop3A_1059 = tpu.vector_load %arg9[%parallel_loop3A_1054, %parallel_loop3A_1055, %parallel_loop3A_1056, %parallel_loop3A_1057, %parallel_loop3A_1058] {strides = array<i32>} : memref<2x4x4x8x128xf32, #tpu.memory_space<vmem>>, vector<16xf32>,
        tpu.vector_store %arg9[%parallel_loop3A_1054, %parallel_loop3A_1055, %parallel_loop3A_1056, %parallel_loop3A_1057, %parallel_loop3A_1058], %parallel_loop3A_1051 {strides = array<i32>} : memref<2x4x4x8x128xf32, #tpu.memory_space<vmem>>, vector<16xf32>,
        %parallel_loop3A_1060 = arith.constant 30 : i32
        %parallel_loop3A_1061 = vector.broadcast %parallel_loop3A_1060 : i32 to vector<16xi32>
        %parallel_loop3A_1062 = arith.constant 0 : i32
        %parallel_loop3A_1063 = arith.constant 0 : i32
        %parallel_loop3A_1064 = tpu.memref_slice %arg8[%select_n3A_370, %parallel_loop3A_1062, %parallel_loop3A_1063] : memref<2x512x32xf32, #tpu.memory_space<vmem>> -> memref<1x512x32xf32, #tpu.memory_space<vmem>>
        %parallel_loop3A_1065 = tpu.memref_squeeze %parallel_loop3A_1064 : memref<1x512x32xf32, #tpu.memory_space<vmem>> -> memref<512x32xf32, #tpu.memory_space<vmem>>
        %parallel_loop3A_1066 = tpu.vector_load_idx %parallel_loop3A_1065[%parallel_loop3A_567, %parallel_loop3A_1061] : memref<512x32xf32, #tpu.memory_space<vmem>>[vector<16xi32>, vector<16xi32>], vector<16xf32>,
        %parallel_loop3A_1067 = arith.constant 3 : i32
        %parallel_loop3A_1068 = arith.constant 6 : i32
        %parallel_loop3A_1069 = arith.index_cast %select_n3A_370 : i32 to index
        %parallel_loop3A_1070 = arith.index_cast %parallel_loop3A_1067 : i32 to index
        %parallel_loop3A_1071 = arith.index_cast %parallel_loop3A_591 : i32 to index
        %parallel_loop3A_1072 = arith.index_cast %parallel_loop3A_1068 : i32 to index
        %parallel_loop3A_1073 = arith.index_cast %parallel_loop3A_609 : i32 to index
        %parallel_loop3A_1074 = tpu.vector_load %arg9[%parallel_loop3A_1069, %parallel_loop3A_1070, %parallel_loop3A_1071, %parallel_loop3A_1072, %parallel_loop3A_1073] {strides = array<i32>} : memref<2x4x4x8x128xf32, #tpu.memory_space<vmem>>, vector<16xf32>,
        tpu.vector_store %arg9[%parallel_loop3A_1069, %parallel_loop3A_1070, %parallel_loop3A_1071, %parallel_loop3A_1072, %parallel_loop3A_1073], %parallel_loop3A_1066 {strides = array<i32>} : memref<2x4x4x8x128xf32, #tpu.memory_space<vmem>>, vector<16xf32>,
        %parallel_loop3A_1075 = arith.constant 31 : i32
        %parallel_loop3A_1076 = vector.broadcast %parallel_loop3A_1075 : i32 to vector<16xi32>
        %parallel_loop3A_1077 = arith.constant 0 : i32
        %parallel_loop3A_1078 = arith.constant 0 : i32
        %parallel_loop3A_1079 = tpu.memref_slice %arg8[%select_n3A_370, %parallel_loop3A_1077, %parallel_loop3A_1078] : memref<2x512x32xf32, #tpu.memory_space<vmem>> -> memref<1x512x32xf32, #tpu.memory_space<vmem>>
        %parallel_loop3A_1080 = tpu.memref_squeeze %parallel_loop3A_1079 : memref<1x512x32xf32, #tpu.memory_space<vmem>> -> memref<512x32xf32, #tpu.memory_space<vmem>>
        %parallel_loop3A_1081 = tpu.vector_load_idx %parallel_loop3A_1080[%parallel_loop3A_567, %parallel_loop3A_1076] : memref<512x32xf32, #tpu.memory_space<vmem>>[vector<16xi32>, vector<16xi32>], vector<16xf32>,
        %parallel_loop3A_1082 = arith.constant 3 : i32
        %parallel_loop3A_1083 = arith.constant 7 : i32
        %parallel_loop3A_1084 = arith.index_cast %select_n3A_370 : i32 to index
        %parallel_loop3A_1085 = arith.index_cast %parallel_loop3A_1082 : i32 to index
        %parallel_loop3A_1086 = arith.index_cast %parallel_loop3A_591 : i32 to index
        %parallel_loop3A_1087 = arith.index_cast %parallel_loop3A_1083 : i32 to index
        %parallel_loop3A_1088 = arith.index_cast %parallel_loop3A_609 : i32 to index
        %parallel_loop3A_1089 = tpu.vector_load %arg9[%parallel_loop3A_1084, %parallel_loop3A_1085, %parallel_loop3A_1086, %parallel_loop3A_1087, %parallel_loop3A_1088] {strides = array<i32>} : memref<2x4x4x8x128xf32, #tpu.memory_space<vmem>>, vector<16xf32>,
        tpu.vector_store %arg9[%parallel_loop3A_1084, %parallel_loop3A_1085, %parallel_loop3A_1086, %parallel_loop3A_1087, %parallel_loop3A_1088], %parallel_loop3A_1081 {strides = array<i32>} : memref<2x4x4x8x128xf32, #tpu.memory_space<vmem>>, vector<16xf32>,
      } {sc.loop_unroll_factor = 2 : i64, sc.parallel_access}
      %mul3A_466 = arith.constant 4 : i32
      %mul3A_467 = arith.muli %add3A, %mul3A_466 : i32
      %dma_start3A_468 = arith.constant 0 : i32
      %dma_start3A_469 = arith.constant 0 : i32
      %dma_start3A_470 = arith.constant 0 : i32
      %dma_start3A_471 = arith.constant 0 : i32
      %dma_start3A_472 = arith.constant 0 : i32
      %dma_start3A_473 = tpu.memref_slice %arg9[%select_n3A_370, %dma_start3A_468, %dma_start3A_470, %dma_start3A_471, %dma_start3A_472] : memref<2x4x4x8x128xf32, #tpu.memory_space<vmem>> -> memref<1x1x4x8x128xf32, #tpu.memory_space<vmem>>
      %dma_start3A_474 = tpu.memref_squeeze %dma_start3A_473 : memref<1x1x4x8x128xf32, #tpu.memory_space<vmem>> -> memref<4x8x128xf32, #tpu.memory_space<vmem>>
      %dma_start3A_475 = arith.constant 0 : i32
      %dma_start3A_476 = arith.constant 0 : i32
      %dma_start3A_477 = tpu.memref_slice %arg4[%scan3A_346, %dma_start3A_469, %mul3A_467, %dma_start3A_475, %dma_start3A_476] : memref<50x4x128x8x128xf32, #tpu.memory_space<hbm>> -> memref<1x1x4x8x128xf32, #tpu.memory_space<hbm>>
      %dma_start3A_478 = tpu.memref_squeeze %dma_start3A_477 : memref<1x1x4x8x128xf32, #tpu.memory_space<hbm>> -> memref<4x8x128xf32, #tpu.memory_space<hbm>>
      %dma_start3A_479 = tpu.memref_slice %arg13[%select_n3A_370] : memref<2x!tpu.dma_semaphore, #tpu.memory_space<semaphore_mem>> -> memref<1x!tpu.dma_semaphore, #tpu.memory_space<semaphore_mem>>
      %dma_start3A_480 = tpu.memref_squeeze %dma_start3A_479 : memref<1x!tpu.dma_semaphore, #tpu.memory_space<semaphore_mem>> -> memref<!tpu.dma_semaphore, #tpu.memory_space<semaphore_mem>>
      %dma_start3A_481 = arith.constant 0 : i32
      %dma_start3A_482 = arith.constant 0 : i32
      %dma_start3A_483 = tpu.memref_slice %arg4[%scan3A_346, %dma_start3A_469, %mul3A_467, %dma_start3A_481, %dma_start3A_482] : memref<50x4x128x8x128xf32, #tpu.memory_space<hbm>> -> memref<1x1x4x8x128xf32, #tpu.memory_space<hbm>>
      %dma_start3A_484 = tpu.memref_squeeze %dma_start3A_483 : memref<1x1x4x8x128xf32, #tpu.memory_space<hbm>> -> memref<4x8x128xf32, #tpu.memory_space<hbm>>
      %dma_start3A_485 = arith.constant 0 : i32
      %dma_start3A_486 = arith.constant 0 : i32
      %dma_start3A_487 = arith.constant 0 : i32
      %dma_start3A_488 = tpu.memref_slice %arg9[%select_n3A_370, %dma_start3A_468, %dma_start3A_485, %dma_start3A_486, %dma_start3A_487] : memref<2x4x4x8x128xf32, #tpu.memory_space<vmem>> -> memref<1x1x4x8x128xf32, #tpu.memory_space<vmem>>
      %dma_start3A_489 = tpu.memref_squeeze %dma_start3A_488 : memref<1x1x4x8x128xf32, #tpu.memory_space<vmem>> -> memref<4x8x128xf32, #tpu.memory_space<vmem>>
      tpu.enqueue_dma source(%dma_start3A_489 : memref<4x8x128xf32, #tpu.memory_space<vmem>>) target(%dma_start3A_484 : memref<4x8x128xf32, #tpu.memory_space<hbm>>) target_semaphore(%dma_start3A_480 : memref<!tpu.dma_semaphore, #tpu.memory_space<semaphore_mem>>)
      %mul3A_490 = arith.constant 4 : i32
      %mul3A_491 = arith.muli %add3A, %mul3A_490 : i32
      %dma_start3A_492 = arith.constant 1 : i32
      %dma_start3A_493 = arith.constant 1 : i32
      %dma_start3A_494 = arith.constant 0 : i32
      %dma_start3A_495 = arith.constant 0 : i32
      %dma_start3A_496 = arith.constant 0 : i32
      %dma_start3A_497 = tpu.memref_slice %arg9[%select_n3A_370, %dma_start3A_492, %dma_start3A_494, %dma_start3A_495, %dma_start3A_496] : memref<2x4x4x8x128xf32, #tpu.memory_space<vmem>> -> memref<1x1x4x8x128xf32, #tpu.memory_space<vmem>>
      %dma_start3A_498 = tpu.memref_squeeze %dma_start3A_497 : memref<1x1x4x8x128xf32, #tpu.memory_space<vmem>> -> memref<4x8x128xf32, #tpu.memory_space<vmem>>
      %dma_start3A_499 = arith.constant 0 : i32
      %dma_start3A_500 = arith.constant 0 : i32
      %dma_start3A_501 = tpu.memref_slice %arg4[%scan3A_346, %dma_start3A_493, %mul3A_491, %dma_start3A_499, %dma_start3A_500] : memref<50x4x128x8x128xf32, #tpu.memory_space<hbm>> -> memref<1x1x4x8x128xf32, #tpu.memory_space<hbm>>
      %dma_start3A_502 = tpu.memref_squeeze %dma_start3A_501 : memref<1x1x4x8x128xf32, #tpu.memory_space<hbm>> -> memref<4x8x128xf32, #tpu.memory_space<hbm>>
      %dma_start3A_503 = tpu.memref_slice %arg13[%select_n3A_370] : memref<2x!tpu.dma_semaphore, #tpu.memory_space<semaphore_mem>> -> memref<1x!tpu.dma_semaphore, #tpu.memory_space<semaphore_mem>>
      %dma_start3A_504 = tpu.memref_squeeze %dma_start3A_503 : memref<1x!tpu.dma_semaphore, #tpu.memory_space<semaphore_mem>> -> memref<!tpu.dma_semaphore, #tpu.memory_space<semaphore_mem>>
      %dma_start3A_505 = arith.constant 0 : i32
      %dma_start3A_506 = arith.constant 0 : i32
      %dma_start3A_507 = tpu.memref_slice %arg4[%scan3A_346, %dma_start3A_493, %mul3A_491, %dma_start3A_505, %dma_start3A_506] : memref<50x4x128x8x128xf32, #tpu.memory_space<hbm>> -> memref<1x1x4x8x128xf32, #tpu.memory_space<hbm>>
      %dma_start3A_508 = tpu.memref_squeeze %dma_start3A_507 : memref<1x1x4x8x128xf32, #tpu.memory_space<hbm>> -> memref<4x8x128xf32, #tpu.memory_space<hbm>>
      %dma_start3A_509 = arith.constant 0 : i32
      %dma_start3A_510 = arith.constant 0 : i32
      %dma_start3A_511 = arith.constant 0 : i32
      %dma_start3A_512 = tpu.memref_slice %arg9[%select_n3A_370, %dma_start3A_492, %dma_start3A_509, %dma_start3A_510, %dma_start3A_511] : memref<2x4x4x8x128xf32, #tpu.memory_space<vmem>> -> memref<1x1x4x8x128xf32, #tpu.memory_space<vmem>>
      %dma_start3A_513 = tpu.memref_squeeze %dma_start3A_512 : memref<1x1x4x8x128xf32, #tpu.memory_space<vmem>> -> memref<4x8x128xf32, #tpu.memory_space<vmem>>
      tpu.enqueue_dma source(%dma_start3A_513 : memref<4x8x128xf32, #tpu.memory_space<vmem>>) target(%dma_start3A_508 : memref<4x8x128xf32, #tpu.memory_space<hbm>>) target_semaphore(%dma_start3A_504 : memref<!tpu.dma_semaphore, #tpu.memory_space<semaphore_mem>>)
      %mul3A_514 = arith.constant 4 : i32
      %mul3A_515 = arith.muli %add3A, %mul3A_514 : i32
      %dma_start3A_516 = arith.constant 2 : i32
      %dma_start3A_517 = arith.constant 2 : i32
      %dma_start3A_518 = arith.constant 0 : i32
      %dma_start3A_519 = arith.constant 0 : i32
      %dma_start3A_520 = arith.constant 0 : i32
      %dma_start3A_521 = tpu.memref_slice %arg9[%select_n3A_370, %dma_start3A_516, %dma_start3A_518, %dma_start3A_519, %dma_start3A_520] : memref<2x4x4x8x128xf32, #tpu.memory_space<vmem>> -> memref<1x1x4x8x128xf32, #tpu.memory_space<vmem>>
      %dma_start3A_522 = tpu.memref_squeeze %dma_start3A_521 : memref<1x1x4x8x128xf32, #tpu.memory_space<vmem>> -> memref<4x8x128xf32, #tpu.memory_space<vmem>>
      %dma_start3A_523 = arith.constant 0 : i32
      %dma_start3A_524 = arith.constant 0 : i32
      %dma_start3A_525 = tpu.memref_slice %arg4[%scan3A_346, %dma_start3A_517, %mul3A_515, %dma_start3A_523, %dma_start3A_524] : memref<50x4x128x8x128xf32, #tpu.memory_space<hbm>> -> memref<1x1x4x8x128xf32, #tpu.memory_space<hbm>>
      %dma_start3A_526 = tpu.memref_squeeze %dma_start3A_525 : memref<1x1x4x8x128xf32, #tpu.memory_space<hbm>> -> memref<4x8x128xf32, #tpu.memory_space<hbm>>
      %dma_start3A_527 = tpu.memref_slice %arg13[%select_n3A_370] : memref<2x!tpu.dma_semaphore, #tpu.memory_space<semaphore_mem>> -> memref<1x!tpu.dma_semaphore, #tpu.memory_space<semaphore_mem>>
      %dma_start3A_528 = tpu.memref_squeeze %dma_start3A_527 : memref<1x!tpu.dma_semaphore, #tpu.memory_space<semaphore_mem>> -> memref<!tpu.dma_semaphore, #tpu.memory_space<semaphore_mem>>
      %dma_start3A_529 = arith.constant 0 : i32
      %dma_start3A_530 = arith.constant 0 : i32
      %dma_start3A_531 = tpu.memref_slice %arg4[%scan3A_346, %dma_start3A_517, %mul3A_515, %dma_start3A_529, %dma_start3A_530] : memref<50x4x128x8x128xf32, #tpu.memory_space<hbm>> -> memref<1x1x4x8x128xf32, #tpu.memory_space<hbm>>
      %dma_start3A_532 = tpu.memref_squeeze %dma_start3A_531 : memref<1x1x4x8x128xf32, #tpu.memory_space<hbm>> -> memref<4x8x128xf32, #tpu.memory_space<hbm>>
      %dma_start3A_533 = arith.constant 0 : i32
      %dma_start3A_534 = arith.constant 0 : i32
      %dma_start3A_535 = arith.constant 0 : i32
      %dma_start3A_536 = tpu.memref_slice %arg9[%select_n3A_370, %dma_start3A_516, %dma_start3A_533, %dma_start3A_534, %dma_start3A_535] : memref<2x4x4x8x128xf32, #tpu.memory_space<vmem>> -> memref<1x1x4x8x128xf32, #tpu.memory_space<vmem>>
      %dma_start3A_537 = tpu.memref_squeeze %dma_start3A_536 : memref<1x1x4x8x128xf32, #tpu.memory_space<vmem>> -> memref<4x8x128xf32, #tpu.memory_space<vmem>>
      tpu.enqueue_dma source(%dma_start3A_537 : memref<4x8x128xf32, #tpu.memory_space<vmem>>) target(%dma_start3A_532 : memref<4x8x128xf32, #tpu.memory_space<hbm>>) target_semaphore(%dma_start3A_528 : memref<!tpu.dma_semaphore, #tpu.memory_space<semaphore_mem>>)
      %mul3A_538 = arith.constant 4 : i32
      %mul3A_539 = arith.muli %add3A, %mul3A_538 : i32
      %dma_start3A_540 = arith.constant 3 : i32
      %dma_start3A_541 = arith.constant 3 : i32
      %dma_start3A_542 = arith.constant 0 : i32
      %dma_start3A_543 = arith.constant 0 : i32
      %dma_start3A_544 = arith.constant 0 : i32
      %dma_start3A_545 = tpu.memref_slice %arg9[%select_n3A_370, %dma_start3A_540, %dma_start3A_542, %dma_start3A_543, %dma_start3A_544] : memref<2x4x4x8x128xf32, #tpu.memory_space<vmem>> -> memref<1x1x4x8x128xf32, #tpu.memory_space<vmem>>
      %dma_start3A_546 = tpu.memref_squeeze %dma_start3A_545 : memref<1x1x4x8x128xf32, #tpu.memory_space<vmem>> -> memref<4x8x128xf32, #tpu.memory_space<vmem>>
      %dma_start3A_547 = arith.constant 0 : i32
      %dma_start3A_548 = arith.constant 0 : i32
      %dma_start3A_549 = tpu.memref_slice %arg4[%scan3A_346, %dma_start3A_541, %mul3A_539, %dma_start3A_547, %dma_start3A_548] : memref<50x4x128x8x128xf32, #tpu.memory_space<hbm>> -> memref<1x1x4x8x128xf32, #tpu.memory_space<hbm>>
      %dma_start3A_550 = tpu.memref_squeeze %dma_start3A_549 : memref<1x1x4x8x128xf32, #tpu.memory_space<hbm>> -> memref<4x8x128xf32, #tpu.memory_space<hbm>>
      %dma_start3A_551 = tpu.memref_slice %arg13[%select_n3A_370] : memref<2x!tpu.dma_semaphore, #tpu.memory_space<semaphore_mem>> -> memref<1x!tpu.dma_semaphore, #tpu.memory_space<semaphore_mem>>
      %dma_start3A_552 = tpu.memref_squeeze %dma_start3A_551 : memref<1x!tpu.dma_semaphore, #tpu.memory_space<semaphore_mem>> -> memref<!tpu.dma_semaphore, #tpu.memory_space<semaphore_mem>>
      %dma_start3A_553 = arith.constant 0 : i32
      %dma_start3A_554 = arith.constant 0 : i32
      %dma_start3A_555 = tpu.memref_slice %arg4[%scan3A_346, %dma_start3A_541, %mul3A_539, %dma_start3A_553, %dma_start3A_554] : memref<50x4x128x8x128xf32, #tpu.memory_space<hbm>> -> memref<1x1x4x8x128xf32, #tpu.memory_space<hbm>>
      %dma_start3A_556 = tpu.memref_squeeze %dma_start3A_555 : memref<1x1x4x8x128xf32, #tpu.memory_space<hbm>> -> memref<4x8x128xf32, #tpu.memory_space<hbm>>
      %dma_start3A_557 = arith.constant 0 : i32
      %dma_start3A_558 = arith.constant 0 : i32
      %dma_start3A_559 = arith.constant 0 : i32
      %dma_start3A_560 = tpu.memref_slice %arg9[%select_n3A_370, %dma_start3A_540, %dma_start3A_557, %dma_start3A_558, %dma_start3A_559] : memref<2x4x4x8x128xf32, #tpu.memory_space<vmem>> -> memref<1x1x4x8x128xf32, #tpu.memory_space<vmem>>
      %dma_start3A_561 = tpu.memref_squeeze %dma_start3A_560 : memref<1x1x4x8x128xf32, #tpu.memory_space<vmem>> -> memref<4x8x128xf32, #tpu.memory_space<vmem>>
      tpu.enqueue_dma source(%dma_start3A_561 : memref<4x8x128xf32, #tpu.memory_space<vmem>>) target(%dma_start3A_556 : memref<4x8x128xf32, #tpu.memory_space<hbm>>) target_semaphore(%dma_start3A_552 : memref<!tpu.dma_semaphore, #tpu.memory_space<semaphore_mem>>)
      %scan3A_562 = arith.constant 0 : i32
      scf.yield %scan3A_562 : i32
    }
    %scan3A_129 = arith.constant 50 : i32
    %mul3A_130 = arith.constant 4 : i32
    %mul3A_131 = arith.muli %add3A, %mul3A_130 : i32
    %dma_wait3A_132 = arith.constant 0 : i32
    %dma_wait3A_133 = arith.constant 0 : i32
    %dma_wait3A_134 = arith.constant 48 : i32
    %dma_wait3A_135 = arith.constant 0 : i32
    %dma_wait3A_136 = arith.constant 0 : i32
    %dma_wait3A_137 = arith.constant 0 : i32
    %dma_wait3A_138 = arith.constant 0 : i32
    %dma_wait3A_139 = arith.constant 0 : i32
    %dma_wait3A_140 = tpu.memref_slice %arg9[%dma_wait3A_132, %dma_wait3A_133, %dma_wait3A_137, %dma_wait3A_138, %dma_wait3A_139] : memref<2x4x4x8x128xf32, #tpu.memory_space<vmem>> -> memref<1x1x4x8x128xf32, #tpu.memory_space<vmem>>
    %dma_wait3A_141 = tpu.memref_squeeze %dma_wait3A_140 : memref<1x1x4x8x128xf32, #tpu.memory_space<vmem>> -> memref<4x8x128xf32, #tpu.memory_space<vmem>>
    %dma_wait3A_142 = arith.constant 0 : i32
    %dma_wait3A_143 = arith.constant 0 : i32
    %dma_wait3A_144 = tpu.memref_slice %arg4[%dma_wait3A_134, %dma_wait3A_135, %mul3A_131, %dma_wait3A_142, %dma_wait3A_143] : memref<50x4x128x8x128xf32, #tpu.memory_space<hbm>> -> memref<1x1x4x8x128xf32, #tpu.memory_space<hbm>>
    %dma_wait3A_145 = tpu.memref_squeeze %dma_wait3A_144 : memref<1x1x4x8x128xf32, #tpu.memory_space<hbm>> -> memref<4x8x128xf32, #tpu.memory_space<hbm>>
    %dma_wait3A_146 = tpu.memref_slice %arg13[%dma_wait3A_136] : memref<2x!tpu.dma_semaphore, #tpu.memory_space<semaphore_mem>> -> memref<1x!tpu.dma_semaphore, #tpu.memory_space<semaphore_mem>>
    %dma_wait3A_147 = tpu.memref_squeeze %dma_wait3A_146 : memref<1x!tpu.dma_semaphore, #tpu.memory_space<semaphore_mem>> -> memref<!tpu.dma_semaphore, #tpu.memory_space<semaphore_mem>>
    %dma_wait3A_148 = arith.constant 0 : i32
    %dma_wait3A_149 = arith.constant 0 : i32
    %dma_wait3A_150 = tpu.memref_slice %arg4[%dma_wait3A_134, %dma_wait3A_135, %mul3A_131, %dma_wait3A_148, %dma_wait3A_149] : memref<50x4x128x8x128xf32, #tpu.memory_space<hbm>> -> memref<1x1x4x8x128xf32, #tpu.memory_space<hbm>>
    %dma_wait3A_151 = tpu.memref_squeeze %dma_wait3A_150 : memref<1x1x4x8x128xf32, #tpu.memory_space<hbm>> -> memref<4x8x128xf32, #tpu.memory_space<hbm>>
    %dma_wait3A_152 = arith.constant 0 : i32
    %dma_wait3A_153 = arith.constant 0 : i32
    %dma_wait3A_154 = arith.constant 0 : i32
    %dma_wait3A_155 = tpu.memref_slice %arg9[%dma_wait3A_132, %dma_wait3A_133, %dma_wait3A_152, %dma_wait3A_153, %dma_wait3A_154] : memref<2x4x4x8x128xf32, #tpu.memory_space<vmem>> -> memref<1x1x4x8x128xf32, #tpu.memory_space<vmem>>
    %dma_wait3A_156 = tpu.memref_squeeze %dma_wait3A_155 : memref<1x1x4x8x128xf32, #tpu.memory_space<vmem>> -> memref<4x8x128xf32, #tpu.memory_space<vmem>>
    tpu.wait_dma2 semaphore(%dma_wait3A_147 : memref<!tpu.dma_semaphore, #tpu.memory_space<semaphore_mem>>) src(%dma_wait3A_156 : memref<4x8x128xf32, #tpu.memory_space<vmem>>) dst(%dma_wait3A_151 : memref<4x8x128xf32, #tpu.memory_space<hbm>>)
    %mul3A_157 = arith.constant 4 : i32
    %mul3A_158 = arith.muli %add3A, %mul3A_157 : i32
    %dma_wait3A_159 = arith.constant 0 : i32
    %dma_wait3A_160 = arith.constant 1 : i32
    %dma_wait3A_161 = arith.constant 48 : i32
    %dma_wait3A_162 = arith.constant 1 : i32
    %dma_wait3A_163 = arith.constant 0 : i32
    %dma_wait3A_164 = arith.constant 0 : i32
    %dma_wait3A_165 = arith.constant 0 : i32
    %dma_wait3A_166 = arith.constant 0 : i32
    %dma_wait3A_167 = tpu.memref_slice %arg9[%dma_wait3A_159, %dma_wait3A_160, %dma_wait3A_164, %dma_wait3A_165, %dma_wait3A_166] : memref<2x4x4x8x128xf32, #tpu.memory_space<vmem>> -> memref<1x1x4x8x128xf32, #tpu.memory_space<vmem>>
    %dma_wait3A_168 = tpu.memref_squeeze %dma_wait3A_167 : memref<1x1x4x8x128xf32, #tpu.memory_space<vmem>> -> memref<4x8x128xf32, #tpu.memory_space<vmem>>
    %dma_wait3A_169 = arith.constant 0 : i32
    %dma_wait3A_170 = arith.constant 0 : i32
    %dma_wait3A_171 = tpu.memref_slice %arg4[%dma_wait3A_161, %dma_wait3A_162, %mul3A_158, %dma_wait3A_169, %dma_wait3A_170] : memref<50x4x128x8x128xf32, #tpu.memory_space<hbm>> -> memref<1x1x4x8x128xf32, #tpu.memory_space<hbm>>
    %dma_wait3A_172 = tpu.memref_squeeze %dma_wait3A_171 : memref<1x1x4x8x128xf32, #tpu.memory_space<hbm>> -> memref<4x8x128xf32, #tpu.memory_space<hbm>>
    %dma_wait3A_173 = tpu.memref_slice %arg13[%dma_wait3A_163] : memref<2x!tpu.dma_semaphore, #tpu.memory_space<semaphore_mem>> -> memref<1x!tpu.dma_semaphore, #tpu.memory_space<semaphore_mem>>
    %dma_wait3A_174 = tpu.memref_squeeze %dma_wait3A_173 : memref<1x!tpu.dma_semaphore, #tpu.memory_space<semaphore_mem>> -> memref<!tpu.dma_semaphore, #tpu.memory_space<semaphore_mem>>
    %dma_wait3A_175 = arith.constant 0 : i32
    %dma_wait3A_176 = arith.constant 0 : i32
    %dma_wait3A_177 = tpu.memref_slice %arg4[%dma_wait3A_161, %dma_wait3A_162, %mul3A_158, %dma_wait3A_175, %dma_wait3A_176] : memref<50x4x128x8x128xf32, #tpu.memory_space<hbm>> -> memref<1x1x4x8x128xf32, #tpu.memory_space<hbm>>
    %dma_wait3A_178 = tpu.memref_squeeze %dma_wait3A_177 : memref<1x1x4x8x128xf32, #tpu.memory_space<hbm>> -> memref<4x8x128xf32, #tpu.memory_space<hbm>>
    %dma_wait3A_179 = arith.constant 0 : i32
    %dma_wait3A_180 = arith.constant 0 : i32
    %dma_wait3A_181 = arith.constant 0 : i32
    %dma_wait3A_182 = tpu.memref_slice %arg9[%dma_wait3A_159, %dma_wait3A_160, %dma_wait3A_179, %dma_wait3A_180, %dma_wait3A_181] : memref<2x4x4x8x128xf32, #tpu.memory_space<vmem>> -> memref<1x1x4x8x128xf32, #tpu.memory_space<vmem>>
    %dma_wait3A_183 = tpu.memref_squeeze %dma_wait3A_182 : memref<1x1x4x8x128xf32, #tpu.memory_space<vmem>> -> memref<4x8x128xf32, #tpu.memory_space<vmem>>
    tpu.wait_dma2 semaphore(%dma_wait3A_174 : memref<!tpu.dma_semaphore, #tpu.memory_space<semaphore_mem>>) src(%dma_wait3A_183 : memref<4x8x128xf32, #tpu.memory_space<vmem>>) dst(%dma_wait3A_178 : memref<4x8x128xf32, #tpu.memory_space<hbm>>)
    %mul3A_184 = arith.constant 4 : i32
    %mul3A_185 = arith.muli %add3A, %mul3A_184 : i32
    %dma_wait3A_186 = arith.constant 0 : i32
    %dma_wait3A_187 = arith.constant 2 : i32
    %dma_wait3A_188 = arith.constant 48 : i32
    %dma_wait3A_189 = arith.constant 2 : i32
    %dma_wait3A_190 = arith.constant 0 : i32
    %dma_wait3A_191 = arith.constant 0 : i32
    %dma_wait3A_192 = arith.constant 0 : i32
    %dma_wait3A_193 = arith.constant 0 : i32
    %dma_wait3A_194 = tpu.memref_slice %arg9[%dma_wait3A_186, %dma_wait3A_187, %dma_wait3A_191, %dma_wait3A_192, %dma_wait3A_193] : memref<2x4x4x8x128xf32, #tpu.memory_space<vmem>> -> memref<1x1x4x8x128xf32, #tpu.memory_space<vmem>>
    %dma_wait3A_195 = tpu.memref_squeeze %dma_wait3A_194 : memref<1x1x4x8x128xf32, #tpu.memory_space<vmem>> -> memref<4x8x128xf32, #tpu.memory_space<vmem>>
    %dma_wait3A_196 = arith.constant 0 : i32
    %dma_wait3A_197 = arith.constant 0 : i32
    %dma_wait3A_198 = tpu.memref_slice %arg4[%dma_wait3A_188, %dma_wait3A_189, %mul3A_185, %dma_wait3A_196, %dma_wait3A_197] : memref<50x4x128x8x128xf32, #tpu.memory_space<hbm>> -> memref<1x1x4x8x128xf32, #tpu.memory_space<hbm>>
    %dma_wait3A_199 = tpu.memref_squeeze %dma_wait3A_198 : memref<1x1x4x8x128xf32, #tpu.memory_space<hbm>> -> memref<4x8x128xf32, #tpu.memory_space<hbm>>
    %dma_wait3A_200 = tpu.memref_slice %arg13[%dma_wait3A_190] : memref<2x!tpu.dma_semaphore, #tpu.memory_space<semaphore_mem>> -> memref<1x!tpu.dma_semaphore, #tpu.memory_space<semaphore_mem>>
    %dma_wait3A_201 = tpu.memref_squeeze %dma_wait3A_200 : memref<1x!tpu.dma_semaphore, #tpu.memory_space<semaphore_mem>> -> memref<!tpu.dma_semaphore, #tpu.memory_space<semaphore_mem>>
    %dma_wait3A_202 = arith.constant 0 : i32
    %dma_wait3A_203 = arith.constant 0 : i32
    %dma_wait3A_204 = tpu.memref_slice %arg4[%dma_wait3A_188, %dma_wait3A_189, %mul3A_185, %dma_wait3A_202, %dma_wait3A_203] : memref<50x4x128x8x128xf32, #tpu.memory_space<hbm>> -> memref<1x1x4x8x128xf32, #tpu.memory_space<hbm>>
    %dma_wait3A_205 = tpu.memref_squeeze %dma_wait3A_204 : memref<1x1x4x8x128xf32, #tpu.memory_space<hbm>> -> memref<4x8x128xf32, #tpu.memory_space<hbm>>
    %dma_wait3A_206 = arith.constant 0 : i32
    %dma_wait3A_207 = arith.constant 0 : i32
    %dma_wait3A_208 = arith.constant 0 : i32
    %dma_wait3A_209 = tpu.memref_slice %arg9[%dma_wait3A_186, %dma_wait3A_187, %dma_wait3A_206, %dma_wait3A_207, %dma_wait3A_208] : memref<2x4x4x8x128xf32, #tpu.memory_space<vmem>> -> memref<1x1x4x8x128xf32, #tpu.memory_space<vmem>>
    %dma_wait3A_210 = tpu.memref_squeeze %dma_wait3A_209 : memref<1x1x4x8x128xf32, #tpu.memory_space<vmem>> -> memref<4x8x128xf32, #tpu.memory_space<vmem>>
    tpu.wait_dma2 semaphore(%dma_wait3A_201 : memref<!tpu.dma_semaphore, #tpu.memory_space<semaphore_mem>>) src(%dma_wait3A_210 : memref<4x8x128xf32, #tpu.memory_space<vmem>>) dst(%dma_wait3A_205 : memref<4x8x128xf32, #tpu.memory_space<hbm>>)
    %mul3A_211 = arith.constant 4 : i32
    %mul3A_212 = arith.muli %add3A, %mul3A_211 : i32
    %dma_wait3A_213 = arith.constant 0 : i32
    %dma_wait3A_214 = arith.constant 3 : i32
    %dma_wait3A_215 = arith.constant 48 : i32
    %dma_wait3A_216 = arith.constant 3 : i32
    %dma_wait3A_217 = arith.constant 0 : i32
    %dma_wait3A_218 = arith.constant 0 : i32
    %dma_wait3A_219 = arith.constant 0 : i32
    %dma_wait3A_220 = arith.constant 0 : i32
    %dma_wait3A_221 = tpu.memref_slice %arg9[%dma_wait3A_213, %dma_wait3A_214, %dma_wait3A_218, %dma_wait3A_219, %dma_wait3A_220] : memref<2x4x4x8x128xf32, #tpu.memory_space<vmem>> -> memref<1x1x4x8x128xf32, #tpu.memory_space<vmem>>
    %dma_wait3A_222 = tpu.memref_squeeze %dma_wait3A_221 : memref<1x1x4x8x128xf32, #tpu.memory_space<vmem>> -> memref<4x8x128xf32, #tpu.memory_space<vmem>>
    %dma_wait3A_223 = arith.constant 0 : i32
    %dma_wait3A_224 = arith.constant 0 : i32
    %dma_wait3A_225 = tpu.memref_slice %arg4[%dma_wait3A_215, %dma_wait3A_216, %mul3A_212, %dma_wait3A_223, %dma_wait3A_224] : memref<50x4x128x8x128xf32, #tpu.memory_space<hbm>> -> memref<1x1x4x8x128xf32, #tpu.memory_space<hbm>>
    %dma_wait3A_226 = tpu.memref_squeeze %dma_wait3A_225 : memref<1x1x4x8x128xf32, #tpu.memory_space<hbm>> -> memref<4x8x128xf32, #tpu.memory_space<hbm>>
    %dma_wait3A_227 = tpu.memref_slice %arg13[%dma_wait3A_217] : memref<2x!tpu.dma_semaphore, #tpu.memory_space<semaphore_mem>> -> memref<1x!tpu.dma_semaphore, #tpu.memory_space<semaphore_mem>>
    %dma_wait3A_228 = tpu.memref_squeeze %dma_wait3A_227 : memref<1x!tpu.dma_semaphore, #tpu.memory_space<semaphore_mem>> -> memref<!tpu.dma_semaphore, #tpu.memory_space<semaphore_mem>>
    %dma_wait3A_229 = arith.constant 0 : i32
    %dma_wait3A_230 = arith.constant 0 : i32
    %dma_wait3A_231 = tpu.memref_slice %arg4[%dma_wait3A_215, %dma_wait3A_216, %mul3A_212, %dma_wait3A_229, %dma_wait3A_230] : memref<50x4x128x8x128xf32, #tpu.memory_space<hbm>> -> memref<1x1x4x8x128xf32, #tpu.memory_space<hbm>>
    %dma_wait3A_232 = tpu.memref_squeeze %dma_wait3A_231 : memref<1x1x4x8x128xf32, #tpu.memory_space<hbm>> -> memref<4x8x128xf32, #tpu.memory_space<hbm>>
    %dma_wait3A_233 = arith.constant 0 : i32
    %dma_wait3A_234 = arith.constant 0 : i32
    %dma_wait3A_235 = arith.constant 0 : i32
    %dma_wait3A_236 = tpu.memref_slice %arg9[%dma_wait3A_213, %dma_wait3A_214, %dma_wait3A_233, %dma_wait3A_234, %dma_wait3A_235] : memref<2x4x4x8x128xf32, #tpu.memory_space<vmem>> -> memref<1x1x4x8x128xf32, #tpu.memory_space<vmem>>
    %dma_wait3A_237 = tpu.memref_squeeze %dma_wait3A_236 : memref<1x1x4x8x128xf32, #tpu.memory_space<vmem>> -> memref<4x8x128xf32, #tpu.memory_space<vmem>>
    tpu.wait_dma2 semaphore(%dma_wait3A_228 : memref<!tpu.dma_semaphore, #tpu.memory_space<semaphore_mem>>) src(%dma_wait3A_237 : memref<4x8x128xf32, #tpu.memory_space<vmem>>) dst(%dma_wait3A_232 : memref<4x8x128xf32, #tpu.memory_space<hbm>>)
    %mul3A_238 = arith.constant 4 : i32
    %mul3A_239 = arith.muli %add3A, %mul3A_238 : i32
    %dma_wait3A_240 = arith.constant 1 : i32
    %dma_wait3A_241 = arith.constant 0 : i32
    %dma_wait3A_242 = arith.constant 49 : i32
    %dma_wait3A_243 = arith.constant 0 : i32
    %dma_wait3A_244 = arith.constant 1 : i32
    %dma_wait3A_245 = arith.constant 0 : i32
    %dma_wait3A_246 = arith.constant 0 : i32
    %dma_wait3A_247 = arith.constant 0 : i32
    %dma_wait3A_248 = tpu.memref_slice %arg9[%dma_wait3A_240, %dma_wait3A_241, %dma_wait3A_245, %dma_wait3A_246, %dma_wait3A_247] : memref<2x4x4x8x128xf32, #tpu.memory_space<vmem>> -> memref<1x1x4x8x128xf32, #tpu.memory_space<vmem>>
    %dma_wait3A_249 = tpu.memref_squeeze %dma_wait3A_248 : memref<1x1x4x8x128xf32, #tpu.memory_space<vmem>> -> memref<4x8x128xf32, #tpu.memory_space<vmem>>
    %dma_wait3A_250 = arith.constant 0 : i32
    %dma_wait3A_251 = arith.constant 0 : i32
    %dma_wait3A_252 = tpu.memref_slice %arg4[%dma_wait3A_242, %dma_wait3A_243, %mul3A_239, %dma_wait3A_250, %dma_wait3A_251] : memref<50x4x128x8x128xf32, #tpu.memory_space<hbm>> -> memref<1x1x4x8x128xf32, #tpu.memory_space<hbm>>
    %dma_wait3A_253 = tpu.memref_squeeze %dma_wait3A_252 : memref<1x1x4x8x128xf32, #tpu.memory_space<hbm>> -> memref<4x8x128xf32, #tpu.memory_space<hbm>>
    %dma_wait3A_254 = tpu.memref_slice %arg13[%dma_wait3A_244] : memref<2x!tpu.dma_semaphore, #tpu.memory_space<semaphore_mem>> -> memref<1x!tpu.dma_semaphore, #tpu.memory_space<semaphore_mem>>
    %dma_wait3A_255 = tpu.memref_squeeze %dma_wait3A_254 : memref<1x!tpu.dma_semaphore, #tpu.memory_space<semaphore_mem>> -> memref<!tpu.dma_semaphore, #tpu.memory_space<semaphore_mem>>
    %dma_wait3A_256 = arith.constant 0 : i32
    %dma_wait3A_257 = arith.constant 0 : i32
    %dma_wait3A_258 = tpu.memref_slice %arg4[%dma_wait3A_242, %dma_wait3A_243, %mul3A_239, %dma_wait3A_256, %dma_wait3A_257] : memref<50x4x128x8x128xf32, #tpu.memory_space<hbm>> -> memref<1x1x4x8x128xf32, #tpu.memory_space<hbm>>
    %dma_wait3A_259 = tpu.memref_squeeze %dma_wait3A_258 : memref<1x1x4x8x128xf32, #tpu.memory_space<hbm>> -> memref<4x8x128xf32, #tpu.memory_space<hbm>>
    %dma_wait3A_260 = arith.constant 0 : i32
    %dma_wait3A_261 = arith.constant 0 : i32
    %dma_wait3A_262 = arith.constant 0 : i32
    %dma_wait3A_263 = tpu.memref_slice %arg9[%dma_wait3A_240, %dma_wait3A_241, %dma_wait3A_260, %dma_wait3A_261, %dma_wait3A_262] : memref<2x4x4x8x128xf32, #tpu.memory_space<vmem>> -> memref<1x1x4x8x128xf32, #tpu.memory_space<vmem>>
    %dma_wait3A_264 = tpu.memref_squeeze %dma_wait3A_263 : memref<1x1x4x8x128xf32, #tpu.memory_space<vmem>> -> memref<4x8x128xf32, #tpu.memory_space<vmem>>
    tpu.wait_dma2 semaphore(%dma_wait3A_255 : memref<!tpu.dma_semaphore, #tpu.memory_space<semaphore_mem>>) src(%dma_wait3A_264 : memref<4x8x128xf32, #tpu.memory_space<vmem>>) dst(%dma_wait3A_259 : memref<4x8x128xf32, #tpu.memory_space<hbm>>)
    %mul3A_265 = arith.constant 4 : i32
    %mul3A_266 = arith.muli %add3A, %mul3A_265 : i32
    %dma_wait3A_267 = arith.constant 1 : i32
    %dma_wait3A_268 = arith.constant 1 : i32
    %dma_wait3A_269 = arith.constant 49 : i32
    %dma_wait3A_270 = arith.constant 1 : i32
    %dma_wait3A_271 = arith.constant 1 : i32
    %dma_wait3A_272 = arith.constant 0 : i32
    %dma_wait3A_273 = arith.constant 0 : i32
    %dma_wait3A_274 = arith.constant 0 : i32
    %dma_wait3A_275 = tpu.memref_slice %arg9[%dma_wait3A_267, %dma_wait3A_268, %dma_wait3A_272, %dma_wait3A_273, %dma_wait3A_274] : memref<2x4x4x8x128xf32, #tpu.memory_space<vmem>> -> memref<1x1x4x8x128xf32, #tpu.memory_space<vmem>>
    %dma_wait3A_276 = tpu.memref_squeeze %dma_wait3A_275 : memref<1x1x4x8x128xf32, #tpu.memory_space<vmem>> -> memref<4x8x128xf32, #tpu.memory_space<vmem>>
    %dma_wait3A_277 = arith.constant 0 : i32
    %dma_wait3A_278 = arith.constant 0 : i32
    %dma_wait3A_279 = tpu.memref_slice %arg4[%dma_wait3A_269, %dma_wait3A_270, %mul3A_266, %dma_wait3A_277, %dma_wait3A_278] : memref<50x4x128x8x128xf32, #tpu.memory_space<hbm>> -> memref<1x1x4x8x128xf32, #tpu.memory_space<hbm>>
    %dma_wait3A_280 = tpu.memref_squeeze %dma_wait3A_279 : memref<1x1x4x8x128xf32, #tpu.memory_space<hbm>> -> memref<4x8x128xf32, #tpu.memory_space<hbm>>
    %dma_wait3A_281 = tpu.memref_slice %arg13[%dma_wait3A_271] : memref<2x!tpu.dma_semaphore, #tpu.memory_space<semaphore_mem>> -> memref<1x!tpu.dma_semaphore, #tpu.memory_space<semaphore_mem>>
    %dma_wait3A_282 = tpu.memref_squeeze %dma_wait3A_281 : memref<1x!tpu.dma_semaphore, #tpu.memory_space<semaphore_mem>> -> memref<!tpu.dma_semaphore, #tpu.memory_space<semaphore_mem>>
    %dma_wait3A_283 = arith.constant 0 : i32
    %dma_wait3A_284 = arith.constant 0 : i32
    %dma_wait3A_285 = tpu.memref_slice %arg4[%dma_wait3A_269, %dma_wait3A_270, %mul3A_266, %dma_wait3A_283, %dma_wait3A_284] : memref<50x4x128x8x128xf32, #tpu.memory_space<hbm>> -> memref<1x1x4x8x128xf32, #tpu.memory_space<hbm>>
    %dma_wait3A_286 = tpu.memref_squeeze %dma_wait3A_285 : memref<1x1x4x8x128xf32, #tpu.memory_space<hbm>> -> memref<4x8x128xf32, #tpu.memory_space<hbm>>
    %dma_wait3A_287 = arith.constant 0 : i32
    %dma_wait3A_288 = arith.constant 0 : i32
    %dma_wait3A_289 = arith.constant 0 : i32
    %dma_wait3A_290 = tpu.memref_slice %arg9[%dma_wait3A_267, %dma_wait3A_268, %dma_wait3A_287, %dma_wait3A_288, %dma_wait3A_289] : memref<2x4x4x8x128xf32, #tpu.memory_space<vmem>> -> memref<1x1x4x8x128xf32, #tpu.memory_space<vmem>>
    %dma_wait3A_291 = tpu.memref_squeeze %dma_wait3A_290 : memref<1x1x4x8x128xf32, #tpu.memory_space<vmem>> -> memref<4x8x128xf32, #tpu.memory_space<vmem>>
    tpu.wait_dma2 semaphore(%dma_wait3A_282 : memref<!tpu.dma_semaphore, #tpu.memory_space<semaphore_mem>>) src(%dma_wait3A_291 : memref<4x8x128xf32, #tpu.memory_space<vmem>>) dst(%dma_wait3A_286 : memref<4x8x128xf32, #tpu.memory_space<hbm>>)
    %mul3A_292 = arith.constant 4 : i32
    %mul3A_293 = arith.muli %add3A, %mul3A_292 : i32
    %dma_wait3A_294 = arith.constant 1 : i32
    %dma_wait3A_295 = arith.constant 2 : i32
    %dma_wait3A_296 = arith.constant 49 : i32
    %dma_wait3A_297 = arith.constant 2 : i32
    %dma_wait3A_298 = arith.constant 1 : i32
    %dma_wait3A_299 = arith.constant 0 : i32
    %dma_wait3A_300 = arith.constant 0 : i32
    %dma_wait3A_301 = arith.constant 0 : i32
    %dma_wait3A_302 = tpu.memref_slice %arg9[%dma_wait3A_294, %dma_wait3A_295, %dma_wait3A_299, %dma_wait3A_300, %dma_wait3A_301] : memref<2x4x4x8x128xf32, #tpu.memory_space<vmem>> -> memref<1x1x4x8x128xf32, #tpu.memory_space<vmem>>
    %dma_wait3A_303 = tpu.memref_squeeze %dma_wait3A_302 : memref<1x1x4x8x128xf32, #tpu.memory_space<vmem>> -> memref<4x8x128xf32, #tpu.memory_space<vmem>>
    %dma_wait3A_304 = arith.constant 0 : i32
    %dma_wait3A_305 = arith.constant 0 : i32
    %dma_wait3A_306 = tpu.memref_slice %arg4[%dma_wait3A_296, %dma_wait3A_297, %mul3A_293, %dma_wait3A_304, %dma_wait3A_305] : memref<50x4x128x8x128xf32, #tpu.memory_space<hbm>> -> memref<1x1x4x8x128xf32, #tpu.memory_space<hbm>>
    %dma_wait3A_307 = tpu.memref_squeeze %dma_wait3A_306 : memref<1x1x4x8x128xf32, #tpu.memory_space<hbm>> -> memref<4x8x128xf32, #tpu.memory_space<hbm>>
    %dma_wait3A_308 = tpu.memref_slice %arg13[%dma_wait3A_298] : memref<2x!tpu.dma_semaphore, #tpu.memory_space<semaphore_mem>> -> memref<1x!tpu.dma_semaphore, #tpu.memory_space<semaphore_mem>>
    %dma_wait3A_309 = tpu.memref_squeeze %dma_wait3A_308 : memref<1x!tpu.dma_semaphore, #tpu.memory_space<semaphore_mem>> -> memref<!tpu.dma_semaphore, #tpu.memory_space<semaphore_mem>>
    %dma_wait3A_310 = arith.constant 0 : i32
    %dma_wait3A_311 = arith.constant 0 : i32
    %dma_wait3A_312 = tpu.memref_slice %arg4[%dma_wait3A_296, %dma_wait3A_297, %mul3A_293, %dma_wait3A_310, %dma_wait3A_311] : memref<50x4x128x8x128xf32, #tpu.memory_space<hbm>> -> memref<1x1x4x8x128xf32, #tpu.memory_space<hbm>>
    %dma_wait3A_313 = tpu.memref_squeeze %dma_wait3A_312 : memref<1x1x4x8x128xf32, #tpu.memory_space<hbm>> -> memref<4x8x128xf32, #tpu.memory_space<hbm>>
    %dma_wait3A_314 = arith.constant 0 : i32
    %dma_wait3A_315 = arith.constant 0 : i32
    %dma_wait3A_316 = arith.constant 0 : i32
    %dma_wait3A_317 = tpu.memref_slice %arg9[%dma_wait3A_294, %dma_wait3A_295, %dma_wait3A_314, %dma_wait3A_315, %dma_wait3A_316] : memref<2x4x4x8x128xf32, #tpu.memory_space<vmem>> -> memref<1x1x4x8x128xf32, #tpu.memory_space<vmem>>
    %dma_wait3A_318 = tpu.memref_squeeze %dma_wait3A_317 : memref<1x1x4x8x128xf32, #tpu.memory_space<vmem>> -> memref<4x8x128xf32, #tpu.memory_space<vmem>>
    tpu.wait_dma2 semaphore(%dma_wait3A_309 : memref<!tpu.dma_semaphore, #tpu.memory_space<semaphore_mem>>) src(%dma_wait3A_318 : memref<4x8x128xf32, #tpu.memory_space<vmem>>) dst(%dma_wait3A_313 : memref<4x8x128xf32, #tpu.memory_space<hbm>>)
    %mul3A_319 = arith.constant 4 : i32
    %mul3A_320 = arith.muli %add3A, %mul3A_319 : i32
    %dma_wait3A_321 = arith.constant 1 : i32
    %dma_wait3A_322 = arith.constant 3 : i32
    %dma_wait3A_323 = arith.constant 49 : i32
    %dma_wait3A_324 = arith.constant 3 : i32
    %dma_wait3A_325 = arith.constant 1 : i32
    %dma_wait3A_326 = arith.constant 0 : i32
    %dma_wait3A_327 = arith.constant 0 : i32
    %dma_wait3A_328 = arith.constant 0 : i32
    %dma_wait3A_329 = tpu.memref_slice %arg9[%dma_wait3A_321, %dma_wait3A_322, %dma_wait3A_326, %dma_wait3A_327, %dma_wait3A_328] : memref<2x4x4x8x128xf32, #tpu.memory_space<vmem>> -> memref<1x1x4x8x128xf32, #tpu.memory_space<vmem>>
    %dma_wait3A_330 = tpu.memref_squeeze %dma_wait3A_329 : memref<1x1x4x8x128xf32, #tpu.memory_space<vmem>> -> memref<4x8x128xf32, #tpu.memory_space<vmem>>
    %dma_wait3A_331 = arith.constant 0 : i32
    %dma_wait3A_332 = arith.constant 0 : i32
    %dma_wait3A_333 = tpu.memref_slice %arg4[%dma_wait3A_323, %dma_wait3A_324, %mul3A_320, %dma_wait3A_331, %dma_wait3A_332] : memref<50x4x128x8x128xf32, #tpu.memory_space<hbm>> -> memref<1x1x4x8x128xf32, #tpu.memory_space<hbm>>
    %dma_wait3A_334 = tpu.memref_squeeze %dma_wait3A_333 : memref<1x1x4x8x128xf32, #tpu.memory_space<hbm>> -> memref<4x8x128xf32, #tpu.memory_space<hbm>>
    %dma_wait3A_335 = tpu.memref_slice %arg13[%dma_wait3A_325] : memref<2x!tpu.dma_semaphore, #tpu.memory_space<semaphore_mem>> -> memref<1x!tpu.dma_semaphore, #tpu.memory_space<semaphore_mem>>
    %dma_wait3A_336 = tpu.memref_squeeze %dma_wait3A_335 : memref<1x!tpu.dma_semaphore, #tpu.memory_space<semaphore_mem>> -> memref<!tpu.dma_semaphore, #tpu.memory_space<semaphore_mem>>
    %dma_wait3A_337 = arith.constant 0 : i32
    %dma_wait3A_338 = arith.constant 0 : i32
    %dma_wait3A_339 = tpu.memref_slice %arg4[%dma_wait3A_323, %dma_wait3A_324, %mul3A_320, %dma_wait3A_337, %dma_wait3A_338] : memref<50x4x128x8x128xf32, #tpu.memory_space<hbm>> -> memref<1x1x4x8x128xf32, #tpu.memory_space<hbm>>
    %dma_wait3A_340 = tpu.memref_squeeze %dma_wait3A_339 : memref<1x1x4x8x128xf32, #tpu.memory_space<hbm>> -> memref<4x8x128xf32, #tpu.memory_space<hbm>>
    %dma_wait3A_341 = arith.constant 0 : i32
    %dma_wait3A_342 = arith.constant 0 : i32
    %dma_wait3A_343 = arith.constant 0 : i32
    %dma_wait3A_344 = tpu.memref_slice %arg9[%dma_wait3A_321, %dma_wait3A_322, %dma_wait3A_341, %dma_wait3A_342, %dma_wait3A_343] : memref<2x4x4x8x128xf32, #tpu.memory_space<vmem>> -> memref<1x1x4x8x128xf32, #tpu.memory_space<vmem>>
    %dma_wait3A_345 = tpu.memref_squeeze %dma_wait3A_344 : memref<1x1x4x8x128xf32, #tpu.memory_space<vmem>> -> memref<4x8x128xf32, #tpu.memory_space<vmem>>
    tpu.wait_dma2 semaphore(%dma_wait3A_336 : memref<!tpu.dma_semaphore, #tpu.memory_space<semaphore_mem>>) src(%dma_wait3A_345 : memref<4x8x128xf32, #tpu.memory_space<vmem>>) dst(%dma_wait3A_340 : memref<4x8x128xf32, #tpu.memory_space<hbm>>)
    return
  }
}

</mosaic_0001>

<sc_bundles>
// kernel: kernel.3.cloned.1.call-start
scs
__scs_entry_jumppad:
0x0: {  	(pc) =	sbr.rel $0x88, $3  }
0x1: {  	(tag) =	ssettag $0x0;
	lr =	simm.s32 $0x1  }
0x2: {  	[smem:$0x3F9F] =	sst lr;
	_ =	strace $0xD0000000  }
0x3: {  	_ = 	snop  }
0x4: {  	_ = 	snop  }
0x5: {  	_ = 	snop  }
0x6: {  	_ = 	snop  }
0x7: {  	_ = 	snop  }
__scs_overlays_trampoline_lowered:
0x8: {  	[smem:$0x3FAE] =	sst s0  }
0x9: {  	[smem:$0x3FAF] =	sst s1  }
0xa: {  	[smem:$0x3FB0] =	sst s2  }
0xb: {  	[smem:$0x3FB1] =	sst s3  }
0xc: {  	[smem:$0x3FB2] =	sst s4  }
0xd: {  	[smem:$0x3FB3] =	sst s5  }
0xe: {  	[smem:$0x3FB4] =	sst s6  }
0xf: {  	[smem:$0x3FB5] =	sst s7  }
0x10: {  	[smem:$0x3FB6] =	sst s8  }
0x11: {  	[smem:$0x3FB7] =	sst s9;
	s0 =	simm.s32 @!p0 $0x0  }
0x12: {  	s1 =	sld [smem:$0x3F9D];
	s0 =	simm.s32 @p0 $0x1  }
0x13: {  	[smem:$0x3FB8] =	sst s0;
	s0 =	simm.s32 @!p1 $0x0  }
0x14: {  	s2 =	sld [smem:$0x3F9C];
	s0 =	simm.s32 @p1 $0x1  }
0x15: {  	[smem:$0x3FB9] =	sst s0;
	s0 =	simm.s32 @!p2 $0x0  }
0x16: {  	s3 =	sld [smem:$0x3FDB];
	s0 =	simm.s32 @p2 $0x1  }
0x17: {  	s4 =	simm.s32 $0x1BF5;
	[smem:$0x3FBB] =	sst s0  }
0x18: {  	s0 =	sld [smem:$0x3F9E];
	_ =	swait.ge [sflag:s4], $0x0  }
0x19: {  	s7 =	sld [smem:$0x3F9F]  }
0x1a: {  	s8 =	sadd.s32 $0xFFFFE003, lr  }
0x1b: {  	s9 =	sadd.s32 $0xFFFFFEF7, lr;
	s5 =	simm.s32 $0xFFFFFFFF;
	p2 =	slt.u32 s8, $0xFFFFF086  }
0x1c: {  	p1 =	slt.u32 s9, $0xF7A;
	s5 =	simm.s32 @!p2 $0x0  }
0x1d: {  	s5 =	simm.s32 @p1 $0x1;
	p0 =	seq.s32 s7, s2  }
0x1e: {  	s7 =	smul.u32 @!p0 $0xF7A, s2;
	p2 =	seq.s32 @!p0 s5, $0x0  }
0x1f: {  	s9 =	smul.u32 $0xF7A, s1;
	s8 =	simm.s32 @!p0 $0x1BF5;
	p2 =	por !p2, p0  }
0x20: {  	[sflag:s8] =	ssyncset.s32 @!p0 $0xFFFFF086;
	s6 =	sadd.s32 @!p0 s3, s7;
	s7 =	simm.s32 @!p0 $0x108  }
0x21: {  	s3 =	sadd.s32 s3, s9;
	s6 =	sadd.s32 @!p0 $0x88, s6;
	s7 =	simm.s32 @p2 $0x1082  }
0x22: {  	[simem:s7], [sflag:s8] =	dma.local @!p0 [hbm:s6], $0xF7A  }
0x23: {  	s9 =	sor.u32 $0xD0000000, s2;
	s6 =	simm.s32 $0x108;
	_ =	swait.ge @!p0 [sflag:s8], $0x0  }
0x24: {  	s3 =	sadd.s32 $0x88, s3;
	s6 =	simm.s32 @!p1 $0x1082;
	[sflag:s4] =	ssyncset.s32 $0xFFFFF086  }
0x25: {  	[simem:s6], [sflag:s4] =	dma.local [hbm:s3], $0xF7A  }
0x26: {  	[smem:$0x3F9F] =	sst s1;
	(tag) =	ssettag s2;
	_ =	strace s9  }
0x27: {  	s1 =	sld [smem:$0x3FAF]  }
0x28: {  	s2 =	sld [smem:$0x3FB0]  }
0x29: {  	s4 =	sld [smem:$0x3FB2]  }
0x2a: {  	p0 =	seq.s32 s5, $0x0;
	s5 =	sld [smem:$0x3FB3]  }
0x2b: {  	s6 =	sld [smem:$0x3FB4]  }
0x2c: {  	s7 =	sld [smem:$0x3FB5]  }
0x2d: {  	s3 =	simm.s32 $0x108;
	s8 =	sld [smem:$0x3FB6]  }
0x2e: {  	s3 =	simm.s32 @!p0 $0x1082;
	s9 =	sld [smem:$0x3FB7]  }
0x2f: {  	lr =	sadd.s32 s0, s3;
	s0 =	sld [smem:$0x3FAE]  }
0x30: {  	s3 =	sld [smem:$0x3FB1]  }
0x31: {  	[smem:$0x3FBA] =	sst s10  }
0x32: {  	s10 =	sld [smem:$0x3FB8];
	_ =	sdelay $0x3  }
0x33: {  	p0 =	seq.s32 s10, $0x1;
	s10 =	sld [smem:$0x3FBA];
	_ =	sdelay $0x3  }
0x34: {  	[smem:$0x3FBA] =	sst s10  }
0x35: {  	s10 =	sld [smem:$0x3FB9];
	_ =	sdelay $0x3  }
0x36: {  	p1 =	seq.s32 s10, $0x1;
	s10 =	sld [smem:$0x3FBA];
	_ =	sdelay $0x3  }
0x37: {  	[smem:$0x3FBA] =	sst s10  }
0x38: {  	s10 =	sld [smem:$0x3FBB]  }
0x39: {  	_ = 	snop;
	(pc) =	sbr.ind lr, $3  }
0x3a: {  	_ = 	snop  }
0x3b: {  	_ = 	snop  }
0x3c: {  	p2 =	seq.s32 s10, $0x1;
	s10 =	sld [smem:$0x3FBA]  }
0x3d: {  	_ =	shalt  }
0x3e: {  	_ =	shalt  }
0x3f: {  	_ =	shalt  }
0x40: {  	_ =	shalt  }
0x41: {  	_ =	shalt  }
0x42: {  	_ =	shalt  }
0x43: {  	_ =	shalt  }
0x44: {  	_ =	shalt  }
0x45: {  	_ =	shalt  }
0x46: {  	_ =	shalt  }
0x47: {  	_ =	shalt  }
0x48: {  	_ =	shalt  }
0x49: {  	_ =	shalt  }
0x4a: {  	_ =	shalt  }
0x4b: {  	_ =	shalt  }
0x4c: {  	_ =	shalt  }
0x4d: {  	_ =	shalt  }
0x4e: {  	_ =	shalt  }
0x4f: {  	_ =	shalt  }
0x50: {  	_ =	shalt  }
0x51: {  	_ =	shalt  }
0x52: {  	_ =	shalt  }
0x53: {  	_ =	shalt  }
0x54: {  	_ =	shalt  }
0x55: {  	_ =	shalt  }
0x56: {  	_ =	shalt  }
0x57: {  	_ =	shalt  }
0x58: {  	_ =	shalt  }
0x59: {  	_ =	shalt  }
0x5a: {  	_ =	shalt  }
0x5b: {  	_ =	shalt  }
0x5c: {  	_ =	shalt  }
0x5d: {  	_ =	shalt  }
0x5e: {  	_ =	shalt  }
0x5f: {  	_ =	shalt  }
0x60: {  	_ =	shalt  }
0x61: {  	_ =	shalt  }
0x62: {  	_ =	shalt  }
0x63: {  	_ =	shalt  }
0x64: {  	_ =	shalt  }
0x65: {  	_ =	shalt  }
0x66: {  	_ =	shalt  }
0x67: {  	_ =	shalt  }
0x68: {  	_ =	shalt  }
0x69: {  	_ =	shalt  }
0x6a: {  	_ =	shalt  }
0x6b: {  	_ =	shalt  }
0x6c: {  	_ =	shalt  }
0x6d: {  	_ =	shalt  }
0x6e: {  	_ =	shalt  }
0x6f: {  	_ =	shalt  }
0x70: {  	_ =	shalt  }
0x71: {  	_ =	shalt  }
0x72: {  	_ =	shalt  }
0x73: {  	_ =	shalt  }
0x74: {  	_ =	shalt  }
0x75: {  	_ =	shalt  }
0x76: {  	_ =	shalt  }
0x77: {  	_ =	shalt  }
0x78: {  	_ =	shalt  }
0x79: {  	_ =	shalt  }
0x7a: {  	_ =	shalt  }
0x7b: {  	_ =	shalt  }
0x7c: {  	_ =	shalt  }
0x7d: {  	_ =	shalt  }
0x7e: {  	_ =	shalt  }
0x7f: {  	_ =	shalt  }
0x80: {  	_ =	shalt  }
0x81: {  	_ =	shalt  }
0x82: {  	_ =	shalt  }
0x83: {  	_ =	shalt  }
0x84: {  	_ =	shalt  }
0x85: {  	_ =	shalt  }
0x86: {  	_ =	shalt  }
0x87: {  	_ =	shalt  }
.Lfunc_end0:
.L_simem_size_0:
called_computation_lowered:
.L_overlay_start_0:
0x88: {  	s2 =	sld [smem:$0x3FD9]  }
0x89: {  	s3 =	sld [smem:$0x3FFE];
	_ =	sdelay $0x1  }
0x8a: {  	s1 =	srdreg.scid  }
0x8b: {  	s0 =	sand.u32 $0x1, s1  }
0x8c: {  	s17 =	sshll.u32 s0, $0xA;
	s2 =	sadd.s32 s3, s2  }
0x8d: {  	s2 =	sadd.s32 s2, s17  }
0x8e: {  	[smem:$0x3FC6] =	sst s2  }
0x8f: {  	_ = 	snop  }
0x90: {  	s2 =	sld [smem:$0x3FD0];
	(tm) =	ssettm $0x1  }
0x91: {  	s18 =	sld [smem:$0x3FFB];
	_ =	sdelay $0x3  }
0x92: {  	_ =	strace s18  }
0x93: {  	s3 =	sld [smem:$0x3FFC];
	_ =	sdelay $0x3  }
0x94: {  	_ =	strace s3  }
0x95: {  	s3 =	sld [smem:$0x3FFD];
	_ =	sdelay $0x3  }
0x96: {  	_ =	strace s3  }
0x97: {  	_ =	strace $0x8FFFFFFF  }
0x98: {  	s19 =	sld [smem:$0x3FDB];
	_ =	sdelay $0x1  }
0x99: {  	s4 =	simm.s32 $_scs_section_size  }
0x9a: {  	s5 =	simm.s32 $_size__tile_overlayer_lowered;
	s6 =	simm.s32 $_tile_overlayer_lowered  }
0x9b: {  	s22 =	simm.s32 $0x1BFF;
	s21 =	sshll.u32 s6, $0x1;
	s3 =	sadd.s32 s4, s19  }
0x9c: {  	s7 =	simm.s32 $0x0;
	s20 =	sshll.u32 s5, $0x1;
	s5 =	sadd.s32 s21, s3  }
0x9d: {  	[timem:s7], [sflag:s22] =	dma.local [hbm:s5], s20  }
0x9e: {  	_ =	swait.ge [sflag:s22], s20  }
0x9f: {  	s4 =	ssub.s32 $0x0, s20;
	[sflag:s22] =	ssyncset.done $0x0  }
0xa0: {  	[sflag:s22] =	ssyncadd.s32 s4;
	_ =	sdelay $0x1  }
0xa1: {  	s23 =	simm.s32 $0x1B8B  }
0xa2: {  	_ =	swait.ge [sflag:s23], $0x1  }
0xa3: {  	[sflag:s23] =	ssyncset.done $0x0  }
0xa4: {  	s25 =	simm.s32 $0x1B8E;
	s24 =	sld [smem:$0x3FFE];
	[sflag:s23] =	ssyncadd.s32 $0xFFFFFFFF  }
0xa5: {  	s26 =	simm.s32 $execute0_lowered;
	[smem:$0x3FD2] =	sst s25  }
0xa6: {  	s5 =	sshll.u32 s26, $0x1;
	_ =	strace $0x80000046;
	[dreg:$0x1] =	wrdreg $0xFFFFFFFF  }
0xa7: {  	s28 =	simm.s32 $_size_execute0_lowered;
	s3 =	sadd.s32 s3, s5;
	[dreg:$0x0] =	wrdreg $0x0  }
0xa8: {  	s5 =	sshll.u32 s28, $0x1;
	[dreg:$0x2] =	wrdreg s3  }
0xa9: {  	[dreg:$0x3] =	wrdreg s5  }
0xaa: {  	[dreg:$0x4] =	wrdreg $0xC0  }
0xab: {  	_ =	task [dreg:s7], $0x5FFFF  }
0xac: {  	[dreg:$0x1] =	wrdreg $0xFFFFFFFF  }
0xad: {  	[dreg:$0x0] =	wrdreg $0x60  }
0xae: {  	[dreg:$0x2] =	wrdreg s24  }
0xaf: {  	[dreg:$0x3] =	wrdreg s2  }
0xb0: {  	[dreg:$0x4] =	wrdreg $0x9  }
0xb1: {  	_ =	task.clear_ibuf [dreg:s7], $0x5FFFF;
	_ =	strace $0x90000046  }
0xb2: {  	s29 =	simm.s32 $0x9;
	_ =	strace $0x80000048  }
0xb3: {  	_ =	swait.ge [sflag:s29], $0x1  }
0xb4: {  	[sflag:s29] =	ssyncadd.s32 $0xFFFFFFFF  }
0xb5: {  	_ =	strace $0x90000048  }
0xb6: {  	_ =	sfence  }
0xb7: {  	s30 =	sld [smem:$0x0];
	_ =	sdelay $0x2  }
0xb8: {  	s31 =	sshll.u32 s1, $0xD;
	s1 =	sshrl.u32 s1, $0x2  }
0xb9: {  	s3 =	sand.u32 $0x4000, s31;
	s1 =	sadd.s32 s1, s30  }
0xba: {  	s0 =	sor.u32 s3, s0;
	s1 =	sshll.u32 s1, $0x11  }
0xbb: {  	s0 =	sor.u32 s1, s0  }
0xbc: {  	s0 =	sadd.s32 $0x8F2B, s0  }
0xbd: {  	[sflag:s0] =	ssyncadd.remote.s32 $0x1  }
0xbe: {  	_ =	sfence.sel $0xFFFF  }
0xbf: {  	[dreg:$0x0] =	wrdreg $0xFFFFFFFF;
	(pc) =	sbr.abs _section_cstart, $3  }
0xc0: {  	[dreg:$0x1] =	wrdreg $0xFFFFFFFF  }
0xc1: {  	_ =	task.clear_ibuf [dreg:s7], $0x2FFFF;
	_ =	strace $0x9FFFFFFF  }
0xc2: {  	(tm) =	ssettm $0x7FFFFFFF  }
0xc3: {  	_ =	shalt  }
tec
execute0_lowered:
.L_overlay_start_1:
0x0: {  	(tag) =	ssettag $0x1  }
0x1: {  	s0 =	rddreg [dreg:$0x0]  }
0x2: {  	s6 =	rddreg [dreg:$0x1]  }
0x3: {  	s1 =	srdreg.scid;
	s2 =	stileid.u32  }
0x4: {  	s3 =	simm.s32 $0x0;
	s15 =	simm.s32 $0x800;
	s1 =	sand.u32 $0x1, s1  }
0x5: {  	s2 =	sshll.u32 s2, $0x1;
	[smem:$0x7FF] =	sst s3;
	s30 =	sadd.s32 $0x4000, s6  }
0x6: {  	s31 =	sadd.s32 $0x8000, s6;
	s2 =	sor.u32 s1, s2;
	_ =	strace $0x80000047  }
0x7: {  	s1 =	ssub.s32 $0x2, s1;
	[dreg:$0x7] =	wrdreg s30;
	s4 =	sshll.u32 s2, $0x6  }
0x8: {  	[dreg:$0x8] =	wrdreg s31;
	s29 =	sshll.u32 s2, $0x9;
	s5 =	sadd.s32 s4, s0  }
0x9: {  	s24 =	sshrl.u32 s1, $0x1;
	[dreg:$0x6] =	wrdreg s29;
	s25 =	sadd.s32 $0x600, s5  }
0xa: {  	s4 =	sadd.s32 $0xF42A00, s0;
	s26 =	sadd.s32 $0xE00, s5;
	[dreg:$0x3] =	wrdreg s25  }
0xb: {  	s0 =	ssub.s32 s1, s24;
	s28 =	sadd.s32 $0x1600, s5;
	[dreg:$0x4] =	wrdreg s26  }
0xc: {  	s16 =	simm.s32 $0x80;
	v5 =	vlaneseq.u32;
	s0 =	smax.u32 s0, $0x1;
	[dreg:$0x5] =	wrdreg s28  }
0xd: {  	v4 =	vimm.s32 $0x0;
	v6 =	vimm.f32 $0.0e+00;
	s11 =	sadd.s32 $0xC000, s6;
	v22 =	vmul.u32 $0x20, v5;
	s2 =	simm.s32 $0x0;
	[dreg:$0x9] =	wrdreg s0  }
.LBB2_1:
0xe: {  	[dreg:$0xa] =	wrdreg s2  }
0xf: {  	s0 =	rddreg [dreg:$0x3]  }
0x10: {  	[tilespmem:s3], [sflag:$0x1] =	stream.linear.gather [hbm4b:s0+s3], $0x200, $0x38;
	[tilespmem:$0x10C20] =	vst v63  }
0x11: {  	s22 =	rddreg [dreg:$0x4];
	s1 =	simm.s32 $0x200;
	s23 =	simm.s32 $0x1  }
0x12: {  	[tilespmem:s1], [sflag:$0x2] =	stream.linear.gather [hbm4b:s22+s3], $0x200, $0x38;
	[tilespmem:$0x10C20] =	vst v63  }
0x13: {  	_ =	swait.ge [sflag:s23], $0x200  }
0x14: {  	[sflag:s23] =	ssyncset.done $0x0  }
0x15: {  	s24 =	simm.s32 $0x0;
	[sflag:s23] =	ssyncadd.s32 $0xFFFFFE00  }
0x16: {  	v0 =	vld [tilespmem:s24+$0x0];
	_ =	sdelay $0x4  }
0x17: {  	vm0 =	vgt.s32 v0, $0xF423F  }
0x18: {  	v1 =	vsel vm0, $0x1, v4  }
0x19: {  	(xrf0) =	vadd.scan.msk.s32 $0xffff, v1;
	_ =	sdelay $0x4  }
0x1a: {  	v61 =	vmov s3  }
0x1b: {  	v1 =	vadd.s32 $0xFFFFFFFF, v61;
	v2, _, _ =	vpop (xrf0)  }
0x1c: {  	v1 =	vbroadcast v1, $0x0;
	(v2sf) =	vpush v2, $0xF;
	_ =	sdelay $0x1  }
0x1d: {  	v1 =	vadd.s32 v2, v1  }
0x1e: {  	s25 =	sand.u32 $0x600, s3  }
0x1f: {  	s26 =	sand.u32 $0x70, s3;
	s0 =	sshrl.u32 s25, $0x2  }
0x20: {  	s0 =	sor.u32 s26, s0;
	v0 =	vsel vm0, $0x0, v0  }
0x21: {  	v62 =	vor.u32 s3, v5;
	[tilespmem:s0+$0x400] =	vst v0  }
0x22: {  	s28 =	simm.s32 $0x10;
	[tilespmem:v1+s15+$0x0] =	vst.idx.msk vm0, v62  }
0x23: {  	v0 =	vld [tilespmem:s28+$0x0];
	_ =	sdelay $0x2  }
0x24: {  	s29 =	simm.s32 $0x40  }
0x25: {  	s30 =	sand.u32 $0x600, s29;
	s0 =	simm.s32 $0x10  }
0x26: {  	s1 =	sshrl.u32 s30, $0x2;
	s31 =	sand.u32 $0x70, s0;
	vm0 =	vgt.s32 v0, $0xF423F  }
0x27: {  	s2 =	sor.u32 s31, s1;
	v0 =	vsel vm0, $0x0, v0;
	v63 =	vsel vm0, $0x1, v4  }
0x28: {  	s1 =	simm.s32 $0x80;
	[tilespmem:s2+$0x400] =	vst v0;
	(xrf0) =	vadd.scan.msk.s32 $0xffff, v63;
	s2 =	simm.s32 $0x0;
	s5 =	spop (v2sf)  }
.LBB2_2:
0x29: {  	p0 =	sne.s32 s1, $0x7C0  }
0x2a: {  	s2 =	sadd.s32 s2, s5;
	s5 =	smov.u32 s1;
	s1 =	sadd.s32 $0x40, s1  }
0x2b: {  	v0 =	vmov s2  }
0x2c: {  	v0 =	vadd.s32 $0xFFFFFFFF, v0  }
0x2d: {  	v0 =	vbroadcast v0, $0x0  }
0x2e: {  	v1, _, _ =	vpop (xrf0)  }
0x2f: {  	v0 =	vadd.s32 v1, v0;
	(v2sf) =	vpush v1, $0xF;
	_ =	sdelay $0x3  }
0x30: {  	v1 =	vor.u32 s0, v5  }
0x31: {  	[tilespmem:v0+s15+$0x0] =	vst.idx.msk vm0, v1  }
0x32: {  	s6 =	sshra.s32 s5, $0x2  }
0x33: {  	v0 =	vld [tilespmem:s6+$0x0];
	_ =	sdelay $0x3  }
.Ltmp0:
0x34: {  	s5 =	sand.u32 $0x600, s5;
	s0 =	sadd.s32 $0x10, s0;
	(pc) =	sbr.rel @p0 .LBB2_2-.Ltmp0, $4  }
0x35: {  	s5 =	sshrl.u32 s5, $0x2;
	s6 =	sand.u32 $0x70, s0;
	vm0 =	vgt.s32 v0, $0xF423F  }
0x36: {  	s5 =	sor.u32 s6, s5;
	v0 =	vsel vm0, $0x0, v0;
	v1 =	vsel vm0, $0x1, v4  }
0x37: {  	[tilespmem:s5+$0x400] =	vst v0;
	(xrf0) =	vadd.scan.msk.s32 $0xffff, v1  }
0x38: {  	s5 =	spop (v2sf)  }
0x39: {  	_ =	sdelay $0x1  }
0x3a: {  	s1 =	sadd.s32 s2, s5  }
0x3b: {  	v1 =	vmov s1  }
0x3c: {  	v1 =	vadd.s32 $0xFFFFFFFF, v1;
	v0, _, _ =	vpop (xrf0)  }
0x3d: {  	v1 =	vbroadcast v1, $0x0;
	(v2sf) =	vpush v0, $0xF;
	_ =	sdelay $0x1  }
0x3e: {  	v0 =	vadd.s32 v0, v1;
	_ =	sdelay $0x3  }
0x3f: {  	v63 =	vor.u32 s0, v5  }
0x40: {  	s21 =	simm.s32 $0x400;
	s22 =	simm.s32 $0xC20;
	[tilespmem:v0+s15+$0x0] =	vst.idx.msk vm0, v63  }
0x41: {  	[tilespmem:s22], [sflag:$0x3] =	stream.indirect.gather [hbm4b:s4+s16], $0x20, s21, s16, $0xb8;
	[tilespmem:$0x10C20] =	vst v63  }
0x42: {  	s23 =	simm.s32 $0x480;
	s24 =	simm.s32 $0x1C20  }
0x43: {  	[tilespmem:s24], [sflag:$0x3] =	stream.indirect.gather [hbm4b:s4+s16], $0x20, s23, s16, $0xb8;
	[tilespmem:$0x10C20] =	vst v63  }
0x44: {  	s25 =	simm.s32 $0x500;
	s26 =	simm.s32 $0x2C20  }
0x45: {  	[tilespmem:s26], [sflag:$0x3] =	stream.indirect.gather [hbm4b:s4+s16], $0x20, s25, s16, $0xb8;
	[tilespmem:$0x10C20] =	vst v63  }
0x46: {  	s30 =	simm.s32 $0x580;
	s31 =	simm.s32 $0x3C20  }
0x47: {  	[tilespmem:s31], [sflag:$0x3] =	stream.indirect.gather [hbm4b:s4+s16], $0x20, s30, s16, $0xb8;
	[tilespmem:$0x10C20] =	vst v63  }
0x48: {  	s28 =	spop (v2sf)  }
0x49: {  	s0 =	sadd.s32 s1, s28  }
0x4a: {  	s29 =	simm.s32 $0x0;
	[smem:$0x0] =	sst s0  }
.LBB2_4:
0x4b: {  	p0 =	sgt.u32 s29, $0x2F  }
.Ltmp1:
0x4c: {  	_ = 	snop;
	(pc) =	sbr.rel @p0 .LBB2_6-.Ltmp1, $2  }
0x4d: {  	_ =	sdelay $0x2  }
0x4e: {  	s30 =	sand.u32 $0x1, s29  }
.Ltmp2:
0x4f: {  	(pc) =	sbr.rel .LBB2_7-.Ltmp2, $4  }
0x50: {  	s0 =	sshll.u32 s29, $0xB;
	s5 =	rddreg [dreg:$0x5]  }
0x51: {  	s1 =	sshll.u32 s30, $0x9;
	s2 =	sadd.s32 $0x1, s30;
	s0 =	sadd.s32 s0, s5  }
0x52: {  	[tilespmem:s1], [sflag:s2] =	stream.linear.gather [hbm4b:s0+s3], $0x200, $0x38;
	[tilespmem:$0x10C20] =	vst v63  }
0x53: {  	s0 =	sadd.s32 $0x1, s29  }
.LBB2_6:
0x54: {  	p0 =	seq.s32 s29, $0x31  }
.Ltmp3:
0x55: {  	_ = 	snop;
	(pc) =	sbr.rel @p0 .LBB2_10-.Ltmp3, $2  }
0x56: {  	_ =	sdelay $0x2  }
0x57: {  	s0 =	simm.s32 $0x31;
	s31 =	simm.s32 $0x32  }
.LBB2_7:
0x58: {  	s1 =	sand.u32 $0x1, s0  }
0x59: {  	s2 =	sshll.u32 s1, $0x9  }
0x5a: {  	v0 =	vmov s2  }
0x5b: {  	s5 =	sadd.s32 $0x1, s1  }
0x5c: {  	_ =	swait.ge [sflag:s5], $0x200  }
0x5d: {  	[sflag:s5] =	ssyncset.done $0x0  }
0x5e: {  	s25 =	simm.s32 $0x0;
	[sflag:s5] =	ssyncadd.s32 $0xFFFFFE00  }
0x5f: {  	v1 =	vld.idx.msk [tilespmem:v0+s25+$0x0 ss:$0x1], $0xffff;
	_ =	sdelay $0x4  }
0x60: {  	vm0 =	vgt.s32 v1, $0xF423F  }
0x61: {  	v2 =	vsel vm0, $0x1, v4  }
0x62: {  	(xrf0) =	vadd.scan.msk.s32 $0xffff, v2;
	_ =	sdelay $0x3  }
0x63: {  	s6 =	simm.s32 $0x0  }
0x64: {  	v2 =	vmov s6  }
0x65: {  	v2 =	vadd.s32 $0xFFFFFFFF, v2;
	v3, _, _ =	vpop (xrf0)  }
0x66: {  	v2 =	vbroadcast v2, $0x0;
	(v2sf) =	vpush v3, $0xF;
	_ =	sdelay $0x1  }
0x67: {  	s7 =	sand.u32 $0x600, s6;
	v2 =	vadd.s32 v3, v2  }
0x68: {  	s8 =	smul.u32 $0x840, s1;
	s7 =	sshrl.u32 s7, $0x2;
	s5 =	sor.u32 $0x400, s2  }
0x69: {  	s9 =	sand.u32 $0x70, s6;
	s7 =	sadd.s32 s7, s5  }
0x6a: {  	s8 =	sshrl.u32 s8, $0x2;
	s9 =	sadd.s32 s9, s7;
	v1 =	vsel vm0, $0x0, v1  }
0x6b: {  	s7 =	sor.u32 $0x800, s8;
	[tilespmem:s9+$0x0] =	vst v1;
	v1 =	vor.u32 s6, v5  }
0x6c: {  	s26 =	simm.s32 $0x10;
	[tilespmem:v2+s7+$0x0] =	vst.idx.msk vm0, v1  }
0x6d: {  	v1 =	vld.idx.msk [tilespmem:v0+s26+$0x0 ss:$0x1], $0xffff;
	_ =	sdelay $0x1  }
0x6e: {  	s28 =	simm.s32 $0x40  }
0x6f: {  	s8 =	sand.u32 $0x600, s28  }
0x70: {  	s31 =	sshrl.u32 s8, $0x2;
	s8 =	simm.s32 $0x10  }
0x71: {  	s10 =	sand.u32 $0x70, s8;
	s9 =	sadd.s32 s31, s5;
	vm0 =	vgt.s32 v1, $0xF423F  }
0x72: {  	s10 =	sadd.s32 s10, s9;
	v1 =	vsel vm0, $0x0, v1;
	v2 =	vsel vm0, $0x1, v4  }
0x73: {  	s9 =	simm.s32 $0x80;
	[tilespmem:s10+$0x0] =	vst v1;
	(xrf0) =	vadd.scan.msk.s32 $0xffff, v2;
	s10 =	spop (v2sf)  }
.LBB2_8:
0x74: {  	p0 =	sne.s32 s9, $0x7C0  }
0x75: {  	s6 =	sadd.s32 s6, s10;
	s10 =	smov.u32 s9;
	s9 =	sadd.s32 $0x40, s9  }
0x76: {  	v1 =	vmov s6  }
0x77: {  	v1 =	vadd.s32 $0xFFFFFFFF, v1  }
0x78: {  	v1 =	vbroadcast v1, $0x0  }
0x79: {  	v2, _, _ =	vpop (xrf0)  }
0x7a: {  	v1 =	vadd.s32 v2, v1;
	(v2sf) =	vpush v2, $0xF;
	_ =	sdelay $0x3  }
0x7b: {  	v2 =	vor.u32 s8, v5  }
0x7c: {  	s12 =	sshra.s32 s10, $0x2;
	[tilespmem:v1+s7+$0x0] =	vst.idx.msk vm0, v2  }
0x7d: {  	v1 =	vld.idx.msk [tilespmem:v0+s12+$0x0 ss:$0x1], $0xffff;
	_ =	sdelay $0x3  }
0x7e: {  	s10 =	sand.u32 $0x600, s10  }
.Ltmp4:
0x7f: {  	s10 =	sshrl.u32 s10, $0x2;
	s8 =	sadd.s32 $0x10, s8;
	(pc) =	sbr.rel @p0 .LBB2_8-.Ltmp4, $4  }
0x80: {  	s10 =	sadd.s32 s10, s5;
	s12 =	sand.u32 $0x70, s8;
	vm0 =	vgt.s32 v1, $0xF423F  }
0x81: {  	s10 =	sadd.s32 s12, s10;
	v1 =	vsel vm0, $0x0, v1;
	v2 =	vsel vm0, $0x1, v4  }
0x82: {  	[tilespmem:s10+$0x0] =	vst v1;
	(xrf0) =	vadd.scan.msk.s32 $0xffff, v2  }
0x83: {  	s10 =	spop (v2sf)  }
0x84: {  	_ =	sdelay $0x1  }
0x85: {  	s6 =	sadd.s32 s6, s10  }
0x86: {  	v1 =	vmov s6  }
0x87: {  	v1 =	vadd.s32 $0xFFFFFFFF, v1;
	v0, _, _ =	vpop (xrf0)  }
0x88: {  	v1 =	vbroadcast v1, $0x0;
	(v2sf) =	vpush v0, $0xF;
	_ =	sdelay $0x1  }
0x89: {  	v0 =	vadd.s32 v0, v1;
	_ =	sdelay $0x3  }
0x8a: {  	v63 =	vor.u32 s8, v5;
	s18 =	sshll.u32 s1, $0xE  }
0x8b: {  	s9 =	sadd.s32 $0x3, s1;
	s19 =	sor.u32 $0xC20, s18;
	[tilespmem:v0+s7+$0x0] =	vst.idx.msk vm0, v63  }
0x8c: {  	[tilespmem:s19], [sflag:s9] =	stream.indirect.gather [hbm4b:s4+s16], $0x20, s5, s16, $0xb8;
	[tilespmem:$0x10C20] =	vst v63  }
0x8d: {  	s21 =	sor.u32 $0x480, s2;
	s20 =	sor.u32 $0x1C20, s18  }
0x8e: {  	[tilespmem:s20], [sflag:s9] =	stream.indirect.gather [hbm4b:s4+s16], $0x20, s21, s16, $0xb8;
	[tilespmem:$0x10C20] =	vst v63  }
0x8f: {  	s23 =	sor.u32 $0x500, s2;
	s22 =	sor.u32 $0x2C20, s18  }
0x90: {  	[tilespmem:s22], [sflag:s9] =	stream.indirect.gather [hbm4b:s4+s16], $0x20, s23, s16, $0xb8;
	[tilespmem:$0x10C20] =	vst v63  }
0x91: {  	s26 =	sor.u32 $0x580, s2;
	s25 =	sor.u32 $0x3C20, s18  }
0x92: {  	[tilespmem:s25], [sflag:s9] =	stream.indirect.gather [hbm4b:s4+s16], $0x20, s26, s16, $0xb8;
	[tilespmem:$0x10C20] =	vst v63  }
0x93: {  	s24 =	spop (v2sf)  }
0x94: {  	s28 =	sadd.s32 s6, s24  }
0x95: {  	s31 =	smov.u32 s0;
	[smem:s1] =	sst s28  }
.LBB2_10:
0x96: {  	s1 =	sld [smem:s30+$0x0]  }
0x97: {  	s2 =	sadd.s32 $0x3, s30  }
0x98: {  	_ =	swait.ge [sflag:s2], $0x1000  }
0x99: {  	[sflag:s2] =	ssyncset.done $0x0;
	s0 =	sadd.s32 $0xF, s1  }
0x9a: {  	[sflag:s2] =	ssyncadd.s32 $0xFFFFF000;
	s5 =	sand.u32 $0xF, s0  }
0x9b: {  	s28 =	sshra.s32 s0, $0x1F;
	p1 =	slt.s32 s0, $0x1;
	p0 =	sne.s32 s5, $0x0  }
0x9c: {  	_ =	swait.ge [sflag:s2], $0x1000;
	s5 =	sshrl.u32 s28, $0x1C;
	p0 =	por !p1, !p0  }
0x9d: {  	s0 =	sadd.s32 s5, s0;
	s5 =	simm.s32 $0x1;
	p0 =	por !p0, !p0  }
0x9e: {  	[sflag:s2] =	ssyncset.done $0x0;
	s0 =	sshra.s32 s0, $0x4;
	s5 =	simm.s32 @!p0 $0x0  }
0x9f: {  	[sflag:s2] =	ssyncadd.s32 $0xFFFFF000;
	s0 =	ssub.s32 s0, s5  }
0xa0: {  	_ =	swait.ge [sflag:s2], $0x1000;
	p0 =	slt.s32 s0, $0x1  }
.Ltmp5:
0xa1: {  	[sflag:s2] =	ssyncset.done $0x0;
	(pc) =	sbr.rel @p0 .LBB2_15-.Ltmp5, $4  }
0xa2: {  	[sflag:s2] =	ssyncadd.s32 $0xFFFFF000  }
0xa3: {  	_ =	swait.ge [sflag:s2], $0x1000  }
0xa4: {  	[sflag:s2] =	ssyncset.done $0x0  }
0xa5: {  	[sflag:s2] =	ssyncadd.s32 $0xFFFFF000  }
0xa6: {  	s2 =	smul.u32 $0x840, s30;
	_ =	sdelay $0x1  }
0xa7: {  	s2 =	sshrl.u32 s2, $0x2  }
0xa8: {  	s28 =	sshll.u32 s30, $0xE;
	s5 =	sor.u32 $0x800, s2  }
0xa9: {  	v0 =	vmov s1;
	s1 =	sor.u32 $0xC20, s28;
	s2 =	simm.s32 $0x0;
	v1 =	vmov s5;
	s5 =	simm.s32 $0x0  }
.LBB2_12:
0xaa: {  	_ =	sdelay $0x2  }
0xab: {  	s6 =	sshll.u32 s5, $0x4  }
0xac: {  	v2 =	vld.idx.msk [tilespmem:v1+s6+$0x0 ss:$0x1], $0xffff;
	_ =	sdelay $0x2  }
0xad: {  	v3 =	vmov s2  }
0xae: {  	v4 =	vor.u32 s6, v5;
	v3 =	vand.u32 $0x1F, v3  }
0xaf: {  	vm0 =	vlt.s32 v4, v0;
	v3 =	vbroadcast v3, $0x0;
	v2 =	vshll.u32 v2, $0x5  }
0xb0: {  	v2 =	vnsel vm0, $0x0, v2  }
0xb1: {  	s6 =	simm.s32 $0x1;
	v3 =	vor.u32 v2, v3  }
.LBB2_13:
0xb2: {  	p0 =	sne.s32 s6, $0x1F  }
.Ltmp6:
0xb3: {  	v4 =	vmov s6;
	s6 =	sadd.s32 $0x1, s6;
	(pc) =	sbr.rel @p0 .LBB2_13-.Ltmp6, $4  }
0xb4: {  	v4 =	vand.u32 $0x1F, v4  }
0xb5: {  	v4 =	vbroadcast v4, $0x0  }
0xb6: {  	[tilespmem:v3+s1+$0x0] =	vst.idx.msk vm0, v6  }
0xb7: {  	v3 =	vor.u32 v2, v4  }
0xb8: {  	s5 =	sadd.s32 $0x1, s5  }
0xb9: {  	p0 =	sne.s32 s5, s0  }
.Ltmp7:
0xba: {  	_ = 	snop;
	(pc) =	sbr.rel @p0 .LBB2_12-.Ltmp7, $2  }
0xbb: {  	_ =	sdelay $0x2  }
0xbc: {  	[tilespmem:v3+s1+$0x0] =	vst.idx.msk vm0, v6  }
.LBB2_15:
0xbd: {  	p0 =	slt.u32 s29, $0x2  }
0xbe: {  	s1 =	sadd.s32 @!p0 $0x5, s30  }
0xbf: {  	_ =	swait.ge @!p0 [sflag:s1], $0x1000  }
0xc0: {  	[sflag:s1] =	ssyncset.done @!p0 $0x0  }
0xc1: {  	[sflag:s1] =	ssyncadd.s32 @!p0 $0xFFFFF000  }
0xc2: {  	_ =	swait.ge @!p0 [sflag:s1], $0x1000  }
0xc3: {  	s2 =	simm.s32 $0x0;
	[sflag:s1] =	ssyncset.done @!p0 $0x0  }
0xc4: {  	v0 =	vmov s2;
	[sflag:s1] =	ssyncadd.s32 @!p0 $0xFFFFF000  }
0xc5: {  	v0 =	vshll.u32 v0, $0x5;
	_ =	swait.ge @!p0 [sflag:s1], $0x1000  }
0xc6: {  	v8 =	vor.u32 v22, v0;
	[sflag:s1] =	ssyncset.done @!p0 $0x0  }
0xc7: {  	[sflag:s1] =	ssyncadd.s32 @!p0 $0xFFFFF000  }
0xc8: {  	s5 =	simm.s32 $0x10;
	_ =	swait.ge @!p0 [sflag:s1], $0x1000  }
0xc9: {  	s0 =	sshll.u32 s30, $0xE;
	v0 =	vmov s5;
	[sflag:s1] =	ssyncset.done @!p0 $0x0  }
0xca: {  	s13 =	sor.u32 $0xC20, s0;
	v0 =	vshll.u32 v0, $0x5;
	[sflag:s1] =	ssyncadd.s32 @!p0 $0xFFFFF000  }
0xcb: {  	v7 =	vor.u32 v22, v0;
	v0 =	vld.idx.msk [tilespmem:v8+s13+$0x0], $0xffff  }
0xcc: {  	s6 =	simm.s32 $0x0;
	v1 =	vor.u32 $0x1, v8  }
0xcd: {  	s6 =	sand.u32 $0xC00, s6;
	s1 =	sor.u32 $0x8C20, s0  }
0xce: {  	s14 =	sand.u32 $0x60, s2;
	s20 =	sadd.s32 s6, s1  }
0xcf: {  	s2 =	sadd.s32 s14, s20  }
0xd0: {  	v2 =	vld.idx.msk [tilespmem:v7+s13+$0x0], $0xffff;
	[tilespmem:s2+$0x0] =	vst v0  }
0xd1: {  	v0 =	vor.u32 $0x1, v7;
	v1 =	vld.idx.msk [tilespmem:v1+s13+$0x0], $0xffff  }
0xd2: {  	v3 =	vor.u32 $0x2, v8  }
0xd3: {  	s5 =	sand.u32 $0x70, s5  }
0xd4: {  	s6 =	sadd.s32 s5, s20  }
0xd5: {  	[tilespmem:s6+$0x0] =	vst v2  }
0xd6: {  	v0 =	vld.idx.msk [tilespmem:v0+s13+$0x0], $0xffff;
	[tilespmem:s2+$0x80] =	vst v1  }
0xd7: {  	v1 =	vor.u32 $0x2, v7;
	v2 =	vld.idx.msk [tilespmem:v3+s13+$0x0], $0xffff  }
0xd8: {  	v3 =	vor.u32 $0x3, v8;
	_ =	sdelay $0x2  }
0xd9: {  	[tilespmem:s6+$0x80] =	vst v0  }
0xda: {  	v0 =	vld.idx.msk [tilespmem:v1+s13+$0x0], $0xffff;
	[tilespmem:s2+$0x100] =	vst v2  }
0xdb: {  	v1 =	vor.u32 $0x3, v7;
	v2 =	vld.idx.msk [tilespmem:v3+s13+$0x0], $0xffff  }
0xdc: {  	v3 =	vor.u32 $0x4, v8;
	_ =	sdelay $0x2  }
0xdd: {  	[tilespmem:s6+$0x100] =	vst v0  }
0xde: {  	v0 =	vld.idx.msk [tilespmem:v1+s13+$0x0], $0xffff;
	[tilespmem:s2+$0x180] =	vst v2  }
0xdf: {  	v1 =	vor.u32 $0x4, v7;
	v2 =	vld.idx.msk [tilespmem:v3+s13+$0x0], $0xffff  }
0xe0: {  	v3 =	vor.u32 $0x5, v8;
	_ =	sdelay $0x2  }
0xe1: {  	[tilespmem:s6+$0x180] =	vst v0  }
0xe2: {  	v0 =	vld.idx.msk [tilespmem:v1+s13+$0x0], $0xffff;
	[tilespmem:s2+$0x200] =	vst v2  }
0xe3: {  	v1 =	vor.u32 $0x5, v7;
	v2 =	vld.idx.msk [tilespmem:v3+s13+$0x0], $0xffff  }
0xe4: {  	v3 =	vor.u32 $0x6, v8;
	_ =	sdelay $0x2  }
0xe5: {  	[tilespmem:s6+$0x200] =	vst v0  }
0xe6: {  	v0 =	vld.idx.msk [tilespmem:v1+s13+$0x0], $0xffff;
	[tilespmem:s2+$0x280] =	vst v2  }
0xe7: {  	v1 =	vor.u32 $0x6, v7;
	v2 =	vld.idx.msk [tilespmem:v3+s13+$0x0], $0xffff  }
0xe8: {  	v3 =	vor.u32 $0x7, v8;
	_ =	sdelay $0x2  }
0xe9: {  	[tilespmem:s6+$0x280] =	vst v0  }
0xea: {  	v0 =	vld.idx.msk [tilespmem:v1+s13+$0x0], $0xffff;
	[tilespmem:s2+$0x300] =	vst v2  }
0xeb: {  	v1 =	vor.u32 $0x7, v7;
	v2 =	vld.idx.msk [tilespmem:v3+s13+$0x0], $0xffff  }
0xec: {  	v3 =	vor.u32 $0x8, v8;
	_ =	sdelay $0x2  }
0xed: {  	[tilespmem:s6+$0x300] =	vst v0  }
0xee: {  	s8 =	simm.s32 $0x20;
	v0 =	vld.idx.msk [tilespmem:v1+s13+$0x0], $0xffff;
	[tilespmem:s2+$0x380] =	vst v2  }
0xef: {  	v1 =	vor.u32 $0x8, v7;
	v2 =	vld.idx.msk [tilespmem:v3+s13+$0x0], $0xffff;
	v3 =	vmov s8  }
0xf0: {  	v5 =	vor.u32 $0x9, v8;
	v3 =	vshll.u32 v3, $0x5  }
0xf1: {  	s10 =	simm.s32 $0x30;
	v4 =	vor.u32 v22, v3  }
0xf2: {  	s7 =	sadd.s32 $0x1000, s20;
	v3 =	vmov s10  }
0xf3: {  	s23 =	sadd.s32 s14, s7;
	[tilespmem:s6+$0x380] =	vst v0;
	v0 =	vshll.u32 v3, $0x5  }
0xf4: {  	v1 =	vld.idx.msk [tilespmem:v1+s13+$0x0], $0xffff;
	v10 =	vor.u32 v22, v0;
	[tilespmem:s23+$0x0] =	vst v2  }
0xf5: {  	v0 =	vor.u32 $0x9, v7;
	v2 =	vld.idx.msk [tilespmem:v5+s13+$0x0], $0xffff  }
0xf6: {  	v5 =	vor.u32 $0xA, v8;
	v3 =	vld.idx.msk [tilespmem:v4+s13+$0x0], $0xffff  }
0xf7: {  	s24 =	simm.s32 $0x100;
	v6 =	vor.u32 $0x1, v4  }
0xf8: {  	s7 =	sadd.s32 s5, s7;
	s6 =	sand.u32 $0xC00, s24  }
0xf9: {  	s24 =	sand.u32 $0x60, s8;
	s12 =	sadd.s32 s6, s1;
	[tilespmem:s7+$0x0] =	vst v1;
	v1 =	vld.idx.msk [tilespmem:v10+s13+$0x0], $0xffff  }
0xfa: {  	v9 =	vor.u32 $0x1, v10;
	s9 =	sadd.s32 s24, s12;
	v0 =	vld.idx.msk [tilespmem:v0+s13+$0x0], $0xffff;
	[tilespmem:s23+$0x80] =	vst v2  }
0xfb: {  	v2 =	vor.u32 $0xA, v7;
	[tilespmem:s9+$0x0] =	vst v3;
	v3 =	vld.idx.msk [tilespmem:v5+s13+$0x0], $0xffff  }
0xfc: {  	s6 =	sand.u32 $0x70, s10;
	v5 =	vld.idx.msk [tilespmem:v6+s13+$0x0], $0xffff;
	v6 =	vor.u32 $0xB, v8  }
0xfd: {  	v11 =	vor.u32 $0x2, v4;
	s25 =	sadd.s32 s6, s12  }
0xfe: {  	[tilespmem:s25+$0x0] =	vst v1  }
0xff: {  	v1 =	vld.idx.msk [tilespmem:v9+s13+$0x0], $0xffff;
	[tilespmem:s7+$0x80] =	vst v0  }
0x100: {  	v0 =	vor.u32 $0x2, v10;
	v2 =	vld.idx.msk [tilespmem:v2+s13+$0x0], $0xffff;
	[tilespmem:s23+$0x100] =	vst v3  }
0x101: {  	v3 =	vor.u32 $0xB, v7;
	[tilespmem:s9+$0x80] =	vst v5;
	v5 =	vld.idx.msk [tilespmem:v6+s13+$0x0], $0xffff  }
0x102: {  	v53 =	vor.u32 $0xC, v8;
	v6 =	vld.idx.msk [tilespmem:v11+s13+$0x0], $0xffff  }
0x103: {  	v54 =	vor.u32 $0x3, v4  }
0x104: {  	[tilespmem:s25+$0x80] =	vst v1  }
0x105: {  	v0 =	vld.idx.msk [tilespmem:v0+s13+$0x0], $0xffff;
	[tilespmem:s7+$0x100] =	vst v2  }
0x106: {  	v1 =	vor.u32 $0x3, v10;
	v2 =	vld.idx.msk [tilespmem:v3+s13+$0x0], $0xffff;
	[tilespmem:s23+$0x180] =	vst v5  }
0x107: {  	v3 =	vor.u32 $0xC, v7;
	[tilespmem:s9+$0x100] =	vst v6;
	v5 =	vld.idx.msk [tilespmem:v53+s13+$0x0], $0xffff  }
0x108: {  	v55 =	vor.u32 $0xD, v8;
	v6 =	vld.idx.msk [tilespmem:v54+s13+$0x0], $0xffff  }
0x109: {  	v56 =	vor.u32 $0x4, v4  }
0x10a: {  	[tilespmem:s25+$0x100] =	vst v0  }
0x10b: {  	v0 =	vld.idx.msk [tilespmem:v1+s13+$0x0], $0xffff;
	[tilespmem:s7+$0x180] =	vst v2  }
0x10c: {  	v1 =	vor.u32 $0x4, v10;
	v2 =	vld.idx.msk [tilespmem:v3+s13+$0x0], $0xffff;
	[tilespmem:s23+$0x200] =	vst v5  }
0x10d: {  	v3 =	vor.u32 $0xD, v7;
	[tilespmem:s9+$0x180] =	vst v6;
	v5 =	vld.idx.msk [tilespmem:v55+s13+$0x0], $0xffff  }
0x10e: {  	v57 =	vor.u32 $0xE, v8;
	v6 =	vld.idx.msk [tilespmem:v56+s13+$0x0], $0xffff  }
0x10f: {  	v58 =	vor.u32 $0x5, v4  }
0x110: {  	[tilespmem:s25+$0x180] =	vst v0  }
0x111: {  	v0 =	vld.idx.msk [tilespmem:v1+s13+$0x0], $0xffff;
	[tilespmem:s7+$0x200] =	vst v2  }
0x112: {  	v1 =	vor.u32 $0x5, v10;
	v2 =	vld.idx.msk [tilespmem:v3+s13+$0x0], $0xffff;
	[tilespmem:s23+$0x280] =	vst v5  }
0x113: {  	v3 =	vor.u32 $0xE, v7;
	[tilespmem:s9+$0x200] =	vst v6;
	v5 =	vld.idx.msk [tilespmem:v57+s13+$0x0], $0xffff  }
0x114: {  	v59 =	vor.u32 $0xF, v8;
	v6 =	vld.idx.msk [tilespmem:v58+s13+$0x0], $0xffff  }
0x115: {  	v60 =	vor.u32 $0x6, v4  }
0x116: {  	[tilespmem:s25+$0x200] =	vst v0  }
0x117: {  	v0 =	vld.idx.msk [tilespmem:v1+s13+$0x0], $0xffff;
	[tilespmem:s7+$0x280] =	vst v2  }
0x118: {  	v1 =	vor.u32 $0x6, v10;
	v2 =	vld.idx.msk [tilespmem:v3+s13+$0x0], $0xffff;
	[tilespmem:s23+$0x300] =	vst v5  }
0x119: {  	v3 =	vor.u32 $0xF, v7;
	[tilespmem:s9+$0x280] =	vst v6;
	v5 =	vld.idx.msk [tilespmem:v59+s13+$0x0], $0xffff  }
0x11a: {  	v61 =	vor.u32 $0x10, v8;
	v6 =	vld.idx.msk [tilespmem:v60+s13+$0x0], $0xffff  }
0x11b: {  	v62 =	vor.u32 $0x7, v4  }
0x11c: {  	[tilespmem:s25+$0x280] =	vst v0  }
0x11d: {  	v0 =	vld.idx.msk [tilespmem:v1+s13+$0x0], $0xffff;
	[tilespmem:s7+$0x300] =	vst v2  }
0x11e: {  	v1 =	vor.u32 $0x7, v10;
	v2 =	vld.idx.msk [tilespmem:v3+s13+$0x0], $0xffff;
	[tilespmem:s23+$0x380] =	vst v5  }
0x11f: {  	v3 =	vor.u32 $0x10, v7;
	[tilespmem:s9+$0x300] =	vst v6;
	v5 =	vld.idx.msk [tilespmem:v61+s13+$0x0], $0xffff  }
0x120: {  	v63 =	vor.u32 $0x11, v8;
	v6 =	vld.idx.msk [tilespmem:v62+s13+$0x0], $0xffff  }
0x121: {  	v32 =	vor.u32 $0x8, v4  }
0x122: {  	s26 =	sadd.s32 $0x2000, s20;
	[tilespmem:s25+$0x300] =	vst v0  }
0x123: {  	s10 =	sadd.s32 s14, s26;
	v0 =	vld.idx.msk [tilespmem:v1+s13+$0x0], $0xffff;
	[tilespmem:s7+$0x380] =	vst v2  }
0x124: {  	v1 =	vor.u32 $0x8, v10;
	v2 =	vld.idx.msk [tilespmem:v3+s13+$0x0], $0xffff;
	[tilespmem:s10+$0x0] =	vst v5  }
0x125: {  	s19 =	simm.s32 $0x40;
	v3 =	vor.u32 $0x11, v7;
	[tilespmem:s9+$0x380] =	vst v6;
	v6 =	vld.idx.msk [tilespmem:v63+s13+$0x0], $0xffff  }
0x126: {  	s17 =	simm.s32 $0x50;
	v34 =	vor.u32 $0x12, v8;
	v5 =	vmov s19;
	v33 =	vld.idx.msk [tilespmem:v32+s13+$0x0], $0xffff  }
0x127: {  	v12 =	vmov s17;
	v13 =	vor.u32 $0x9, v4;
	v5 =	vshll.u32 v5, $0x5  }
0x128: {  	s2 =	sadd.s32 s5, s26;
	v5 =	vor.u32 v22, v5;
	[tilespmem:s25+$0x380] =	vst v0;
	v0 =	vshll.u32 v12, $0x5  }
0x129: {  	s21 =	sadd.s32 $0x1000, s12;
	v1 =	vld.idx.msk [tilespmem:v1+s13+$0x0], $0xffff;
	[tilespmem:s2+$0x0] =	vst v2;
	v19 =	vor.u32 v22, v0  }
0x12a: {  	s22 =	sadd.s32 s24, s21;
	v0 =	vor.u32 $0x9, v10;
	v2 =	vld.idx.msk [tilespmem:v3+s13+$0x0], $0xffff;
	[tilespmem:s10+$0x80] =	vst v6  }
0x12b: {  	v3 =	vor.u32 $0x12, v7;
	[tilespmem:s22+$0x0] =	vst v33;
	v6 =	vld.idx.msk [tilespmem:v34+s13+$0x0], $0xffff  }
0x12c: {  	v35 =	vor.u32 $0x13, v8;
	v9 =	vld.idx.msk [tilespmem:v13+s13+$0x0], $0xffff  }
0x12d: {  	s8 =	sadd.s32 s6, s21;
	v12 =	vld.idx.msk [tilespmem:v5+s13+$0x0], $0xffff;
	v13 =	vor.u32 $0xA, v4  }
0x12e: {  	s18 =	simm.s32 $0x200;
	v14 =	vor.u32 $0x1, v5;
	[tilespmem:s8+$0x0] =	vst v1;
	v1 =	vld.idx.msk [tilespmem:v19+s13+$0x0], $0xffff  }
0x12f: {  	s18 =	sand.u32 $0xC00, s18;
	v15 =	vor.u32 $0x1, v19;
	[tilespmem:s2+$0x80] =	vst v2;
	v0 =	vld.idx.msk [tilespmem:v0+s13+$0x0], $0xffff  }
0x130: {  	s18 =	sadd.s32 s18, s1;
	s19 =	sand.u32 $0x60, s19;
	v2 =	vor.u32 $0xA, v10;
	v3 =	vld.idx.msk [tilespmem:v3+s13+$0x0], $0xffff;
	[tilespmem:s10+$0x100] =	vst v6  }
0x131: {  	s17 =	sand.u32 $0x70, s17;
	s21 =	sadd.s32 s19, s18;
	v6 =	vor.u32 $0x13, v7;
	[tilespmem:s22+$0x80] =	vst v9;
	v36 =	vld.idx.msk [tilespmem:v35+s13+$0x0], $0xffff  }
0x132: {  	s23 =	sadd.s32 s17, s18;
	[tilespmem:s21+$0x0] =	vst v12;
	v12 =	vor.u32 $0x14, v8;
	v37 =	vld.idx.msk [tilespmem:v13+s13+$0x0], $0xffff  }
0x133: {  	v13 =	vld.idx.msk [tilespmem:v14+s13+$0x0], $0xffff;
	[tilespmem:s23+$0x0] =	vst v1;
	v1 =	vor.u32 $0xB, v4  }
0x134: {  	v14 =	vld.idx.msk [tilespmem:v15+s13+$0x0], $0xffff;
	[tilespmem:s8+$0x80] =	vst v0;
	v0 =	vor.u32 $0x2, v5  }
0x135: {  	v15 =	vor.u32 $0x2, v19;
	v2 =	vld.idx.msk [tilespmem:v2+s13+$0x0], $0xffff;
	[tilespmem:s2+$0x100] =	vst v3  }
0x136: {  	v3 =	vor.u32 $0xB, v10;
	v6 =	vld.idx.msk [tilespmem:v6+s13+$0x0], $0xffff;
	[tilespmem:s10+$0x180] =	vst v36  }
0x137: {  	v38 =	vor.u32 $0x14, v7;
	[tilespmem:s22+$0x100] =	vst v37;
	v39 =	vld.idx.msk [tilespmem:v12+s13+$0x0], $0xffff  }
0x138: {  	[tilespmem:s21+$0x80] =	vst v13;
	v12 =	vor.u32 $0x15, v8;
	v1 =	vld.idx.msk [tilespmem:v1+s13+$0x0], $0xffff  }
0x139: {  	v13 =	vor.u32 $0xC, v4;
	v0 =	vld.idx.msk [tilespmem:v0+s13+$0x0], $0xffff;
	[tilespmem:s23+$0x80] =	vst v14  }
0x13a: {  	v14 =	vld.idx.msk [tilespmem:v15+s13+$0x0], $0xffff;
	[tilespmem:s8+$0x100] =	vst v2;
	v2 =	vor.u32 $0x3, v5  }
0x13b: {  	v15 =	vor.u32 $0x3, v19;
	v3 =	vld.idx.msk [tilespmem:v3+s13+$0x0], $0xffff;
	[tilespmem:s2+$0x180] =	vst v6  }
0x13c: {  	v6 =	vor.u32 $0xC, v10;
	v9 =	vld.idx.msk [tilespmem:v38+s13+$0x0], $0xffff;
	[tilespmem:s10+$0x200] =	vst v39  }
0x13d: {  	v40 =	vor.u32 $0x15, v7;
	[tilespmem:s22+$0x180] =	vst v1;
	v1 =	vld.idx.msk [tilespmem:v12+s13+$0x0], $0xffff  }
0x13e: {  	[tilespmem:s21+$0x100] =	vst v0;
	v12 =	vor.u32 $0x16, v8;
	v0 =	vld.idx.msk [tilespmem:v13+s13+$0x0], $0xffff  }
0x13f: {  	v2 =	vld.idx.msk [tilespmem:v2+s13+$0x0], $0xffff;
	[tilespmem:s23+$0x100] =	vst v14;
	v13 =	vor.u32 $0xD, v4  }
0x140: {  	v14 =	vld.idx.msk [tilespmem:v15+s13+$0x0], $0xffff;
	[tilespmem:s8+$0x180] =	vst v3;
	v3 =	vor.u32 $0x4, v5  }
0x141: {  	v15 =	vor.u32 $0x4, v19;
	v6 =	vld.idx.msk [tilespmem:v6+s13+$0x0], $0xffff;
	[tilespmem:s2+$0x200] =	vst v9  }
0x142: {  	v41 =	vor.u32 $0xD, v10;
	v11 =	vld.idx.msk [tilespmem:v40+s13+$0x0], $0xffff;
	[tilespmem:s10+$0x280] =	vst v1  }
0x143: {  	v1 =	vor.u32 $0x16, v7;
	[tilespmem:s22+$0x200] =	vst v0;
	v0 =	vld.idx.msk [tilespmem:v12+s13+$0x0], $0xffff  }
0x144: {  	[tilespmem:s21+$0x180] =	vst v2;
	v12 =	vor.u32 $0x17, v8;
	v2 =	vld.idx.msk [tilespmem:v13+s13+$0x0], $0xffff  }
0x145: {  	v3 =	vld.idx.msk [tilespmem:v3+s13+$0x0], $0xffff;
	[tilespmem:s23+$0x180] =	vst v14;
	v13 =	vor.u32 $0xE, v4  }
0x146: {  	v14 =	vld.idx.msk [tilespmem:v15+s13+$0x0], $0xffff;
	[tilespmem:s8+$0x200] =	vst v6;
	v6 =	vor.u32 $0x5, v5  }
0x147: {  	v15 =	vor.u32 $0x5, v19;
	v9 =	vld.idx.msk [tilespmem:v41+s13+$0x0], $0xffff;
	[tilespmem:s2+$0x280] =	vst v11  }
0x148: {  	v42 =	vor.u32 $0xE, v10;
	v1 =	vld.idx.msk [tilespmem:v1+s13+$0x0], $0xffff;
	[tilespmem:s10+$0x300] =	vst v0  }
0x149: {  	v0 =	vor.u32 $0x17, v7;
	[tilespmem:s22+$0x280] =	vst v2;
	v2 =	vld.idx.msk [tilespmem:v12+s13+$0x0], $0xffff  }
0x14a: {  	[tilespmem:s21+$0x200] =	vst v3;
	v12 =	vor.u32 $0x18, v8;
	v3 =	vld.idx.msk [tilespmem:v13+s13+$0x0], $0xffff  }
0x14b: {  	v6 =	vld.idx.msk [tilespmem:v6+s13+$0x0], $0xffff;
	[tilespmem:s23+$0x200] =	vst v14;
	v13 =	vor.u32 $0xF, v4  }
0x14c: {  	v43 =	vor.u32 $0x6, v5;
	v14 =	vld.idx.msk [tilespmem:v15+s13+$0x0], $0xffff;
	[tilespmem:s8+$0x280] =	vst v9  }
0x14d: {  	v15 =	vor.u32 $0x6, v19;
	v11 =	vld.idx.msk [tilespmem:v42+s13+$0x0], $0xffff;
	[tilespmem:s2+$0x300] =	vst v1  }
0x14e: {  	v1 =	vor.u32 $0xF, v10;
	v0 =	vld.idx.msk [tilespmem:v0+s13+$0x0], $0xffff;
	[tilespmem:s10+$0x380] =	vst v2  }
0x14f: {  	v2 =	vor.u32 $0x18, v7;
	[tilespmem:s22+$0x300] =	vst v3;
	v3 =	vld.idx.msk [tilespmem:v12+s13+$0x0], $0xffff  }
0x150: {  	[tilespmem:s21+$0x280] =	vst v6;
	v12 =	vor.u32 $0x19, v8;
	v6 =	vld.idx.msk [tilespmem:v13+s13+$0x0], $0xffff  }
0x151: {  	v9 =	vld.idx.msk [tilespmem:v43+s13+$0x0], $0xffff;
	[tilespmem:s23+$0x280] =	vst v14;
	v13 =	vor.u32 $0x10, v4  }
0x152: {  	s26 =	sadd.s32 $0x3000, s20;
	v44 =	vor.u32 $0x7, v5;
	v14 =	vld.idx.msk [tilespmem:v15+s13+$0x0], $0xffff;
	[tilespmem:s8+$0x300] =	vst v11  }
0x153: {  	s25 =	sadd.s32 s14, s26;
	v15 =	vor.u32 $0x7, v19;
	v1 =	vld.idx.msk [tilespmem:v1+s13+$0x0], $0xffff;
	[tilespmem:s2+$0x380] =	vst v0  }
0x154: {  	v0 =	vor.u32 $0x10, v10;
	v2 =	vld.idx.msk [tilespmem:v2+s13+$0x0], $0xffff;
	[tilespmem:s25+$0x0] =	vst v3  }
0x155: {  	v3 =	vor.u32 $0x19, v7;
	[tilespmem:s22+$0x380] =	vst v6;
	v6 =	vld.idx.msk [tilespmem:v12+s13+$0x0], $0xffff  }
0x156: {  	[tilespmem:s21+$0x300] =	vst v9;
	v12 =	vor.u32 $0x1A, v8;
	v45 =	vld.idx.msk [tilespmem:v13+s13+$0x0], $0xffff  }
0x157: {  	v11 =	vld.idx.msk [tilespmem:v44+s13+$0x0], $0xffff;
	[tilespmem:s23+$0x300] =	vst v14;
	v13 =	vor.u32 $0x11, v4  }
0x158: {  	s20 =	sadd.s32 s5, s26;
	v14 =	vld.idx.msk [tilespmem:v15+s13+$0x0], $0xffff;
	[tilespmem:s8+$0x380] =	vst v1;
	v1 =	vor.u32 $0x8, v5  }
0x159: {  	s14 =	sadd.s32 $0x2000, s12;
	v15 =	vor.u32 $0x8, v19;
	v0 =	vld.idx.msk [tilespmem:v0+s13+$0x0], $0xffff;
	[tilespmem:s20+$0x0] =	vst v2  }
0x15a: {  	s10 =	sadd.s32 s24, s14;
	v2 =	vor.u32 $0x11, v10;
	v3 =	vld.idx.msk [tilespmem:v3+s13+$0x0], $0xffff;
	[tilespmem:s25+$0x80] =	vst v6  }
0x15b: {  	v16 =	vor.u32 $0x1A, v7;
	[tilespmem:s10+$0x0] =	vst v45;
	v46 =	vld.idx.msk [tilespmem:v12+s13+$0x0], $0xffff  }
0x15c: {  	[tilespmem:s21+$0x380] =	vst v11;
	s21 =	simm.s32 $0x60;
	v12 =	vor.u32 $0x1B, v8;
	v47 =	vld.idx.msk [tilespmem:v13+s13+$0x0], $0xffff  }
0x15d: {  	s26 =	simm.s32 $0x70;
	s8 =	sadd.s32 s6, s14;
	v1 =	vld.idx.msk [tilespmem:v1+s13+$0x0], $0xffff;
	[tilespmem:s23+$0x380] =	vst v14;
	v6 =	vmov s21;
	v13 =	vor.u32 $0x12, v4  }
0x15e: {  	v17 =	vor.u32 $0x9, v5;
	v14 =	vmov s26;
	v15 =	vld.idx.msk [tilespmem:v15+s13+$0x0], $0xffff;
	[tilespmem:s8+$0x0] =	vst v0;
	v0 =	vshll.u32 v6, $0x5  }
0x15f: {  	v14 =	vshll.u32 v14, $0x5;
	v2 =	vld.idx.msk [tilespmem:v2+s13+$0x0], $0xffff;
	[tilespmem:s20+$0x80] =	vst v3;
	v6 =	vor.u32 v22, v0  }
0x160: {  	s23 =	sadd.s32 $0x1000, s18;
	v28 =	vor.u32 v22, v14;
	v0 =	vld.idx.msk [tilespmem:v16+s13+$0x0], $0xffff;
	[tilespmem:s25+$0x100] =	vst v46  }
0x161: {  	s9 =	sadd.s32 s19, s23;
	v3 =	vor.u32 $0x9, v19;
	[tilespmem:s10+$0x80] =	vst v47;
	v9 =	vld.idx.msk [tilespmem:v12+s13+$0x0], $0xffff  }
0x162: {  	v48 =	vor.u32 $0x12, v10;
	s7 =	sadd.s32 s17, s23;
	[tilespmem:s9+$0x0] =	vst v1;
	v1 =	vld.idx.msk [tilespmem:v13+s13+$0x0], $0xffff  }
0x163: {  	v12 =	vld.idx.msk [tilespmem:v17+s13+$0x0], $0xffff;
	v13 =	vor.u32 $0x1C, v8;
	[tilespmem:s7+$0x0] =	vst v15  }
0x164: {  	v15 =	vor.u32 $0x13, v4;
	v14 =	vld.idx.msk [tilespmem:v6+s13+$0x0], $0xffff;
	[tilespmem:s8+$0x80] =	vst v2  }
0x165: {  	s5 =	simm.s32 $0x300;
	v16 =	vor.u32 $0xA, v5;
	v2 =	vld.idx.msk [tilespmem:v28+s13+$0x0], $0xffff;
	[tilespmem:s20+$0x100] =	vst v0  }
0x166: {  	s22 =	sand.u32 $0xC00, s5;
	v3 =	vld.idx.msk [tilespmem:v3+s13+$0x0], $0xffff;
	v0 =	vor.u32 $0x1, v6;
	[tilespmem:s25+$0x180] =	vst v9  }
0x167: {  	s22 =	sadd.s32 s22, s1;
	s21 =	sand.u32 $0x60, s21;
	v17 =	vor.u32 $0x1, v28;
	v11 =	vld.idx.msk [tilespmem:v48+s13+$0x0], $0xffff;
	[tilespmem:s10+$0x100] =	vst v1  }
0x168: {  	v49 =	vor.u32 $0xA, v19;
	s23 =	sand.u32 $0x70, s26;
	s2 =	sadd.s32 s21, s22;
	v1 =	vld.idx.msk [tilespmem:v13+s13+$0x0], $0xffff;
	[tilespmem:s9+$0x80] =	vst v12  }
0x169: {  	s14 =	sadd.s32 s23, s22;
	v13 =	vor.u32 $0x13, v10;
	v12 =	vld.idx.msk [tilespmem:v15+s13+$0x0], $0xffff;
	[tilespmem:s2+$0x0] =	vst v14  }
0x16a: {  	v14 =	vld.idx.msk [tilespmem:v16+s13+$0x0], $0xffff;
	v15 =	vor.u32 $0x1D, v8;
	[tilespmem:s14+$0x0] =	vst v2  }
0x16b: {  	v2 =	vor.u32 $0x14, v4;
	[tilespmem:s7+$0x80] =	vst v3;
	v0 =	vld.idx.msk [tilespmem:v0+s13+$0x0], $0xffff  }
0x16c: {  	v16 =	vld.idx.msk [tilespmem:v17+s13+$0x0], $0xffff;
	v17 =	vor.u32 $0xB, v5;
	[tilespmem:s8+$0x100] =	vst v11  }
0x16d: {  	v3 =	vor.u32 $0x2, v6;
	v9 =	vld.idx.msk [tilespmem:v49+s13+$0x0], $0xffff;
	[tilespmem:s25+$0x200] =	vst v1  }
0x16e: {  	v50 =	vor.u32 $0x2, v28;
	v13 =	vld.idx.msk [tilespmem:v13+s13+$0x0], $0xffff;
	[tilespmem:s10+$0x180] =	vst v12  }
0x16f: {  	v1 =	vor.u32 $0xB, v19;
	v12 =	vld.idx.msk [tilespmem:v15+s13+$0x0], $0xffff;
	[tilespmem:s9+$0x100] =	vst v14  }
0x170: {  	v15 =	vor.u32 $0x14, v10;
	v2 =	vld.idx.msk [tilespmem:v2+s13+$0x0], $0xffff;
	[tilespmem:s2+$0x80] =	vst v0  }
0x171: {  	v14 =	vor.u32 $0x1E, v8;
	v0 =	vld.idx.msk [tilespmem:v17+s13+$0x0], $0xffff;
	[tilespmem:s14+$0x80] =	vst v16  }
0x172: {  	v16 =	vor.u32 $0x15, v4;
	[tilespmem:s7+$0x100] =	vst v9;
	v3 =	vld.idx.msk [tilespmem:v3+s13+$0x0], $0xffff  }
0x173: {  	v17 =	vor.u32 $0xC, v5;
	v11 =	vld.idx.msk [tilespmem:v50+s13+$0x0], $0xffff;
	[tilespmem:s8+$0x180] =	vst v13  }
0x174: {  	v51 =	vor.u32 $0x3, v6;
	v1 =	vld.idx.msk [tilespmem:v1+s13+$0x0], $0xffff;
	[tilespmem:s25+$0x280] =	vst v12  }
0x175: {  	v13 =	vor.u32 $0x3, v28;
	v15 =	vld.idx.msk [tilespmem:v15+s13+$0x0], $0xffff;
	[tilespmem:s10+$0x200] =	vst v2  }
0x176: {  	v12 =	vor.u32 $0xC, v19;
	v2 =	vld.idx.msk [tilespmem:v14+s13+$0x0], $0xffff;
	[tilespmem:s9+$0x180] =	vst v0  }
0x177: {  	v14 =	vor.u32 $0x15, v10;
	v0 =	vld.idx.msk [tilespmem:v16+s13+$0x0], $0xffff;
	[tilespmem:s2+$0x100] =	vst v3  }
0x178: {  	v8 =	vor.u32 $0x1F, v8;
	v3 =	vld.idx.msk [tilespmem:v17+s13+$0x0], $0xffff;
	[tilespmem:s14+$0x100] =	vst v11  }
0x179: {  	v52 =	vor.u32 $0x16, v4;
	v9 =	vld.idx.msk [tilespmem:v51+s13+$0x0], $0xffff;
	[tilespmem:s7+$0x180] =	vst v1  }
0x17a: {  	v16 =	vor.u32 $0xD, v5;
	v13 =	vld.idx.msk [tilespmem:v13+s13+$0x0], $0xffff;
	[tilespmem:s8+$0x200] =	vst v15  }
0x17b: {  	v1 =	vor.u32 $0x4, v6;
	v12 =	vld.idx.msk [tilespmem:v12+s13+$0x0], $0xffff;
	[tilespmem:s25+$0x300] =	vst v2  }
0x17c: {  	v15 =	vor.u32 $0x4, v28;
	v14 =	vld.idx.msk [tilespmem:v14+s13+$0x0], $0xffff;
	[tilespmem:s10+$0x280] =	vst v0  }
0x17d: {  	v2 =	vor.u32 $0xD, v19;
	v0 =	vld.idx.msk [tilespmem:v8+s13+$0x0], $0xffff;
	[tilespmem:s9+$0x200] =	vst v3  }
0x17e: {  	v8 =	vor.u32 $0x16, v10;
	v3 =	vld.idx.msk [tilespmem:v52+s13+$0x0], $0xffff;
	[tilespmem:s2+$0x180] =	vst v9  }
0x17f: {  	v53 =	vor.u32 $0x1B, v7;
	v54 =	vld.idx.msk [tilespmem:v16+s13+$0x0], $0xffff;
	[tilespmem:s14+$0x180] =	vst v13  }
0x180: {  	v1 =	vld.idx.msk [tilespmem:v1+s13+$0x0], $0xffff;
	v13 =	vor.u32 $0x17, v4;
	[tilespmem:s7+$0x200] =	vst v12  }
0x181: {  	v16 =	vor.u32 $0xE, v5;
	v15 =	vld.idx.msk [tilespmem:v15+s13+$0x0], $0xffff;
	[tilespmem:s8+$0x280] =	vst v14  }
0x182: {  	v12 =	vor.u32 $0x5, v6;
	v2 =	vld.idx.msk [tilespmem:v2+s13+$0x0], $0xffff;
	[tilespmem:s25+$0x380] =	vst v0  }
0x183: {  	v17 =	vor.u32 $0x5, v28;
	v8 =	vld.idx.msk [tilespmem:v8+s13+$0x0], $0xffff;
	[tilespmem:s10+$0x300] =	vst v3  }
0x184: {  	v0 =	vor.u32 $0xE, v19;
	v3 =	vld.idx.msk [tilespmem:v53+s13+$0x0], $0xffff;
	[tilespmem:s9+$0x280] =	vst v54  }
0x185: {  	v18 =	vor.u32 $0x17, v10;
	v55 =	vld.idx.msk [tilespmem:v13+s13+$0x0], $0xffff;
	[tilespmem:s2+$0x200] =	vst v1  }
0x186: {  	v20 =	vor.u32 $0x1C, v7;
	v1 =	vld.idx.msk [tilespmem:v16+s13+$0x0], $0xffff;
	[tilespmem:s14+$0x200] =	vst v15  }
0x187: {  	v12 =	vld.idx.msk [tilespmem:v12+s13+$0x0], $0xffff;
	v15 =	vor.u32 $0x18, v4;
	[tilespmem:s7+$0x280] =	vst v2  }
0x188: {  	v17 =	vld.idx.msk [tilespmem:v17+s13+$0x0], $0xffff;
	[tilespmem:s8+$0x300] =	vst v8  }
0x189: {  	v0 =	vld.idx.msk [tilespmem:v0+s13+$0x0], $0xffff;
	[tilespmem:s20+$0x180] =	vst v3  }
0x18a: {  	v18 =	vld.idx.msk [tilespmem:v18+s13+$0x0], $0xffff;
	[tilespmem:s10+$0x380] =	vst v55  }
0x18b: {  	v21 =	vor.u32 $0xF, v5;
	v57 =	vor.u32 $0x12, v19;
	v56 =	vld.idx.msk [tilespmem:v20+s13+$0x0], $0xffff;
	[tilespmem:s9+$0x300] =	vst v1  }
0x18c: {  	v59 =	vor.u32 $0x13, v19;
	v1 =	vld.idx.msk [tilespmem:v15+s13+$0x0], $0xffff;
	[tilespmem:$0x1FF70] =	vst v57  }
0x18d: {  	v60 =	vor.u32 $0x14, v19;
	v2 =	vor.u32 $0x6, v6;
	[tilespmem:$0x1FF80] =	vst v59  }
0x18e: {  	v8 =	vor.u32 $0x6, v28;
	[tilespmem:$0x1FF90] =	vst v60  }
0x18f: {  	v23 =	vor.u32 $0x1D, v7;
	v61 =	vor.u32 $0x15, v19;
	v3 =	vor.u32 $0xF, v19;
	[tilespmem:s2+$0x280] =	vst v12  }
0x190: {  	v25 =	vor.u32 $0x1E, v7;
	v26 =	vor.u32 $0x1F, v7;
	v7 =	vor.u32 $0x18, v10;
	v33 =	vld.idx.msk [tilespmem:v21+s13+$0x0], $0xffff;
	[tilespmem:$0x1FFA0] =	vst v61  }
0x191: {  	[tilespmem:s14+$0x280] =	vst v17  }
0x192: {  	v35 =	vor.u32 $0x19, v4;
	v2 =	vld.idx.msk [tilespmem:v2+s13+$0x0], $0xffff;
	[tilespmem:s7+$0x300] =	vst v0  }
0x193: {  	v37 =	vor.u32 $0x10, v5;
	s26 =	sadd.s32 $0x3000, s12;
	[tilespmem:s8+$0x380] =	vst v18;
	v8 =	vld.idx.msk [tilespmem:v8+s13+$0x0], $0xffff  }
0x194: {  	v29 =	vor.u32 $0x1A, v10;
	v63 =	vor.u32 $0x16, v19;
	s24 =	sadd.s32 s24, s26;
	v0 =	vor.u32 $0x7, v6;
	v3 =	vld.idx.msk [tilespmem:v3+s13+$0x0], $0xffff;
	[tilespmem:s20+$0x200] =	vst v56  }
0x195: {  	v32 =	vor.u32 $0x18, v19;
	v31 =	vor.u32 $0x19, v19;
	v38 =	vor.u32 $0x7, v28;
	v7 =	vld.idx.msk [tilespmem:v7+s13+$0x0], $0xffff;
	[tilespmem:s24+$0x0] =	vst v1  }
0x196: {  	v30 =	vor.u32 $0x1A, v19;
	v36 =	vor.u32 $0x11, v19;
	v41 =	vor.u32 $0x17, v19;
	v1 =	vld.idx.msk [tilespmem:v23+s13+$0x0], $0xffff;
	[tilespmem:s9+$0x380] =	vst v33  }
0x197: {  	v42 =	vor.u32 $0x1B, v19;
	v20 =	vor.u32 $0x10, v19;
	v15 =	vor.u32 $0x1F, v19;
	v62 =	vld.idx.msk [tilespmem:v35+s13+$0x0], $0xffff;
	[tilespmem:s2+$0x300] =	vst v2  }
0x198: {  	v12 =	vor.u32 $0x1E, v19;
	v18 =	vor.u32 $0x1C, v19;
	v17 =	vor.u32 $0x1D, v19;
	v19 =	vld.idx.msk [tilespmem:v37+s13+$0x0], $0xffff;
	[tilespmem:s14+$0x300] =	vst v8  }
0x199: {  	v27 =	vor.u32 $0x1B, v10;
	v58 =	vor.u32 $0x1C, v10;
	v56 =	vld.idx.msk [tilespmem:v0+s13+$0x0], $0xffff;
	[tilespmem:s7+$0x380] =	vst v3;
	v0 =	vor.u32 $0x12, v28  }
0x19a: {  	v45 =	vor.u32 $0xE, v28;
	v44 =	vor.u32 $0xF, v28;
	v2 =	vld.idx.msk [tilespmem:v38+s13+$0x0], $0xffff;
	[tilespmem:$0x1FFB0] =	vst v0;
	v0 =	vor.u32 $0x13, v28  }
0x19b: {  	v43 =	vor.u32 $0x10, v28;
	v11 =	vor.u32 $0x19, v10;
	[tilespmem:$0x1FFC0] =	vst v0;
	v0 =	vor.u32 $0x14, v28  }
0x19c: {  	s12 =	sadd.s32 s6, s26;
	v34 =	vor.u32 $0x18, v28;
	v46 =	vor.u32 $0xD, v28;
	v47 =	vor.u32 $0xC, v28;
	[tilespmem:$0x1FFD0] =	vst v0  }
0x19d: {  	v48 =	vor.u32 $0xB, v28;
	v8 =	vor.u32 $0x1A, v4;
	v3 =	vor.u32 $0x15, v28;
	[tilespmem:s12+$0x0] =	vst v7  }
0x19e: {  	v49 =	vor.u32 $0xA, v28;
	v57 =	vor.u32 $0x11, v5;
	v0 =	vld.idx.msk [tilespmem:v20+s13+$0x0], $0xffff;
	[tilespmem:$0x1FFE0] =	vst v3;
	v3 =	vor.u32 $0x16, v28  }
0x19f: {  	v50 =	vor.u32 $0x9, v28;
	v51 =	vor.u32 $0x11, v28;
	v52 =	vor.u32 $0x8, v28;
	[tilespmem:$0x1FFF0] =	vst v3  }
0x1a0: {  	v14 =	vor.u32 $0x1E, v10;
	v16 =	vor.u32 $0x1D, v10;
	v13 =	vor.u32 $0x1F, v10;
	s10 =	sadd.s32 $0x2000, s18;
	v55 =	vld.idx.msk [tilespmem:v11+s13+$0x0], $0xffff;
	[tilespmem:s20+$0x280] =	vst v1  }
0x1a1: {  	s25 =	sadd.s32 s19, s10;
	v35 =	vor.u32 $0x17, v28;
	v33 =	vor.u32 $0x19, v28;
	v37 =	vor.u32 $0x1A, v28;
	[tilespmem:s24+$0x80] =	vst v62;
	v53 =	vld.idx.msk [tilespmem:v25+s13+$0x0], $0xffff  }
0x1a2: {  	v38 =	vor.u32 $0x1C, v28;
	v20 =	vor.u32 $0x1D, v28;
	v3 =	vor.u32 $0x8, v6;
	[tilespmem:s25+$0x0] =	vst v19;
	v54 =	vld.idx.msk [tilespmem:v8+s13+$0x0], $0xffff  }
0x1a3: {  	s28 =	simm.s32 $0x90;
	s26 =	simm.s32 $0x6;
	s6 =	sadd.s32 s17, s10;
	v19 =	vor.u32 $0x1E, v28;
	[tilespmem:s2+$0x380] =	vst v56;
	v25 =	vor.u32 $0x1B, v28;
	v28 =	vor.u32 $0x1F, v28;
	v1 =	vld.idx.msk [tilespmem:v57+s13+$0x0], $0xffff  }
.LBB2_16:
0x1a4: {  	[tilespmem:$0x1FEC0] =	vst v16  }
0x1a5: {  	[tilespmem:$0x1FF60] =	vst v19  }
0x1a6: {  	[tilespmem:$0x1FF00] =	vst v31  }
0x1a7: {  	[tilespmem:$0x1FF40] =	vst v14  }
0x1a8: {  	[tilespmem:$0x1FF20] =	vst v33  }
0x1a9: {  	[tilespmem:$0x1FF50] =	vst v12  }
0x1aa: {  	[tilespmem:s14+$0x380] =	vst v2  }
0x1ab: {  	v7 =	vmov v51;
	v9 =	vld.idx.msk [tilespmem:v52+s13+$0x0], $0xffff;
	[tilespmem:s6+$0x0] =	vst v0  }
0x1ac: {  	v14 =	vmov v37;
	[tilespmem:$0x1FEA0] =	vst v7  }
0x1ad: {  	[tilespmem:$0x1FED0] =	vst v14  }
0x1ae: {  	s9 =	sadd.s32 $0xFFFFFFF0, s28;
	v12 =	vmov s28;
	v3 =	vld.idx.msk [tilespmem:v3+s13+$0x0], $0xffff;
	[tilespmem:s24+$0x100] =	vst v54  }
0x1af: {  	v2 =	vor.u32 $0x1B, v4;
	v8 =	vmov s9;
	v11 =	vshll.u32 v12, $0x5;
	v60 =	vld.idx.msk [tilespmem:v36+s13+$0x0], $0xffff;
	[tilespmem:s12+$0x80] =	vst v55  }
0x1b0: {  	v0 =	vshll.u32 v8, $0x5;
	v10 =	vor.u32 v22, v11;
	[tilespmem:s25+$0x80] =	vst v1  }
0x1b1: {  	v56 =	vor.u32 $0x12, v5;
	v7 =	vor.u32 v22, v0;
	v33 =	vmovc v13;
	v13 =	vor.u32 $0x6, v10;
	v0 =	vld.idx.msk [tilespmem:v29+s13+$0x0], $0xffff;
	[tilespmem:s20+$0x300] =	vst v53  }
0x1b2: {  	v57 =	vor.u32 $0x9, v6;
	s7 =	sadd.s32 $0x1000, s22;
	v1 =	vmov v15;
	[tilespmem:$0x1FEB0] =	vst v13  }
0x1b3: {  	v39 =	vmov v25;
	v25 =	vld [tilespmem:$0x1FF70];
	s8 =	sadd.s32 s21, s7;
	[tilespmem:$0x1FF10] =	vst v1  }
0x1b4: {  	v13 =	vor.u32 $0x7, v10;
	v40 =	vld.idx.msk [tilespmem:v2+s13+$0x0], $0xffff;
	[tilespmem:s8+$0x0] =	vst v3  }
0x1b5: {  	s7 =	sadd.s32 s23, s7;
	v61 =	vld.idx.msk [tilespmem:v26+s13+$0x0], $0xffff;
	[tilespmem:$0x1FEE0] =	vst v13  }
0x1b6: {  	v3 =	vld.idx.msk [tilespmem:v56+s13+$0x0], $0xffff;
	[tilespmem:s7+$0x0] =	vst v9  }
0x1b7: {  	v57 =	vld.idx.msk [tilespmem:v57+s13+$0x0], $0xffff;
	[tilespmem:s6+$0x80] =	vst v60  }
0x1b8: {  	v15 =	vor.u32 $0x1C, v4;
	v36 =	vmov v18;
	v60 =	vor.u32 $0x10, v10;
	v18 =	vld.idx.msk [tilespmem:v10+s13+$0x0], $0xffff;
	[tilespmem:s12+$0x100] =	vst v0  }
0x1b9: {  	v19 =	vor.u32 $0xA, v6;
	s5 =	sadd.s32 $0x100, s5;
	v11 =	vor.u32 $0x1, v10;
	v29 =	vmov v22;
	[tilespmem:$0x1FEF0] =	vst v60;
	v22 =	vld.idx.msk [tilespmem:v50+s13+$0x0], $0xffff  }
0x1ba: {  	v31 =	vmovc v28;
	s14 =	sand.u32 $0xC00, s5;
	v12 =	vor.u32 $0x2, v10;
	v8 =	vor.u32 $0x3, v10;
	v28 =	vor.u32 $0x9, v10;
	v16 =	vld.idx.msk [tilespmem:v7+s13+$0x0], $0xffff;
	[tilespmem:s24+$0x180] =	vst v40  }
0x1bb: {  	s2 =	sand.u32 $0x70, s28;
	v59 =	vor.u32 $0x5, v10;
	v52 =	vor.u32 $0x8, v10;
	v14 =	vor.u32 $0xB, v10;
	[tilespmem:s20+$0x380] =	vst v61;
	v50 =	vmovc v28;
	s20 =	smov.u32 s12;
	v28 =	vld [tilespmem:$0x1FFB0];
	s12 =	sadd.s32 s14, s1  }
0x1bc: {  	v62 =	vor.u32 $0xE, v10;
	v51 =	vor.u32 $0x11, v10;
	v56 =	vmovc v17;
	v17 =	vor.u32 $0x13, v5;
	[tilespmem:s25+$0x100] =	vst v3;
	v25 =	vld.idx.msk [tilespmem:v25+s13+$0x0], $0xffff;
	s14 =	sadd.s32 s2, s12  }
0x1bd: {  	v54 =	vmovc v20;
	v21 =	vor.u32 $0x13, v10;
	v23 =	vor.u32 $0x14, v10;
	v0 =	vor.u32 $0x12, v10;
	v15 =	vld.idx.msk [tilespmem:v15+s13+$0x0], $0xffff;
	[tilespmem:s14+$0x0] =	vst v18  }
0x1be: {  	v24 =	vor.u32 $0x15, v10;
	v37 =	vor.u32 $0x1A, v10;
	v55 =	vmovc v35;
	v35 =	vmovc v30;
	v26 =	vmov v0;
	v11 =	vld.idx.msk [tilespmem:v11+s13+$0x0], $0xffff;
	[tilespmem:s7+$0x80] =	vst v22  }
0x1bf: {  	s10 =	sand.u32 $0x60, s9;
	v20 =	vor.u32 $0x1, v7;
	v13 =	vor.u32 $0xA, v10;
	v40 =	vmovc v34;
	v34 =	vmovc v32;
	v32 =	vmov v27;
	[tilespmem:$0x1FFB0] =	vst v26;
	v27 =	vld.idx.msk [tilespmem:v49+s13+$0x0], $0xffff  }
0x1c0: {  	v30 =	vmovc v63;
	v63 =	vor.u32 $0x4, v10;
	v2 =	vor.u32 $0xC, v10;
	v1 =	vor.u32 $0xD, v10;
	s9 =	sadd.s32 s10, s12;
	[tilespmem:s8+$0x80] =	vst v57;
	v49 =	vmovc v13;
	v13 =	vld [tilespmem:$0x1FF80]  }
0x1c1: {  	v53 =	vor.u32 $0xF, v10;
	v9 =	vor.u32 $0x16, v10;
	v26 =	vor.u32 $0x19, v10;
	v17 =	vld.idx.msk [tilespmem:v17+s13+$0x0], $0xffff;
	[tilespmem:s9+$0x0] =	vst v16  }
0x1c2: {  	v60 =	vor.u32 $0x18, v10;
	v0 =	vor.u32 $0x17, v10;
	[tilespmem:$0x1FF30] =	vst v26;
	v16 =	vld.idx.msk [tilespmem:v19+s13+$0x0], $0xffff;
	v19 =	vor.u32 $0x1D, v4;
	v28 =	vmovc v28  }
0x1c3: {  	v3 =	vor.u32 $0x1C, v10;
	v61 =	vor.u32 $0x1D, v10;
	v57 =	vor.u32 $0x1E, v10;
	[tilespmem:$0x1FF70] =	vst v28  }
0x1c4: {  	v26 =	vor.u32 $0x1B, v10;
	v20 =	vld.idx.msk [tilespmem:v20+s13+$0x0], $0xffff;
	v28 =	vor.u32 $0x1F, v10;
	v10 =	vor.u32 $0x14, v5;
	[tilespmem:s6+$0x100] =	vst v25  }
0x1c5: {  	v18 =	vor.u32 $0xB, v6;
	[tilespmem:s24+$0x200] =	vst v15  }
0x1c6: {  	v25 =	vld [tilespmem:$0x1FFC0];
	v15 =	vmov v21;
	[tilespmem:s25+$0x180] =	vst v17  }
0x1c7: {  	[tilespmem:$0x1FFC0] =	vst v15;
	v15 =	vld.idx.msk [tilespmem:v19+s13+$0x0], $0xffff  }
0x1c8: {  	[tilespmem:s8+$0x100] =	vst v16;
	v13 =	vld.idx.msk [tilespmem:v13+s13+$0x0], $0xffff  }
0x1c9: {  	v22 =	vor.u32 $0x2, v7;
	v10 =	vld.idx.msk [tilespmem:v10+s13+$0x0], $0xffff;
	[tilespmem:s9+$0x80] =	vst v20  }
0x1ca: {  	v16 =	vld.idx.msk [tilespmem:v18+s13+$0x0], $0xffff;
	[tilespmem:s14+$0x80] =	vst v11  }
0x1cb: {  	v12 =	vld.idx.msk [tilespmem:v12+s13+$0x0], $0xffff;
	[tilespmem:s7+$0x100] =	vst v27  }
0x1cc: {  	v21 =	vld.idx.msk [tilespmem:v48+s13+$0x0], $0xffff  }
0x1cd: {  	v17 =	vor.u32 $0x1E, v4;
	[tilespmem:s6+$0x180] =	vst v13;
	v13 =	vld [tilespmem:$0x1FF90]  }
0x1ce: {  	v18 =	vld.idx.msk [tilespmem:v22+s13+$0x0], $0xffff;
	v22 =	vmov v29;
	v29 =	vmov v35;
	v35 =	vor.u32 $0x15, v5  }
0x1cf: {  	v19 =	vor.u32 $0xC, v6  }
0x1d0: {  	[tilespmem:s24+$0x280] =	vst v15  }
0x1d1: {  	v15 =	vld [tilespmem:$0x1FFD0];
	[tilespmem:s25+$0x200] =	vst v10  }
0x1d2: {  	v10 =	vld.idx.msk [tilespmem:v17+s13+$0x0], $0xffff;
	[tilespmem:s8+$0x180] =	vst v16  }
0x1d3: {  	v48 =	vmov v14;
	v14 =	vmov v23;
	v11 =	vld.idx.msk [tilespmem:v35+s13+$0x0], $0xffff;
	[tilespmem:s9+$0x100] =	vst v18  }
0x1d4: {  	v20 =	vor.u32 $0x3, v7;
	[tilespmem:$0x1FFD0] =	vst v14;
	v14 =	vld.idx.msk [tilespmem:v19+s13+$0x0], $0xffff  }
0x1d5: {  	v13 =	vld.idx.msk [tilespmem:v13+s13+$0x0], $0xffff;
	[tilespmem:s14+$0x100] =	vst v12  }
0x1d6: {  	v15 =	vmov v15;
	v8 =	vld.idx.msk [tilespmem:v8+s13+$0x0], $0xffff;
	[tilespmem:s7+$0x180] =	vst v21  }
0x1d7: {  	[tilespmem:$0x1FF90] =	vst v15;
	v15 =	vor.u32 $0x1F, v4;
	v18 =	vld.idx.msk [tilespmem:v47+s13+$0x0], $0xffff  }
0x1d8: {  	v4 =	vmov v5;
	v47 =	vmov v2;
	v2 =	vld [tilespmem:$0x1FFA0]  }
0x1d9: {  	v5 =	vmov v6;
	v6 =	vmov v7;
	v7 =	vld.idx.msk [tilespmem:v20+s13+$0x0], $0xffff;
	[tilespmem:s24+$0x300] =	vst v10;
	v12 =	vor.u32 $0x16, v4  }
0x1da: {  	v16 =	vor.u32 $0xD, v5;
	[tilespmem:s25+$0x280] =	vst v11  }
0x1db: {  	v35 =	vmov v24;
	[tilespmem:s6+$0x200] =	vst v13;
	v13 =	vld [tilespmem:$0x1FFE0]  }
0x1dc: {  	v17 =	vor.u32 $0x4, v6;
	[tilespmem:$0x1FFE0] =	vst v35;
	v35 =	vld.idx.msk [tilespmem:v15+s13+$0x0], $0xffff  }
0x1dd: {  	[tilespmem:s8+$0x200] =	vst v14  }
0x1de: {  	v11 =	vld.idx.msk [tilespmem:v12+s13+$0x0], $0xffff;
	[tilespmem:s9+$0x180] =	vst v7  }
0x1df: {  	v7 =	vld.idx.msk [tilespmem:v16+s13+$0x0], $0xffff  }
0x1e0: {  	v2 =	vld.idx.msk [tilespmem:v2+s13+$0x0], $0xffff;
	[tilespmem:s14+$0x180] =	vst v8  }
0x1e1: {  	v12 =	vld.idx.msk [tilespmem:v17+s13+$0x0], $0xffff;
	v13 =	vmov v13;
	[tilespmem:s24+$0x380] =	vst v35  }
0x1e2: {  	v8 =	vor.u32 $0x17, v4;
	[tilespmem:$0x1FFA0] =	vst v13  }
0x1e3: {  	v13 =	vld.idx.msk [tilespmem:v63+s13+$0x0], $0xffff;
	[tilespmem:s7+$0x200] =	vst v18  }
0x1e4: {  	[tilespmem:s25+$0x300] =	vst v11  }
0x1e5: {  	v16 =	vld.idx.msk [tilespmem:v46+s13+$0x0], $0xffff;
	[tilespmem:s8+$0x280] =	vst v7  }
0x1e6: {  	v14 =	vor.u32 $0xE, v5;
	[tilespmem:s6+$0x280] =	vst v2;
	v2 =	vld [tilespmem:$0x1FFF0]  }
0x1e7: {  	v15 =	vor.u32 $0x5, v6;
	v7 =	vld.idx.msk [tilespmem:v8+s13+$0x0], $0xffff;
	_ =	sdelay $0x1  }
0x1e8: {  	v27 =	vmov v42;
	v42 =	vmov v39;
	v39 =	vld [tilespmem:$0x1FEB0]  }
0x1e9: {  	v46 =	vmov v1;
	[tilespmem:s9+$0x200] =	vst v12;
	v1 =	vld.idx.msk [tilespmem:v30+s13+$0x0], $0xffff  }
0x1ea: {  	v8 =	vld.idx.msk [tilespmem:v14+s13+$0x0], $0xffff  }
0x1eb: {  	v63 =	vmov v2;
	v2 =	vmov v9;
	v9 =	vld.idx.msk [tilespmem:v15+s13+$0x0], $0xffff;
	[tilespmem:s25+$0x380] =	vst v7  }
0x1ec: {  	v10 =	vor.u32 $0x18, v4;
	[tilespmem:$0x1FFF0] =	vst v2;
	v2 =	vld.idx.msk [tilespmem:v32+s13+$0x0], $0xffff  }
0x1ed: {  	[tilespmem:s14+$0x200] =	vst v13  }
0x1ee: {  	v12 =	vor.u32 $0xF, v5;
	v11 =	vld.idx.msk [tilespmem:v59+s13+$0x0], $0xffff;
	[tilespmem:s7+$0x280] =	vst v16  }
0x1ef: {  	v14 =	vld.idx.msk [tilespmem:v45+s13+$0x0], $0xffff;
	[tilespmem:s6+$0x300] =	vst v1  }
0x1f0: {  	[tilespmem:s8+$0x300] =	vst v8;
	v1 =	vld.idx.msk [tilespmem:v41+s13+$0x0], $0xffff  }
0x1f1: {  	[tilespmem:s20+$0x180] =	vst v2;
	v2 =	vld.idx.msk [tilespmem:v10+s13+$0x0], $0xffff  }
0x1f2: {  	v35 =	vmov v0;
	[tilespmem:s9+$0x280] =	vst v9;
	v0 =	vld.idx.msk [tilespmem:v58+s13+$0x0], $0xffff  }
0x1f3: {  	v18 =	vmov v38;
	v38 =	vmov v3;
	v3 =	vld.idx.msk [tilespmem:v12+s13+$0x0], $0xffff;
	[tilespmem:s14+$0x280] =	vst v11  }
0x1f4: {  	v9 =	vld.idx.msk [tilespmem:v39+s13+$0x0], $0xffff;
	[tilespmem:s7+$0x300] =	vst v14  }
0x1f5: {  	v12 =	vld.idx.msk [tilespmem:v44+s13+$0x0], $0xffff;
	[tilespmem:s6+$0x380] =	vst v1  }
0x1f6: {  	v1 =	vld.idx.msk [tilespmem:v34+s13+$0x0], $0xffff  }
0x1f7: {  	[tilespmem:s20+$0x200] =	vst v0;
	v0 =	vld [tilespmem:$0x1FEC0];
	_ =	sdelay $0x1  }
0x1f8: {  	v13 =	vor.u32 $0x6, v6;
	_ =	sdelay $0x4  }
0x1f9: {  	v7 =	vld.idx.msk [tilespmem:v13+s13+$0x0], $0xffff  }
0x1fa: {  	v13 =	vld.idx.msk [tilespmem:v0+s13+$0x0], $0xffff  }
0x1fb: {  	v0 =	vld [tilespmem:$0x1FEE0];
	_ =	sdelay $0x3  }
0x1fc: {  	s25 =	sadd.s32 $0x3000, s18  }
0x1fd: {  	s24 =	sadd.s32 s19, s25  }
0x1fe: {  	[tilespmem:s24+$0x0] =	vst v2  }
0x1ff: {  	[tilespmem:s14+$0x300] =	vst v9  }
0x200: {  	v2 =	vld.idx.msk [tilespmem:v0+s13+$0x0], $0xffff;
	[tilespmem:s7+$0x380] =	vst v12  }
0x201: {  	s18 =	smov.u32 s22;
	s22 =	smov.u32 s12;
	s12 =	sadd.s32 s17, s25;
	v0 =	vld.idx.msk [tilespmem:v43+s13+$0x0], $0xffff  }
0x202: {  	[tilespmem:s12+$0x0] =	vst v1;
	v1 =	vld [tilespmem:$0x1FEF0];
	_ =	sdelay $0x4  }
0x203: {  	v43 =	vmov v1;
	v1 =	vld [tilespmem:$0x1FF00]  }
0x204: {  	v8 =	vor.u32 $0x19, v4  }
0x205: {  	v41 =	vmov v55;
	v55 =	vor.u32 $0x10, v5;
	_ =	sdelay $0x2  }
0x206: {  	[tilespmem:s8+$0x380] =	vst v3  }
0x207: {  	v8 =	vld.idx.msk [tilespmem:v8+s13+$0x0], $0xffff;
	[tilespmem:s9+$0x300] =	vst v7  }
0x208: {  	v7 =	vld.idx.msk [tilespmem:v55+s13+$0x0], $0xffff  }
0x209: {  	v55 =	vld.idx.msk [tilespmem:v1+s13+$0x0], $0xffff  }
0x20a: {  	v1 =	vld [tilespmem:$0x1FF20];
	_ =	sdelay $0x4  }
0x20b: {  	v15 =	vmov v31;
	v31 =	vmov v1;
	v1 =	vld [tilespmem:$0x1FF30];
	_ =	sdelay $0x1  }
0x20c: {  	v25 =	vmov v25;
	_ =	sdelay $0x2  }
0x20d: {  	[tilespmem:$0x1FF80] =	vst v25;
	v25 =	vmov v26;
	v26 =	vmov v33;
	v33 =	vmov v1;
	v1 =	vld [tilespmem:$0x1FF40];
	_ =	sdelay $0x6  }
0x20e: {  	[tilespmem:s20+$0x280] =	vst v13  }
0x20f: {  	v59 =	vor.u32 $0x7, v6;
	v44 =	vmov v53;
	v53 =	vld.idx.msk [tilespmem:v1+s13+$0x0], $0xffff  }
0x210: {  	v1 =	vld [tilespmem:$0x1FF50];
	_ =	sdelay $0x2  }
0x211: {  	s26 =	sadd.s32 $0x2, s26;
	v20 =	vmov v61;
	v61 =	vor.u32 $0x1A, v4  }
0x212: {  	p0 =	slt.u32 s26, $0x1E;
	v34 =	vmov v60;
	v60 =	vld.idx.msk [tilespmem:v59+s13+$0x0], $0xffff  }
0x213: {  	s19 =	smov.u32 s21;
	s21 =	smov.u32 s10;
	s10 =	sadd.s32 $0x2000, s18;
	v45 =	vmov v62;
	v62 =	vor.u32 $0x11, v5;
	v14 =	vmov v1;
	v1 =	vld [tilespmem:$0x1FF60]  }
.Ltmp8:
0x214: {  	v30 =	vld [tilespmem:$0x1FED0];
	s25 =	sadd.s32 s19, s10;
	[tilespmem:s24+$0x80] =	vst v8;
	(pc) =	sbr.rel @p0 .LBB2_16-.Ltmp8, $4  }
0x215: {  	v58 =	vmov v36;
	v36 =	vld [tilespmem:$0x1FEA0];
	[tilespmem:s25+$0x0] =	vst v7  }
0x216: {  	v17 =	vmov v54;
	v54 =	vld.idx.msk [tilespmem:v61+s13+$0x0], $0xffff  }
0x217: {  	s17 =	smov.u32 s23;
	[tilespmem:s9+$0x380] =	vst v60;
	v13 =	vld [tilespmem:$0x1FF10]  }
0x218: {  	s28 =	sadd.s32 $0x20, s28;
	v19 =	vmovc v57;
	v32 =	vmovc v40;
	s23 =	smov.u32 s2;
	v16 =	vmov v56;
	s6 =	sadd.s32 s17, s10;
	v3 =	vor.u32 $0x8, v6;
	v12 =	vmov v1;
	v1 =	vld.idx.msk [tilespmem:v62+s13+$0x0], $0xffff  }
0x219: {  	_ =	sdelay $0x3  }
0x21a: {  	v3 =	vld.idx.msk [tilespmem:v3+s13+$0x0], $0xffff;
	[tilespmem:s14+$0x380] =	vst v2  }
0x21b: {  	v7 =	vor.u32 $0x9, v6;
	v2 =	vld.idx.msk [tilespmem:v52+s13+$0x0], $0xffff;
	_ =	sdelay $0x1  }
0x21c: {  	s2 =	sadd.s32 $0x1000, s22  }
0x21d: {  	s5 =	sadd.s32 s21, s2  }
0x21e: {  	s2 =	sadd.s32 s23, s2;
	[tilespmem:s5+$0x0] =	vst v3  }
0x21f: {  	v3 =	vld.idx.msk [tilespmem:v7+s13+$0x0], $0xffff;
	[tilespmem:s2+$0x0] =	vst v2  }
0x220: {  	v40 =	vor.u32 $0xA, v6;
	v7 =	vld.idx.msk [tilespmem:v50+s13+$0x0], $0xffff;
	_ =	sdelay $0x3  }
0x221: {  	[tilespmem:s5+$0x80] =	vst v3  }
0x222: {  	v2 =	vld.idx.msk [tilespmem:v40+s13+$0x0], $0xffff;
	[tilespmem:s2+$0x80] =	vst v7  }
0x223: {  	v3 =	vor.u32 $0xB, v6;
	v7 =	vld.idx.msk [tilespmem:v49+s13+$0x0], $0xffff;
	_ =	sdelay $0x3  }
0x224: {  	[tilespmem:s5+$0x100] =	vst v2  }
0x225: {  	v2 =	vld.idx.msk [tilespmem:v3+s13+$0x0], $0xffff;
	[tilespmem:s2+$0x100] =	vst v7  }
0x226: {  	v3 =	vor.u32 $0xC, v6;
	v7 =	vld.idx.msk [tilespmem:v48+s13+$0x0], $0xffff;
	_ =	sdelay $0x3  }
0x227: {  	[tilespmem:s5+$0x180] =	vst v2  }
0x228: {  	v2 =	vld.idx.msk [tilespmem:v3+s13+$0x0], $0xffff;
	[tilespmem:s2+$0x180] =	vst v7  }
0x229: {  	v3 =	vor.u32 $0xD, v6;
	v7 =	vld.idx.msk [tilespmem:v47+s13+$0x0], $0xffff;
	_ =	sdelay $0x3  }
0x22a: {  	[tilespmem:s5+$0x200] =	vst v2  }
0x22b: {  	v2 =	vld.idx.msk [tilespmem:v3+s13+$0x0], $0xffff;
	[tilespmem:s2+$0x200] =	vst v7  }
0x22c: {  	v3 =	vor.u32 $0xE, v6;
	v7 =	vld.idx.msk [tilespmem:v46+s13+$0x0], $0xffff;
	_ =	sdelay $0x3  }
0x22d: {  	[tilespmem:s5+$0x280] =	vst v2  }
0x22e: {  	v2 =	vld.idx.msk [tilespmem:v3+s13+$0x0], $0xffff;
	[tilespmem:s2+$0x280] =	vst v7  }
0x22f: {  	v3 =	vor.u32 $0xF, v6;
	v7 =	vld.idx.msk [tilespmem:v45+s13+$0x0], $0xffff;
	_ =	sdelay $0x3  }
0x230: {  	[tilespmem:s5+$0x300] =	vst v2  }
0x231: {  	v2 =	vld.idx.msk [tilespmem:v3+s13+$0x0], $0xffff;
	[tilespmem:s2+$0x300] =	vst v7  }
0x232: {  	v3 =	vor.u32 $0x10, v6;
	v7 =	vld.idx.msk [tilespmem:v44+s13+$0x0], $0xffff;
	_ =	sdelay $0x3  }
0x233: {  	[tilespmem:s5+$0x380] =	vst v2  }
0x234: {  	v2 =	vld.idx.msk [tilespmem:v3+s13+$0x0], $0xffff;
	[tilespmem:s2+$0x380] =	vst v7  }
0x235: {  	v3 =	vor.u32 $0x11, v6;
	v7 =	vld.idx.msk [tilespmem:v43+s13+$0x0], $0xffff;
	_ =	sdelay $0x1  }
0x236: {  	s9 =	sadd.s32 $0x2000, s22  }
0x237: {  	[tilespmem:s6+$0x0] =	vst v0;
	s10 =	sadd.s32 s21, s9  }
0x238: {  	v8 =	vld.idx.msk [tilespmem:v36+s13+$0x0], $0xffff;
	s5 =	sadd.s32 s23, s9;
	[tilespmem:s10+$0x0] =	vst v2  }
0x239: {  	v2 =	vld.idx.msk [tilespmem:v3+s13+$0x0], $0xffff;
	[tilespmem:s5+$0x0] =	vst v7  }
0x23a: {  	v7 =	vld.idx.msk [tilespmem:v51+s13+$0x0], $0xffff;
	_ =	sdelay $0x1  }
0x23b: {  	[tilespmem:s25+$0x80] =	vst v1  }
0x23c: {  	[tilespmem:s6+$0x80] =	vst v8  }
0x23d: {  	v8 =	vld [tilespmem:$0x1FF70];
	[tilespmem:s10+$0x80] =	vst v2  }
0x23e: {  	[tilespmem:s5+$0x80] =	vst v7  }
0x23f: {  	v43 =	vor.u32 $0x12, v5;
	v7 =	vld [tilespmem:$0x1FFB0];
	_ =	sdelay $0x1  }
0x240: {  	v3 =	vor.u32 $0x12, v6;
	_ =	sdelay $0x2  }
0x241: {  	v0 =	vld.idx.msk [tilespmem:v43+s13+$0x0], $0xffff  }
0x242: {  	v8 =	vld.idx.msk [tilespmem:v8+s13+$0x0], $0xffff  }
0x243: {  	v2 =	vld.idx.msk [tilespmem:v3+s13+$0x0], $0xffff  }
0x244: {  	v7 =	vld.idx.msk [tilespmem:v7+s13+$0x0], $0xffff;
	_ =	sdelay $0x1  }
0x245: {  	[tilespmem:s25+$0x100] =	vst v0  }
0x246: {  	[tilespmem:s6+$0x100] =	vst v8  }
0x247: {  	v8 =	vld [tilespmem:$0x1FF80];
	[tilespmem:s10+$0x100] =	vst v2  }
0x248: {  	[tilespmem:s5+$0x100] =	vst v7  }
0x249: {  	v44 =	vor.u32 $0x13, v5;
	v7 =	vld [tilespmem:$0x1FFC0];
	_ =	sdelay $0x1  }
0x24a: {  	v3 =	vor.u32 $0x13, v6;
	_ =	sdelay $0x2  }
0x24b: {  	v0 =	vld.idx.msk [tilespmem:v44+s13+$0x0], $0xffff  }
0x24c: {  	v8 =	vld.idx.msk [tilespmem:v8+s13+$0x0], $0xffff  }
0x24d: {  	v2 =	vld.idx.msk [tilespmem:v3+s13+$0x0], $0xffff  }
0x24e: {  	v7 =	vld.idx.msk [tilespmem:v7+s13+$0x0], $0xffff;
	_ =	sdelay $0x1  }
0x24f: {  	[tilespmem:s25+$0x180] =	vst v0  }
0x250: {  	[tilespmem:s6+$0x180] =	vst v8  }
0x251: {  	v8 =	vld [tilespmem:$0x1FF90];
	[tilespmem:s10+$0x180] =	vst v2  }
0x252: {  	[tilespmem:s5+$0x180] =	vst v7  }
0x253: {  	v45 =	vor.u32 $0x14, v5;
	v7 =	vld [tilespmem:$0x1FFD0];
	_ =	sdelay $0x1  }
0x254: {  	v3 =	vor.u32 $0x14, v6;
	_ =	sdelay $0x2  }
0x255: {  	v0 =	vld.idx.msk [tilespmem:v45+s13+$0x0], $0xffff  }
0x256: {  	v8 =	vld.idx.msk [tilespmem:v8+s13+$0x0], $0xffff  }
0x257: {  	v2 =	vld.idx.msk [tilespmem:v3+s13+$0x0], $0xffff  }
0x258: {  	v7 =	vld.idx.msk [tilespmem:v7+s13+$0x0], $0xffff;
	_ =	sdelay $0x1  }
0x259: {  	[tilespmem:s25+$0x200] =	vst v0  }
0x25a: {  	[tilespmem:s6+$0x200] =	vst v8  }
0x25b: {  	v8 =	vld [tilespmem:$0x1FFA0];
	[tilespmem:s10+$0x200] =	vst v2  }
0x25c: {  	[tilespmem:s5+$0x200] =	vst v7  }
0x25d: {  	v46 =	vor.u32 $0x15, v5;
	v7 =	vld [tilespmem:$0x1FFE0]  }
0x25e: {  	v3 =	vor.u32 $0x15, v6;
	_ =	sdelay $0x3  }
0x25f: {  	v0 =	vld.idx.msk [tilespmem:v46+s13+$0x0], $0xffff  }
0x260: {  	v2 =	vld.idx.msk [tilespmem:v3+s13+$0x0], $0xffff  }
0x261: {  	v8 =	vld.idx.msk [tilespmem:v8+s13+$0x0], $0xffff  }
0x262: {  	v7 =	vld.idx.msk [tilespmem:v7+s13+$0x0], $0xffff;
	_ =	sdelay $0x1  }
0x263: {  	v47 =	vor.u32 $0x16, v5;
	[tilespmem:s25+$0x280] =	vst v0  }
0x264: {  	[tilespmem:s10+$0x280] =	vst v2  }
0x265: {  	v3 =	vor.u32 $0x16, v6;
	[tilespmem:s6+$0x280] =	vst v8  }
0x266: {  	[tilespmem:s5+$0x280] =	vst v7  }
0x267: {  	v7 =	vld [tilespmem:$0x1FFF0]  }
0x268: {  	v0 =	vld.idx.msk [tilespmem:v47+s13+$0x0], $0xffff  }
0x269: {  	v48 =	vor.u32 $0x17, v5  }
0x26a: {  	v2 =	vld.idx.msk [tilespmem:v3+s13+$0x0], $0xffff  }
0x26b: {  	v3 =	vor.u32 $0x17, v6  }
0x26c: {  	v8 =	vld.idx.msk [tilespmem:v63+s13+$0x0], $0xffff  }
0x26d: {  	[tilespmem:s25+$0x300] =	vst v0  }
0x26e: {  	v0 =	vld.idx.msk [tilespmem:v48+s13+$0x0], $0xffff  }
0x26f: {  	v49 =	vor.u32 $0x18, v5;
	[tilespmem:s10+$0x300] =	vst v2;
	v7 =	vld.idx.msk [tilespmem:v7+s13+$0x0], $0xffff  }
0x270: {  	v2 =	vld.idx.msk [tilespmem:v3+s13+$0x0], $0xffff  }
0x271: {  	[tilespmem:s6+$0x300] =	vst v8;
	v3 =	vor.u32 $0x18, v6  }
0x272: {  	v8 =	vld.idx.msk [tilespmem:v41+s13+$0x0], $0xffff  }
0x273: {  	[tilespmem:s25+$0x380] =	vst v0  }
0x274: {  	v0 =	vld.idx.msk [tilespmem:v49+s13+$0x0], $0xffff;
	[tilespmem:s5+$0x300] =	vst v7  }
0x275: {  	v50 =	vor.u32 $0x19, v5;
	[tilespmem:s10+$0x380] =	vst v2;
	v7 =	vld.idx.msk [tilespmem:v35+s13+$0x0], $0xffff  }
0x276: {  	v2 =	vld.idx.msk [tilespmem:v3+s13+$0x0], $0xffff  }
0x277: {  	s14 =	sadd.s32 $0x3000, s18;
	[tilespmem:s6+$0x380] =	vst v8;
	v3 =	vor.u32 $0x19, v6  }
0x278: {  	s18 =	sadd.s32 s19, s14;
	[tilespmem:s12+$0x80] =	vst v55;
	v8 =	vld.idx.msk [tilespmem:v32+s13+$0x0], $0xffff  }
0x279: {  	s7 =	sadd.s32 $0x3000, s22;
	[tilespmem:s18+$0x0] =	vst v0  }
0x27a: {  	s19 =	sadd.s32 s21, s7;
	v0 =	vld.idx.msk [tilespmem:v50+s13+$0x0], $0xffff;
	[tilespmem:s5+$0x380] =	vst v7  }
0x27b: {  	v51 =	vor.u32 $0x1A, v5;
	[tilespmem:s19+$0x0] =	vst v2;
	v7 =	vld.idx.msk [tilespmem:v34+s13+$0x0], $0xffff  }
0x27c: {  	[tilespmem:s20+$0x300] =	vst v53;
	v2 =	vld.idx.msk [tilespmem:v3+s13+$0x0], $0xffff;
	s5 =	sadd.s32 s17, s14  }
0x27d: {  	v9 =	vld.idx.msk [tilespmem:v29+s13+$0x0], $0xffff;
	v3 =	vor.u32 $0x1A, v6;
	[tilespmem:s5+$0x0] =	vst v8  }
0x27e: {  	v10 =	vor.u32 $0x1B, v4;
	[tilespmem:s24+$0x100] =	vst v54;
	v8 =	vld.idx.msk [tilespmem:v31+s13+$0x0], $0xffff  }
0x27f: {  	s7 =	sadd.s32 s23, s7;
	v11 =	vld.idx.msk [tilespmem:v26+s13+$0x0], $0xffff;
	[tilespmem:s18+$0x80] =	vst v0  }
0x280: {  	v0 =	vld.idx.msk [tilespmem:v51+s13+$0x0], $0xffff;
	[tilespmem:s7+$0x0] =	vst v7  }
0x281: {  	v52 =	vor.u32 $0x1B, v5;
	[tilespmem:s19+$0x80] =	vst v2;
	v7 =	vld.idx.msk [tilespmem:v33+s13+$0x0], $0xffff  }
0x282: {  	[tilespmem:s12+$0x100] =	vst v9;
	v2 =	vld.idx.msk [tilespmem:v3+s13+$0x0], $0xffff  }
0x283: {  	v53 =	vld.idx.msk [tilespmem:v10+s13+$0x0], $0xffff;
	v3 =	vor.u32 $0x1B, v6;
	[tilespmem:s5+$0x80] =	vst v8  }
0x284: {  	v54 =	vor.u32 $0x1C, v4;
	[tilespmem:s20+$0x380] =	vst v11;
	v8 =	vld.idx.msk [tilespmem:v30+s13+$0x0], $0xffff  }
0x285: {  	v55 =	vld.idx.msk [tilespmem:v27+s13+$0x0], $0xffff;
	[tilespmem:s18+$0x100] =	vst v0  }
0x286: {  	v0 =	vld.idx.msk [tilespmem:v52+s13+$0x0], $0xffff;
	[tilespmem:s7+$0x80] =	vst v7  }
0x287: {  	v56 =	vor.u32 $0x1C, v5;
	[tilespmem:s19+$0x100] =	vst v2;
	v7 =	vld.idx.msk [tilespmem:v37+s13+$0x0], $0xffff  }
0x288: {  	[tilespmem:s24+$0x180] =	vst v53;
	v2 =	vld.idx.msk [tilespmem:v3+s13+$0x0], $0xffff  }
0x289: {  	v9 =	vld.idx.msk [tilespmem:v54+s13+$0x0], $0xffff;
	v3 =	vor.u32 $0x1C, v6;
	[tilespmem:s5+$0x100] =	vst v8  }
0x28a: {  	[tilespmem:s12+$0x180] =	vst v55;
	v8 =	vld.idx.msk [tilespmem:v42+s13+$0x0], $0xffff  }
0x28b: {  	v11 =	vld.idx.msk [tilespmem:v58+s13+$0x0], $0xffff;
	[tilespmem:s18+$0x180] =	vst v0  }
0x28c: {  	v57 =	vor.u32 $0x1D, v4;
	v0 =	vld.idx.msk [tilespmem:v56+s13+$0x0], $0xffff;
	[tilespmem:s7+$0x100] =	vst v7  }
0x28d: {  	v58 =	vor.u32 $0x1D, v5;
	[tilespmem:s19+$0x180] =	vst v2;
	v7 =	vld.idx.msk [tilespmem:v25+s13+$0x0], $0xffff  }
0x28e: {  	v2 =	vld.idx.msk [tilespmem:v3+s13+$0x0], $0xffff  }
0x28f: {  	v3 =	vor.u32 $0x1D, v6;
	[tilespmem:s5+$0x180] =	vst v8  }
0x290: {  	[tilespmem:s24+$0x200] =	vst v9;
	v8 =	vld.idx.msk [tilespmem:v18+s13+$0x0], $0xffff  }
0x291: {  	v9 =	vld.idx.msk [tilespmem:v57+s13+$0x0], $0xffff;
	[tilespmem:s18+$0x200] =	vst v0  }
0x292: {  	v59 =	vor.u32 $0x1E, v4;
	v0 =	vld.idx.msk [tilespmem:v58+s13+$0x0], $0xffff;
	[tilespmem:s7+$0x180] =	vst v7  }
0x293: {  	v60 =	vor.u32 $0x1E, v5;
	[tilespmem:s19+$0x200] =	vst v2;
	v7 =	vld.idx.msk [tilespmem:v38+s13+$0x0], $0xffff  }
0x294: {  	[tilespmem:s12+$0x200] =	vst v11;
	v2 =	vld.idx.msk [tilespmem:v3+s13+$0x0], $0xffff  }
0x295: {  	v11 =	vld.idx.msk [tilespmem:v16+s13+$0x0], $0xffff;
	v3 =	vor.u32 $0x1E, v6;
	[tilespmem:s5+$0x200] =	vst v8  }
0x296: {  	[tilespmem:s24+$0x280] =	vst v9;
	v8 =	vld.idx.msk [tilespmem:v17+s13+$0x0], $0xffff  }
0x297: {  	v9 =	vld.idx.msk [tilespmem:v59+s13+$0x0], $0xffff;
	[tilespmem:s18+$0x280] =	vst v0  }
0x298: {  	v4 =	vor.u32 $0x1F, v4;
	v0 =	vld.idx.msk [tilespmem:v60+s13+$0x0], $0xffff;
	[tilespmem:s7+$0x200] =	vst v7  }
0x299: {  	v62 =	vor.u32 $0x1F, v5;
	[tilespmem:s19+$0x280] =	vst v2;
	v7 =	vld.idx.msk [tilespmem:v20+s13+$0x0], $0xffff  }
0x29a: {  	[tilespmem:s12+$0x280] =	vst v11;
	v2 =	vld.idx.msk [tilespmem:v3+s13+$0x0], $0xffff  }
0x29b: {  	v61 =	vld.idx.msk [tilespmem:v14+s13+$0x0], $0xffff;
	v3 =	vor.u32 $0x1F, v6;
	[tilespmem:s5+$0x280] =	vst v8  }
0x29c: {  	[tilespmem:s24+$0x300] =	vst v9;
	v5 =	vld.idx.msk [tilespmem:v12+s13+$0x0], $0xffff  }
0x29d: {  	v4 =	vld.idx.msk [tilespmem:v4+s13+$0x0], $0xffff;
	[tilespmem:s18+$0x300] =	vst v0  }
0x29e: {  	v0 =	vld.idx.msk [tilespmem:v62+s13+$0x0], $0xffff;
	[tilespmem:s7+$0x280] =	vst v7  }
0x29f: {  	[tilespmem:s19+$0x300] =	vst v2;
	v6 =	vld.idx.msk [tilespmem:v19+s13+$0x0], $0xffff  }
0x2a0: {  	[tilespmem:s12+$0x300] =	vst v61;
	v2 =	vld.idx.msk [tilespmem:v3+s13+$0x0], $0xffff  }
0x2a1: {  	v7 =	vld.idx.msk [tilespmem:v13+s13+$0x0], $0xffff;
	[tilespmem:s5+$0x300] =	vst v5  }
0x2a2: {  	[tilespmem:s24+$0x380] =	vst v4;
	v63 =	vld.idx.msk [tilespmem:v15+s13+$0x0], $0xffff  }
0x2a3: {  	[tilespmem:s18+$0x380] =	vst v0  }
0x2a4: {  	[tilespmem:s7+$0x300] =	vst v6  }
0x2a5: {  	[tilespmem:s19+$0x380] =	vst v2;
	v3 =	vld.idx.msk [tilespmem:v28+s13+$0x0], $0xffff  }
0x2a6: {  	[tilespmem:s12+$0x380] =	vst v7  }
0x2a7: {  	[tilespmem:s5+$0x380] =	vst v63  }
0x2a8: {  	s20 =	sshll.u32 s29, $0x10;
	s5 =	rddreg [dreg:$0x6]  }
0x2a9: {  	s22 =	rddreg [dreg:$0x1];
	s2 =	sor.u32 s5, s20  }
0x2aa: {  	s21 =	sadd.s32 $0x5, s30;
	s6 =	sadd.s32 s22, s2;
	[tilespmem:s7+$0x380] =	vst v3  }
0x2ab: {  	[hbm4b:s6+s3] =	stream.linear.scatter [tilespmem:s1], [sflag:s21], $0x1000, $0x38;
	[tilespmem:$0x10C20] =	vst v63  }
0x2ac: {  	s23 =	rddreg [dreg:$0x7]  }
0x2ad: {  	p0 =	slt.u32 s31, $0x32;
	s24 =	sor.u32 $0x9C20, s0;
	s1 =	sadd.s32 s2, s23  }
0x2ae: {  	[hbm4b:s1+s3] =	stream.linear.scatter [tilespmem:s24], [sflag:s21], $0x1000, $0x38;
	[tilespmem:$0x10C20] =	vst v63  }
.Ltmp9:
0x2af: {  	s25 =	rddreg [dreg:$0x8];
	(pc) =	sbr.rel @p0 .LBB2_4-.Ltmp9, $4  }
0x2b0: {  	s26 =	sor.u32 $0xAC20, s0;
	s1 =	sadd.s32 s2, s25  }
0x2b1: {  	[hbm4b:s1+s3] =	stream.linear.scatter [tilespmem:s26], [sflag:s21], $0x1000, $0x38;
	[tilespmem:$0x10C20] =	vst v63  }
0x2b2: {  	s30 =	sor.u32 $0xBC20, s0;
	s29 =	smov.u32 s31;
	s28 =	sadd.s32 s2, s11  }
0x2b3: {  	v4 =	vimm.s32 $0x0;
	v5 =	vlaneseq.u32;
	v6 =	vimm.f32 $0.0e+00;
	[hbm4b:s28+s3] =	stream.linear.scatter [tilespmem:s30], [sflag:s21], $0x1000, $0x38;
	[tilespmem:$0x10C20] =	vst v63  }
0x2b4: {  	s0 =	simm.s32 $0x5  }
0x2b5: {  	_ =	swait.ge [sflag:s0], $0x1000  }
0x2b6: {  	[sflag:s0] =	ssyncset.done $0x0  }
0x2b7: {  	[sflag:s0] =	ssyncadd.s32 $0xFFFFF000  }
0x2b8: {  	_ =	swait.ge [sflag:s0], $0x1000  }
0x2b9: {  	[sflag:s0] =	ssyncset.done $0x0  }
0x2ba: {  	[sflag:s0] =	ssyncadd.s32 $0xFFFFF000  }
0x2bb: {  	_ =	swait.ge [sflag:s0], $0x1000  }
0x2bc: {  	[sflag:s0] =	ssyncset.done $0x0  }
0x2bd: {  	[sflag:s0] =	ssyncadd.s32 $0xFFFFF000  }
0x2be: {  	_ =	swait.ge [sflag:s0], $0x1000  }
0x2bf: {  	[sflag:s0] =	ssyncset.done $0x0  }
0x2c0: {  	s1 =	simm.s32 $0x6;
	[sflag:s0] =	ssyncadd.s32 $0xFFFFF000  }
0x2c1: {  	_ =	swait.ge [sflag:s1], $0x1000  }
0x2c2: {  	[sflag:s1] =	ssyncset.done $0x0  }
0x2c3: {  	[sflag:s1] =	ssyncadd.s32 $0xFFFFF000  }
0x2c4: {  	_ =	swait.ge [sflag:s1], $0x1000  }
0x2c5: {  	[sflag:s1] =	ssyncset.done $0x0  }
0x2c6: {  	[sflag:s1] =	ssyncadd.s32 $0xFFFFF000  }
0x2c7: {  	_ =	swait.ge [sflag:s1], $0x1000  }
0x2c8: {  	[sflag:s1] =	ssyncset.done $0x0  }
0x2c9: {  	[sflag:s1] =	ssyncadd.s32 $0xFFFFF000  }
0x2ca: {  	_ =	swait.ge [sflag:s1], $0x1000  }
0x2cb: {  	s2 =	rddreg [dreg:$0xa]  }
0x2cc: {  	s31 =	rddreg [dreg:$0x9];
	s2 =	sadd.s32 $0x1, s2  }
0x2cd: {  	p0 =	sne.s32 s2, s31  }
.Ltmp10:
0x2ce: {  	_ = 	snop;
	(pc) =	sbr.rel @p0 .LBB2_1-.Ltmp10, $3  }
0x2cf: {  	_ =	sdelay $0x1  }
0x2d0: {  	[sflag:s1] =	ssyncset.done $0x0  }
0x2d1: {  	[sflag:s1] =	ssyncadd.s32 $0xFFFFF000  }
0x2d2: {  	_ =	sfence.sel $0x180000  }
0x2d3: {  	[bflag:$0x0] =	sbarrier.arrive $0xFFFF  }
0x2d4: {  	_ =	strace $0x90000047  }
0x2d5: {  	s0 =	stileid.u32;
	[bflag:$0x2] =	sbarrier.arrive $0xFFFF  }
0x2d6: {  	p0 =	sne.s32 s0, $0x0;
	s0 =	rddreg [dreg:$0x2]  }
0x2d7: {  	s0 =	sadd.s32 @!p0 $0x100000, s0  }
0x2d8: {  	[sflag:s0] =	ssyncadd.tile.s32 @!p0 $0x1;
	_ =	shalt  }
.Lfunc_end2:
_tile_overlayer_lowered:
.L_overlay_start_2:
0x2d9: {  	(tag) =	ssettag $0x2  }
0x2da: {  	s0 =	rddreg [dreg:$0x0];
	s2 =	stileid.u32  }
0x2db: {  	s1 =	rddreg [dreg:$0x1];
	p0 =	sne.s32 s2, $0x0  }
0x2dc: {  	s3 =	rddreg [dreg:$0x2];
	[bflag:$0x3] =	sbarrier.arrive $0xFFFF;
	s2 =	simm.s32 @!p0 $0x1C07  }
0x2dd: {  	[timem:s3], [sflag:s2] =	dma.local @!p0 [hbm:s0], s1  }
0x2de: {  	s0 =	simm.s32 @!p0 $0x7  }
0x2df: {  	_ =	swait.ge @!p0 [sflag:s0], s1  }
0x2e0: {  	s1 =	ssub.s32 @!p0 $0x0, s1;
	[sflag:s0] =	ssyncset.done @!p0 $0x0  }
0x2e1: {  	[sflag:s0] =	ssyncadd.s32 @!p0 s1  }
0x2e2: {  	[bflag:$0x3] =	sbarrier.arrive $0xFFFF  }
0x2e3: {  	_ =	shalt  }

</sc_bundles>
